<compile_context>
chip_gen: v7x
topology: tpu7x:2x2x1
jax: 0.10.2.dev20260603
libtpu: 0.0.44.dev20260713+nightly
codegen_flags: <defaults>
</compile_context>

<pallas_src>
import functools
import numpy as np
import jax
import jax.numpy as jnp
from jax import lax
from jax.experimental import pallas as pl
from jax.experimental.pallas import tpu as pltpu
from jax.experimental.pallas import tpu_sc as plsc

_N = 10000
_E = 320000
_D = 128
_A = 8
_R = 16
_H = 64
_NUM_NEIGHBORS = 32.0

_NW = 32
_CHUNK = 80
_NCH = 126
_EPW = _CHUNK * _NCH
_EPAD = _EPW * _NW
_NPAD = 10240
_NODES_PER_TILE = _NPAD // 16

_PERM = np.concatenate([
    np.concatenate([32 * t + 2 * np.arange(16),
                    32 * t + 2 * np.arange(16) + 1])
    for t in range(_D // 32)
])


def _node_fctp_body(x_ref, a_ref, wsc_ref, wl1_ref, nsc_ref, nf_ref):
    x = x_ref[...]
    a = a_ref[...]
    acc_sc = jnp.zeros_like(nsc_ref)
    acc_l1 = jnp.zeros_like(nf_ref)
    for j in range(_A):
        aj = a[:, j:j + 1]
        acc_sc += aj * jnp.dot(x, wsc_ref[j], preferred_element_type=jnp.float32)
        acc_l1 += aj * jnp.dot(x, wl1_ref[j], preferred_element_type=jnp.float32)
    scale = 1.0 / np.sqrt(_D * _A)
    nsc_ref[...] = acc_sc * scale
    nf_ref[...] = acc_l1 * scale


def _edge_mlp_body(emb_ref, ea_ref, w1_ref, w2_ref, ew_ref):
    h = jnp.dot(emb_ref[...], w1_ref[...], preferred_element_type=jnp.float32)
    h = jax.nn.silu(h * (1.0 / np.sqrt(_R)))
    w = jnp.dot(h, w2_ref[...], preferred_element_type=jnp.float32)
    be = ew_ref.shape[0]
    row0 = pl.program_id(0) * be
    in_range = (row0 + jax.lax.broadcasted_iota(jnp.int32, (be, 1), 0)) < _E
    w = jnp.where(in_range, w * (1.0 / np.sqrt(_H)) * ea_ref[...], 0.0)
    ew_ref[...] = w


def _sc_edge_body(nf_hbm, ew_hbm, idx_hbm, out_hbm,
                  ib0, ib1, ib2, rows0, rows1, ewv0, ewv1, agg,
                  is0, is1, is2, gs0, gs1, es0, es1, ss0, ss1):
    c = lax.axis_index("c")
    s = lax.axis_index("s")
    wid = c * 16 + s

    zvec = jnp.zeros((16,), jnp.float32)

    @pl.loop(0, _CHUNK)
    def _z(e):
        for t in range(_D // 16):
            rows0[e, pl.ds(t * 16, 16)] = zvec

    for u in range(_NODES_PER_TILE // _CHUNK):
        pltpu.sync_copy(
            rows0, agg.at[pl.ds(s * _NODES_PER_TILE + u * _CHUNK, _CHUNK)])
    plsc.subcore_barrier()

    ibufs = (ib0, ib1, ib2)
    isem = (is0, is1, is2)
    rows = (rows0, rows1)
    ewv = (ewv0, ewv1)
    gs = (gs0, gs1)
    es = (es0, es1)
    ss = (ss0, ss1)

    def ew_slice(q):
        off = pl.multiple_of((wid * _NCH + q) * _CHUNK, _CHUNK)
        return ew_hbm.at[pl.ds(off, _CHUNK)]

    def issue_ge(q, b, ib):
        pltpu.async_copy(nf_hbm.at[ibufs[ib].at[0]], rows[b], gs[b])
        pltpu.async_copy(ew_slice(q), ewv[b], es[b])

    pltpu.sync_copy(idx_hbm.at[wid, 0], ib0)
    pltpu.async_copy(idx_hbm.at[wid, 1], ib1, is1)
    issue_ge(0, 0, 0)

    @pl.loop(0, _NCH, step=6)
    def _six(k):
        for r in range(6):
            q = k + r
            b = r % 2
            nb = 1 - b
            ib_cur = r % 3
            ib_next = (r + 1) % 3
            ib_pf = (r + 2) % 3

            @pl.when(q + 1 < _NCH)
            def _pf():
                pltpu.make_async_copy(
                    idx_hbm.at[wid, q + 1], ibufs[ib_next], isem[ib_next]
                ).wait()

                @pl.when(q >= 1)
                def _w():
                    pltpu.make_async_copy(
                        rows[nb], agg.at[ibufs[ib_next].at[1]], ss[nb]).wait()
                issue_ge(q + 1, nb, ib_next)

            @pl.when(q + 2 < _NCH)
            def _pfi():
                pltpu.async_copy(idx_hbm.at[wid, q + 2], ibufs[ib_pf],
                                 isem[ib_pf])

            pltpu.make_async_copy(nf_hbm.at[ibufs[ib_cur].at[0]], rows[b],
                                  gs[b]).wait()
            pltpu.make_async_copy(ew_slice(q), ewv[b], es[b]).wait()

            @pl.loop(0, _CHUNK)
            def _row(e):
                for t in range(_D // 16):
                    sl = pl.ds(t * 16, 16)
                    rows[b][e, sl] = rows[b][e, sl] * ewv[b][e, sl]

            pltpu.async_copy(rows[b], agg.at[ibufs[ib_cur].at[1]], ss[b],
                             add=True)

    pltpu.make_async_copy(rows0, agg.at[ib0.at[1]], ss0).wait()
    pltpu.make_async_copy(rows1, agg.at[ib0.at[1]], ss1).wait()
    plsc.subcore_barrier()
    stripe = pl.ds(s * _NODES_PER_TILE, _NODES_PER_TILE)
    pltpu.sync_copy(agg.at[stripe], out_hbm.at[c, stripe])


def _sc_edge_pass(nf, ew, isrc_p, jdst_p):
    f32 = jnp.float32
    isrc_3d = isrc_p.reshape(_NW, _NCH, _CHUNK)
    jdst_3d = jdst_p.reshape(_NW, _NCH, _CHUNK)
    idx_4d = jnp.stack([isrc_3d, jdst_3d], axis=2)
    mesh = plsc.VectorSubcoreMesh(core_axis_name="c", subcore_axis_name="s",
                                  num_cores=2, num_subcores=16)
    return pl.kernel(
        _sc_edge_body,
        out_type=jax.ShapeDtypeStruct((2, _NPAD, _D), f32),
        mesh=mesh,
        scratch_types=[
            pltpu.VMEM((2, _CHUNK), jnp.int32),
            pltpu.VMEM((2, _CHUNK), jnp.int32),
            pltpu.VMEM((2, _CHUNK), jnp.int32),
            pltpu.VMEM((_CHUNK, _D), f32),
            pltpu.VMEM((_CHUNK, _D), f32),
            pltpu.VMEM((_CHUNK, _D), f32),
            pltpu.VMEM((_CHUNK, _D), f32),
            pltpu.VMEM_SHARED((_NPAD, _D), f32),
        ] + [pltpu.SemaphoreType.DMA] * 9,
    )(nf, ew, idx_4d)


def _final_body(p_ref, a_ref, nsc_ref, wl2_ref, wa_ref, out_ref):
    agg = (p_ref[0] + p_ref[1]) * (1.0 / np.sqrt(_NUM_NEIGHBORS))
    a = a_ref[...]
    acc = jnp.zeros_like(out_ref)
    for j in range(_A):
        acc += a[:, j:j + 1] * jnp.dot(agg, wl2_ref[j],
                                       preferred_element_type=jnp.float32)
    scale = 1.0 / np.sqrt(_D * _A)
    nco = acc * scale
    va = jnp.dot(agg, wa_ref[...], preferred_element_type=jnp.float32)
    alpha = jnp.sum(va * a, axis=1, keepdims=True) * scale
    out_ref[...] = nsc_ref[...] + alpha * nco


def kernel(x, node_attr, edge_index, edge_attr, edge_len_emb,
           W_sc, W_lin1, W_lin2, W_alpha, W_mlp1, W_mlp2):
    f32 = jnp.float32
    x = x.astype(f32)
    isrc = edge_index[0].astype(jnp.int32)
    jdst = edge_index[1].astype(jnp.int32)

    wsc_t = jnp.transpose(W_sc, (1, 0, 2))
    wl1_t = jnp.transpose(W_lin1, (1, 0, 2))
    wl2_t = jnp.transpose(W_lin2, (1, 0, 2))

    bn = 1000
    grid_n = _N // bn
    nsc, nf = pl.pallas_call(
        _node_fctp_body,
        grid=(grid_n,),
        in_specs=[
            pl.BlockSpec((bn, _D), lambda i: (i, 0)),
            pl.BlockSpec((bn, _A), lambda i: (i, 0)),
            pl.BlockSpec((_A, _D, _D), lambda i: (0, 0, 0)),
            pl.BlockSpec((_A, _D, _D), lambda i: (0, 0, 0)),
        ],
        out_specs=[
            pl.BlockSpec((bn, _D), lambda i: (i, 0)),
            pl.BlockSpec((bn, _D), lambda i: (i, 0)),
        ],
        out_shape=[
            jax.ShapeDtypeStruct((_N, _D), f32),
            jax.ShapeDtypeStruct((_NPAD, _D), f32),
        ],
    )(x, node_attr, wsc_t, wl1_t)

    isrc_p = jnp.pad(isrc, (0, _EPAD - _E))
    jdst_p = jnp.pad(jdst, (0, _EPAD - _E))

    be = 5120
    grid_e = _EPAD // be
    ew = pl.pallas_call(
        _edge_mlp_body,
        grid=(grid_e,),
        in_specs=[
            pl.BlockSpec((be, _R), lambda i: (i, 0)),
            pl.BlockSpec((be, 1), lambda i: (i, 0)),
            pl.BlockSpec((_R, _H), lambda i: (0, 0)),
            pl.BlockSpec((_H, _D), lambda i: (0, 0)),
        ],
        out_specs=pl.BlockSpec((be, _D), lambda i: (i, 0)),
        out_shape=jax.ShapeDtypeStruct((_EPAD, _D), f32),
    )(edge_len_emb.astype(f32), edge_attr.astype(f32),
      W_mlp1.astype(f32), W_mlp2.astype(f32))

    partials = _sc_edge_pass(nf, ew, isrc_p, jdst_p)

    wa_mat = W_alpha.reshape(_D, _A).astype(f32)
    out = pl.pallas_call(
        _final_body,
        grid=(grid_n,),
        in_specs=[
            pl.BlockSpec((2, bn, _D), lambda i: (0, i, 0)),
            pl.BlockSpec((bn, _A), lambda i: (i, 0)),
            pl.BlockSpec((bn, _D), lambda i: (i, 0)),
            pl.BlockSpec((_A, _D, _D), lambda i: (0, 0, 0)),
            pl.BlockSpec((_D, _A), lambda i: (0, 0)),
        ],
        out_specs=pl.BlockSpec((bn, _D), lambda i: (i, 0)),
        out_shape=jax.ShapeDtypeStruct((_N, _D), f32),
    )(partials, node_attr, nsc, wl2_t, wa_mat)
    return out

# --- scband reference (transcript-rebuilt; emitter-appended) ---
"""Pipeline reference for scband-interaction-16415365006061 (READ-ONLY COPY).

The authoritative reference and input builder live on the scoring server;
editing this copy changes nothing except your own understanding.
"""

import jax, jax.numpy as jnp
import numpy as np

N = 10000
E = 320000
D = 128   # mul of irreps_in/out (128x0e)
A = 8     # mul of irreps_node (8x0e)
R = 16    # radial_neurons[0] -> edge_len_emb dim
H = 64    # radial_neurons[1]
NUM_NEIGHBORS = 32.0


def setup_inputs(seed: int = 0) -> dict:
    key = jax.random.key(seed)
    ks = jax.random.split(key, 10)
    x = jax.random.normal(ks[0], (N, D), dtype=jnp.float32)
    node_attr = jax.random.normal(ks[1], (N, A), dtype=jnp.float32)
    edge_index = jax.random.randint(ks[2], (2, E), 0, N, dtype=jnp.int64)
    edge_attr = jax.random.normal(ks[3], (E, 1), dtype=jnp.float32)
    edge_len_emb = jax.random.normal(ks[4], (E, R), dtype=jnp.float32)
    # Fully-connected tensor-product weights (all irreps scalar 0e ->
    # the TP reduces to a bilinear map out_k = sum_ij w_ijk x_i y_j / sqrt(D*A)).
    W_sc = jax.random.normal(ks[5], (D, A, D), dtype=jnp.float32)
    W_lin1 = jax.random.normal(ks[6], (D, A, D), dtype=jnp.float32)
    W_lin2 = jax.random.normal(ks[7], (D, A, D), dtype=jnp.float32)
    # alpha TP weights are zero-initialized in the torch module
    W_alpha = jnp.zeros((D, A, 1), dtype=jnp.float32)
    # radial MLP: R -> H -> conv.weight_numel (= D for single uvu path with mul_edge=1)
    W_mlp1 = jax.random.normal(ks[8], (R, H), dtype=jnp.float32)
    W_mlp2 = jax.random.normal(ks[9], (H, D), dtype=jnp.float32)
    return {
        "x": x, "node_attr": node_attr, "edge_index": edge_index,
        "edge_attr": edge_attr, "edge_len_emb": edge_len_emb,
        "W_sc": W_sc, "W_lin1": W_lin1, "W_lin2": W_lin2,
        "W_alpha": W_alpha, "W_mlp1": W_mlp1, "W_mlp2": W_mlp2,
    }


def _fctp(xf, yf, W):
    # FullyConnectedTensorProduct for pure-scalar irreps with e3nn path norm
    fan_in = W.shape[0] * W.shape[1]
    return jnp.einsum('ni,nj,ijk->nk', xf, yf, W) / np.sqrt(fan_in)


def reference(x, node_attr, edge_index, edge_attr, edge_len_emb,
              W_sc, W_lin1, W_lin2, W_alpha, W_mlp1, W_mlp2):
    i = edge_index[0]
    j = edge_index[1]
    num_nodes = x.shape[0]

    node_self_connection = _fctp(x, node_attr, W_sc)
    node_features = _fctp(x, node_attr, W_lin1)

    # radial MLP (e3nn FullyConnectedNet style: normalized linear + silu, last layer linear)
    h = jax.nn.silu(edge_len_emb @ W_mlp1 / np.sqrt(R))
    conv_weight = h @ W_mlp2 / np.sqrt(H)   # [E, D]

    # uvu tensor product with scalar edge irreps: elementwise product per channel
    edge_features = node_features[i] * edge_attr * conv_weight  # [E, D]

    # scatter-add to destination nodes, degree normalization
    node_features = jax.ops.segment_sum(edge_features, j, num_segments=num_nodes)
    node_features = node_features / np.sqrt(NUM_NEIGHBORS)

    node_conv_out = _fctp(node_features, node_attr, W_lin2)
    alpha = _fctp(node_features, node_attr, W_alpha)  # [N, 1]

    # sc output_mask: all scalar outputs are producible -> ones
    m = jnp.ones((D,), dtype=x.dtype)
    alpha = 1.0 - m + alpha * m  # broadcast [N,1] * [D] -> [N, D]

    return node_self_connection + alpha * node_conv_out

if __name__ == "__main__":
    import jax
    _d = setup_inputs()
    print(jax.jit(kernel)(*tuple(_d.values())))

</pallas_src>

<mosaic_0001>
#map = affine_map<(d0, d1) -> (0, 0)>
#map1 = affine_map<(d0, d1) -> (0, 0, 0, 0)>
#map2 = affine_map<(d0, d1) -> (0, 0, 0)>
module attributes {stable_mosaic.version = 14 : i64} {
  func.func @_sc_edge_body(%arg0: i32, %arg1: i32, %arg2: memref<10240x128xf32, #tpu.memory_space<hbm>>, %arg3: memref<322560x128xf32, #tpu.memory_space<hbm>>, %arg4: memref<32x126x2x80xi32, #tpu.memory_space<hbm>>, %arg5: memref<2x10240x128xf32, #tpu.memory_space<hbm>>, %arg6: memref<2x80xi32, #tpu.memory_space<vmem>>, %arg7: memref<2x80xi32, #tpu.memory_space<vmem>>, %arg8: memref<2x80xi32, #tpu.memory_space<vmem>>, %arg9: memref<80x128xf32, #tpu.memory_space<vmem>>, %arg10: memref<80x128xf32, #tpu.memory_space<vmem>>, %arg11: memref<80x128xf32, #tpu.memory_space<vmem>>, %arg12: memref<80x128xf32, #tpu.memory_space<vmem>>, %arg13: memref<10240x128xf32, #tpu.memory_space<vmem_shared>>, %arg14: memref<!tpu.dma_semaphore, #tpu.memory_space<semaphore_mem>>, %arg15: memref<!tpu.dma_semaphore, #tpu.memory_space<semaphore_mem>>, %arg16: memref<!tpu.dma_semaphore, #tpu.memory_space<semaphore_mem>>, %arg17: memref<!tpu.dma_semaphore, #tpu.memory_space<semaphore_mem>>, %arg18: memref<!tpu.dma_semaphore, #tpu.memory_space<semaphore_mem>>, %arg19: memref<!tpu.dma_semaphore, #tpu.memory_space<semaphore_mem>>, %arg20: memref<!tpu.dma_semaphore, #tpu.memory_space<semaphore_mem>>, %arg21: memref<!tpu.dma_semaphore, #tpu.memory_space<semaphore_mem>>, %arg22: memref<!tpu.dma_semaphore, #tpu.memory_space<semaphore_mem>>) attributes {dimension_semantics = [#tpu.dimension_semantics<core_parallel>, #tpu.dimension_semantics<subcore_parallel>], iteration_bounds = array<i64: 2, 16>, scalar_prefetch = 0 : i64, scratch_operands = 17 : i64, tpu.core_type = #tpu.core_type<sc_vector_subcore>, window_params = [{transform_indices = #map}, {transform_indices = #map}, {transform_indices = #map1}, {transform_indices = #map2}]} {
    %mul3A = arith.constant 16 : i32
    %mul3A_0 = arith.muli %arg0, %mul3A : i32
    %add3A = arith.addi %mul3A_0, %arg1 : i32
    %broadcast_in_dim3A = arith.constant 0.000000e+00 : f32
    %broadcast_in_dim3A_1 = vector.broadcast %broadcast_in_dim3A : f32 to vector<16xf32>
    %scan3A = arith.constant 0 : i32
    %scan3A_2 = arith.constant 80 : i32
    %scan3A_3 = arith.addi %scan3A, %scan3A_2 : i32
    %scan3A_4 = arith.constant 1 : i32
    scf.for %scan3A_84 = %scan3A to %scan3A_3 step %scan3A_4  : i32 {
      %mul3A_85 = arith.constant 1 : i32
      %mul3A_86 = arith.muli %scan3A_84, %mul3A_85 : i32
      %add3A_87 = arith.constant 0 : i32
      %add3A_88 = arith.addi %add3A_87, %mul3A_86 : i32
      %swap3A = arith.index_cast %add3A_88 : i32 to index
      %swap3A_89 = arith.constant 0 : index
      %swap3A_90 = tpu.vector_load %arg9[%swap3A, %swap3A_89] {strides = array<i32>} : memref<80x128xf32, #tpu.memory_space<vmem>>, vector<1x16xf32>,
      %swap3A_91 = vector.shape_cast %swap3A_90 : vector<1x16xf32> to vector<16xf32>
      %swap3A_92 = vector.shape_cast %broadcast_in_dim3A_1 : vector<16xf32> to vector<1x16xf32>
      tpu.vector_store %arg9[%swap3A, %swap3A_89], %swap3A_92 {strides = array<i32>} : memref<80x128xf32, #tpu.memory_space<vmem>>, vector<1x16xf32>,
      %swap3A_93 = arith.index_cast %add3A_88 : i32 to index
      %swap3A_94 = arith.constant 16 : index
      %swap3A_95 = tpu.vector_load %arg9[%swap3A_93, %swap3A_94] {strides = array<i32>} : memref<80x128xf32, #tpu.memory_space<vmem>>, vector<1x16xf32>,
      %swap3A_96 = vector.shape_cast %swap3A_95 : vector<1x16xf32> to vector<16xf32>
      %swap3A_97 = vector.shape_cast %broadcast_in_dim3A_1 : vector<16xf32> to vector<1x16xf32>
      tpu.vector_store %arg9[%swap3A_93, %swap3A_94], %swap3A_97 {strides = array<i32>} : memref<80x128xf32, #tpu.memory_space<vmem>>, vector<1x16xf32>,
      %swap3A_98 = arith.index_cast %add3A_88 : i32 to index
      %swap3A_99 = arith.constant 32 : index
      %swap3A_100 = tpu.vector_load %arg9[%swap3A_98, %swap3A_99] {strides = array<i32>} : memref<80x128xf32, #tpu.memory_space<vmem>>, vector<1x16xf32>,
      %swap3A_101 = vector.shape_cast %swap3A_100 : vector<1x16xf32> to vector<16xf32>
      %swap3A_102 = vector.shape_cast %broadcast_in_dim3A_1 : vector<16xf32> to vector<1x16xf32>
      tpu.vector_store %arg9[%swap3A_98, %swap3A_99], %swap3A_102 {strides = array<i32>} : memref<80x128xf32, #tpu.memory_space<vmem>>, vector<1x16xf32>,
      %swap3A_103 = arith.index_cast %add3A_88 : i32 to index
      %swap3A_104 = arith.constant 48 : index
      %swap3A_105 = tpu.vector_load %arg9[%swap3A_103, %swap3A_104] {strides = array<i32>} : memref<80x128xf32, #tpu.memory_space<vmem>>, vector<1x16xf32>,
      %swap3A_106 = vector.shape_cast %swap3A_105 : vector<1x16xf32> to vector<16xf32>
      %swap3A_107 = vector.shape_cast %broadcast_in_dim3A_1 : vector<16xf32> to vector<1x16xf32>
      tpu.vector_store %arg9[%swap3A_103, %swap3A_104], %swap3A_107 {strides = array<i32>} : memref<80x128xf32, #tpu.memory_space<vmem>>, vector<1x16xf32>,
      %swap3A_108 = arith.index_cast %add3A_88 : i32 to index
      %swap3A_109 = arith.constant 64 : index
      %swap3A_110 = tpu.vector_load %arg9[%swap3A_108, %swap3A_109] {strides = array<i32>} : memref<80x128xf32, #tpu.memory_space<vmem>>, vector<1x16xf32>,
      %swap3A_111 = vector.shape_cast %swap3A_110 : vector<1x16xf32> to vector<16xf32>
      %swap3A_112 = vector.shape_cast %broadcast_in_dim3A_1 : vector<16xf32> to vector<1x16xf32>
      tpu.vector_store %arg9[%swap3A_108, %swap3A_109], %swap3A_112 {strides = array<i32>} : memref<80x128xf32, #tpu.memory_space<vmem>>, vector<1x16xf32>,
      %swap3A_113 = arith.index_cast %add3A_88 : i32 to index
      %swap3A_114 = arith.constant 80 : index
      %swap3A_115 = tpu.vector_load %arg9[%swap3A_113, %swap3A_114] {strides = array<i32>} : memref<80x128xf32, #tpu.memory_space<vmem>>, vector<1x16xf32>,
      %swap3A_116 = vector.shape_cast %swap3A_115 : vector<1x16xf32> to vector<16xf32>
      %swap3A_117 = vector.shape_cast %broadcast_in_dim3A_1 : vector<16xf32> to vector<1x16xf32>
      tpu.vector_store %arg9[%swap3A_113, %swap3A_114], %swap3A_117 {strides = array<i32>} : memref<80x128xf32, #tpu.memory_space<vmem>>, vector<1x16xf32>,
      %swap3A_118 = arith.index_cast %add3A_88 : i32 to index
      %swap3A_119 = arith.constant 96 : index
      %swap3A_120 = tpu.vector_load %arg9[%swap3A_118, %swap3A_119] {strides = array<i32>} : memref<80x128xf32, #tpu.memory_space<vmem>>, vector<1x16xf32>,
      %swap3A_121 = vector.shape_cast %swap3A_120 : vector<1x16xf32> to vector<16xf32>
      %swap3A_122 = vector.shape_cast %broadcast_in_dim3A_1 : vector<16xf32> to vector<1x16xf32>
      tpu.vector_store %arg9[%swap3A_118, %swap3A_119], %swap3A_122 {strides = array<i32>} : memref<80x128xf32, #tpu.memory_space<vmem>>, vector<1x16xf32>,
      %swap3A_123 = arith.index_cast %add3A_88 : i32 to index
      %swap3A_124 = arith.constant 112 : index
      %swap3A_125 = tpu.vector_load %arg9[%swap3A_123, %swap3A_124] {strides = array<i32>} : memref<80x128xf32, #tpu.memory_space<vmem>>, vector<1x16xf32>,
      %swap3A_126 = vector.shape_cast %swap3A_125 : vector<1x16xf32> to vector<16xf32>
      %swap3A_127 = vector.shape_cast %broadcast_in_dim3A_1 : vector<16xf32> to vector<1x16xf32>
      tpu.vector_store %arg9[%swap3A_123, %swap3A_124], %swap3A_127 {strides = array<i32>} : memref<80x128xf32, #tpu.memory_space<vmem>>, vector<1x16xf32>,
    }
    %scan3A_5 = arith.constant 80 : i32
    %mul3A_6 = arith.constant 640 : i32
    %mul3A_7 = arith.muli %arg1, %mul3A_6 : i32
    %add3A_8 = arith.constant 0 : i32
    %add3A_9 = arith.addi %mul3A_7, %add3A_8 : i32
    "tpu.region"() ({
      %run_scoped3A_84 = tpu.sem_alloc : memref<!tpu.dma_semaphore, #tpu.memory_space<semaphore_mem>>
      %dma_start3A_85 = arith.constant 0 : i32
      %dma_start3A_86 = tpu.memref_slice %arg13[%add3A_9, %dma_start3A_85] : memref<10240x128xf32, #tpu.memory_space<vmem_shared>> -> memref<80x128xf32, #tpu.memory_space<vmem_shared>>
      %dma_start3A_87 = arith.constant 0 : i32
      %dma_start3A_88 = tpu.memref_slice %arg13[%add3A_9, %dma_start3A_87] : memref<10240x128xf32, #tpu.memory_space<vmem_shared>> -> memref<80x128xf32, #tpu.memory_space<vmem_shared>>
      tpu.enqueue_dma source(%arg9 : memref<80x128xf32, #tpu.memory_space<vmem>>) target(%dma_start3A_88 : memref<80x128xf32, #tpu.memory_space<vmem_shared>>) target_semaphore(%run_scoped3A_84 : memref<!tpu.dma_semaphore, #tpu.memory_space<semaphore_mem>>)
      %dma_wait3A_89 = arith.constant 0 : i32
      %dma_wait3A_90 = tpu.memref_slice %arg13[%add3A_9, %dma_wait3A_89] : memref<10240x128xf32, #tpu.memory_space<vmem_shared>> -> memref<80x128xf32, #tpu.memory_space<vmem_shared>>
      %dma_wait3A_91 = arith.constant 0 : i32
      %dma_wait3A_92 = tpu.memref_slice %arg13[%add3A_9, %dma_wait3A_91] : memref<10240x128xf32, #tpu.memory_space<vmem_shared>> -> memref<80x128xf32, #tpu.memory_space<vmem_shared>>
      tpu.wait_dma2 semaphore(%run_scoped3A_84 : memref<!tpu.dma_semaphore, #tpu.memory_space<semaphore_mem>>) src(%arg9 : memref<80x128xf32, #tpu.memory_space<vmem>>) dst(%dma_wait3A_92 : memref<80x128xf32, #tpu.memory_space<vmem_shared>>)
      tpu.yield
    }) : () -> ()
    %mul3A_10 = arith.constant 640 : i32
    %mul3A_11 = arith.muli %arg1, %mul3A_10 : i32
    %add3A_12 = arith.constant 80 : i32
    %add3A_13 = arith.addi %mul3A_11, %add3A_12 : i32
    "tpu.region"() ({
      %run_scoped3A_84 = tpu.sem_alloc : memref<!tpu.dma_semaphore, #tpu.memory_space<semaphore_mem>>
      %dma_start3A_85 = arith.constant 0 : i32
      %dma_start3A_86 = tpu.memref_slice %arg13[%add3A_13, %dma_start3A_85] : memref<10240x128xf32, #tpu.memory_space<vmem_shared>> -> memref<80x128xf32, #tpu.memory_space<vmem_shared>>
      %dma_start3A_87 = arith.constant 0 : i32
      %dma_start3A_88 = tpu.memref_slice %arg13[%add3A_13, %dma_start3A_87] : memref<10240x128xf32, #tpu.memory_space<vmem_shared>> -> memref<80x128xf32, #tpu.memory_space<vmem_shared>>
      tpu.enqueue_dma source(%arg9 : memref<80x128xf32, #tpu.memory_space<vmem>>) target(%dma_start3A_88 : memref<80x128xf32, #tpu.memory_space<vmem_shared>>) target_semaphore(%run_scoped3A_84 : memref<!tpu.dma_semaphore, #tpu.memory_space<semaphore_mem>>)
      %dma_wait3A_89 = arith.constant 0 : i32
      %dma_wait3A_90 = tpu.memref_slice %arg13[%add3A_13, %dma_wait3A_89] : memref<10240x128xf32, #tpu.memory_space<vmem_shared>> -> memref<80x128xf32, #tpu.memory_space<vmem_shared>>
      %dma_wait3A_91 = arith.constant 0 : i32
      %dma_wait3A_92 = tpu.memref_slice %arg13[%add3A_13, %dma_wait3A_91] : memref<10240x128xf32, #tpu.memory_space<vmem_shared>> -> memref<80x128xf32, #tpu.memory_space<vmem_shared>>
      tpu.wait_dma2 semaphore(%run_scoped3A_84 : memref<!tpu.dma_semaphore, #tpu.memory_space<semaphore_mem>>) src(%arg9 : memref<80x128xf32, #tpu.memory_space<vmem>>) dst(%dma_wait3A_92 : memref<80x128xf32, #tpu.memory_space<vmem_shared>>)
      tpu.yield
    }) : () -> ()
    %mul3A_14 = arith.constant 640 : i32
    %mul3A_15 = arith.muli %arg1, %mul3A_14 : i32
    %add3A_16 = arith.constant 160 : i32
    %add3A_17 = arith.addi %mul3A_15, %add3A_16 : i32
    "tpu.region"() ({
      %run_scoped3A_84 = tpu.sem_alloc : memref<!tpu.dma_semaphore, #tpu.memory_space<semaphore_mem>>
      %dma_start3A_85 = arith.constant 0 : i32
      %dma_start3A_86 = tpu.memref_slice %arg13[%add3A_17, %dma_start3A_85] : memref<10240x128xf32, #tpu.memory_space<vmem_shared>> -> memref<80x128xf32, #tpu.memory_space<vmem_shared>>
      %dma_start3A_87 = arith.constant 0 : i32
      %dma_start3A_88 = tpu.memref_slice %arg13[%add3A_17, %dma_start3A_87] : memref<10240x128xf32, #tpu.memory_space<vmem_shared>> -> memref<80x128xf32, #tpu.memory_space<vmem_shared>>
      tpu.enqueue_dma source(%arg9 : memref<80x128xf32, #tpu.memory_space<vmem>>) target(%dma_start3A_88 : memref<80x128xf32, #tpu.memory_space<vmem_shared>>) target_semaphore(%run_scoped3A_84 : memref<!tpu.dma_semaphore, #tpu.memory_space<semaphore_mem>>)
      %dma_wait3A_89 = arith.constant 0 : i32
      %dma_wait3A_90 = tpu.memref_slice %arg13[%add3A_17, %dma_wait3A_89] : memref<10240x128xf32, #tpu.memory_space<vmem_shared>> -> memref<80x128xf32, #tpu.memory_space<vmem_shared>>
      %dma_wait3A_91 = arith.constant 0 : i32
      %dma_wait3A_92 = tpu.memref_slice %arg13[%add3A_17, %dma_wait3A_91] : memref<10240x128xf32, #tpu.memory_space<vmem_shared>> -> memref<80x128xf32, #tpu.memory_space<vmem_shared>>
      tpu.wait_dma2 semaphore(%run_scoped3A_84 : memref<!tpu.dma_semaphore, #tpu.memory_space<semaphore_mem>>) src(%arg9 : memref<80x128xf32, #tpu.memory_space<vmem>>) dst(%dma_wait3A_92 : memref<80x128xf32, #tpu.memory_space<vmem_shared>>)
      tpu.yield
    }) : () -> ()
    %mul3A_18 = arith.constant 640 : i32
    %mul3A_19 = arith.muli %arg1, %mul3A_18 : i32
    %add3A_20 = arith.constant 240 : i32
    %add3A_21 = arith.addi %mul3A_19, %add3A_20 : i32
    "tpu.region"() ({
      %run_scoped3A_84 = tpu.sem_alloc : memref<!tpu.dma_semaphore, #tpu.memory_space<semaphore_mem>>
      %dma_start3A_85 = arith.constant 0 : i32
      %dma_start3A_86 = tpu.memref_slice %arg13[%add3A_21, %dma_start3A_85] : memref<10240x128xf32, #tpu.memory_space<vmem_shared>> -> memref<80x128xf32, #tpu.memory_space<vmem_shared>>
      %dma_start3A_87 = arith.constant 0 : i32
      %dma_start3A_88 = tpu.memref_slice %arg13[%add3A_21, %dma_start3A_87] : memref<10240x128xf32, #tpu.memory_space<vmem_shared>> -> memref<80x128xf32, #tpu.memory_space<vmem_shared>>
      tpu.enqueue_dma source(%arg9 : memref<80x128xf32, #tpu.memory_space<vmem>>) target(%dma_start3A_88 : memref<80x128xf32, #tpu.memory_space<vmem_shared>>) target_semaphore(%run_scoped3A_84 : memref<!tpu.dma_semaphore, #tpu.memory_space<semaphore_mem>>)
      %dma_wait3A_89 = arith.constant 0 : i32
      %dma_wait3A_90 = tpu.memref_slice %arg13[%add3A_21, %dma_wait3A_89] : memref<10240x128xf32, #tpu.memory_space<vmem_shared>> -> memref<80x128xf32, #tpu.memory_space<vmem_shared>>
      %dma_wait3A_91 = arith.constant 0 : i32
      %dma_wait3A_92 = tpu.memref_slice %arg13[%add3A_21, %dma_wait3A_91] : memref<10240x128xf32, #tpu.memory_space<vmem_shared>> -> memref<80x128xf32, #tpu.memory_space<vmem_shared>>
      tpu.wait_dma2 semaphore(%run_scoped3A_84 : memref<!tpu.dma_semaphore, #tpu.memory_space<semaphore_mem>>) src(%arg9 : memref<80x128xf32, #tpu.memory_space<vmem>>) dst(%dma_wait3A_92 : memref<80x128xf32, #tpu.memory_space<vmem_shared>>)
      tpu.yield
    }) : () -> ()
    %mul3A_22 = arith.constant 640 : i32
    %mul3A_23 = arith.muli %arg1, %mul3A_22 : i32
    %add3A_24 = arith.constant 320 : i32
    %add3A_25 = arith.addi %mul3A_23, %add3A_24 : i32
    "tpu.region"() ({
      %run_scoped3A_84 = tpu.sem_alloc : memref<!tpu.dma_semaphore, #tpu.memory_space<semaphore_mem>>
      %dma_start3A_85 = arith.constant 0 : i32
      %dma_start3A_86 = tpu.memref_slice %arg13[%add3A_25, %dma_start3A_85] : memref<10240x128xf32, #tpu.memory_space<vmem_shared>> -> memref<80x128xf32, #tpu.memory_space<vmem_shared>>
      %dma_start3A_87 = arith.constant 0 : i32
      %dma_start3A_88 = tpu.memref_slice %arg13[%add3A_25, %dma_start3A_87] : memref<10240x128xf32, #tpu.memory_space<vmem_shared>> -> memref<80x128xf32, #tpu.memory_space<vmem_shared>>
      tpu.enqueue_dma source(%arg9 : memref<80x128xf32, #tpu.memory_space<vmem>>) target(%dma_start3A_88 : memref<80x128xf32, #tpu.memory_space<vmem_shared>>) target_semaphore(%run_scoped3A_84 : memref<!tpu.dma_semaphore, #tpu.memory_space<semaphore_mem>>)
      %dma_wait3A_89 = arith.constant 0 : i32
      %dma_wait3A_90 = tpu.memref_slice %arg13[%add3A_25, %dma_wait3A_89] : memref<10240x128xf32, #tpu.memory_space<vmem_shared>> -> memref<80x128xf32, #tpu.memory_space<vmem_shared>>
      %dma_wait3A_91 = arith.constant 0 : i32
      %dma_wait3A_92 = tpu.memref_slice %arg13[%add3A_25, %dma_wait3A_91] : memref<10240x128xf32, #tpu.memory_space<vmem_shared>> -> memref<80x128xf32, #tpu.memory_space<vmem_shared>>
      tpu.wait_dma2 semaphore(%run_scoped3A_84 : memref<!tpu.dma_semaphore, #tpu.memory_space<semaphore_mem>>) src(%arg9 : memref<80x128xf32, #tpu.memory_space<vmem>>) dst(%dma_wait3A_92 : memref<80x128xf32, #tpu.memory_space<vmem_shared>>)
      tpu.yield
    }) : () -> ()
    %mul3A_26 = arith.constant 640 : i32
    %mul3A_27 = arith.muli %arg1, %mul3A_26 : i32
    %add3A_28 = arith.constant 400 : i32
    %add3A_29 = arith.addi %mul3A_27, %add3A_28 : i32
    "tpu.region"() ({
      %run_scoped3A_84 = tpu.sem_alloc : memref<!tpu.dma_semaphore, #tpu.memory_space<semaphore_mem>>
      %dma_start3A_85 = arith.constant 0 : i32
      %dma_start3A_86 = tpu.memref_slice %arg13[%add3A_29, %dma_start3A_85] : memref<10240x128xf32, #tpu.memory_space<vmem_shared>> -> memref<80x128xf32, #tpu.memory_space<vmem_shared>>
      %dma_start3A_87 = arith.constant 0 : i32
      %dma_start3A_88 = tpu.memref_slice %arg13[%add3A_29, %dma_start3A_87] : memref<10240x128xf32, #tpu.memory_space<vmem_shared>> -> memref<80x128xf32, #tpu.memory_space<vmem_shared>>
      tpu.enqueue_dma source(%arg9 : memref<80x128xf32, #tpu.memory_space<vmem>>) target(%dma_start3A_88 : memref<80x128xf32, #tpu.memory_space<vmem_shared>>) target_semaphore(%run_scoped3A_84 : memref<!tpu.dma_semaphore, #tpu.memory_space<semaphore_mem>>)
      %dma_wait3A_89 = arith.constant 0 : i32
      %dma_wait3A_90 = tpu.memref_slice %arg13[%add3A_29, %dma_wait3A_89] : memref<10240x128xf32, #tpu.memory_space<vmem_shared>> -> memref<80x128xf32, #tpu.memory_space<vmem_shared>>
      %dma_wait3A_91 = arith.constant 0 : i32
      %dma_wait3A_92 = tpu.memref_slice %arg13[%add3A_29, %dma_wait3A_91] : memref<10240x128xf32, #tpu.memory_space<vmem_shared>> -> memref<80x128xf32, #tpu.memory_space<vmem_shared>>
      tpu.wait_dma2 semaphore(%run_scoped3A_84 : memref<!tpu.dma_semaphore, #tpu.memory_space<semaphore_mem>>) src(%arg9 : memref<80x128xf32, #tpu.memory_space<vmem>>) dst(%dma_wait3A_92 : memref<80x128xf32, #tpu.memory_space<vmem_shared>>)
      tpu.yield
    }) : () -> ()
    %mul3A_30 = arith.constant 640 : i32
    %mul3A_31 = arith.muli %arg1, %mul3A_30 : i32
    %add3A_32 = arith.constant 480 : i32
    %add3A_33 = arith.addi %mul3A_31, %add3A_32 : i32
    "tpu.region"() ({
      %run_scoped3A_84 = tpu.sem_alloc : memref<!tpu.dma_semaphore, #tpu.memory_space<semaphore_mem>>
      %dma_start3A_85 = arith.constant 0 : i32
      %dma_start3A_86 = tpu.memref_slice %arg13[%add3A_33, %dma_start3A_85] : memref<10240x128xf32, #tpu.memory_space<vmem_shared>> -> memref<80x128xf32, #tpu.memory_space<vmem_shared>>
      %dma_start3A_87 = arith.constant 0 : i32
      %dma_start3A_88 = tpu.memref_slice %arg13[%add3A_33, %dma_start3A_87] : memref<10240x128xf32, #tpu.memory_space<vmem_shared>> -> memref<80x128xf32, #tpu.memory_space<vmem_shared>>
      tpu.enqueue_dma source(%arg9 : memref<80x128xf32, #tpu.memory_space<vmem>>) target(%dma_start3A_88 : memref<80x128xf32, #tpu.memory_space<vmem_shared>>) target_semaphore(%run_scoped3A_84 : memref<!tpu.dma_semaphore, #tpu.memory_space<semaphore_mem>>)
      %dma_wait3A_89 = arith.constant 0 : i32
      %dma_wait3A_90 = tpu.memref_slice %arg13[%add3A_33, %dma_wait3A_89] : memref<10240x128xf32, #tpu.memory_space<vmem_shared>> -> memref<80x128xf32, #tpu.memory_space<vmem_shared>>
      %dma_wait3A_91 = arith.constant 0 : i32
      %dma_wait3A_92 = tpu.memref_slice %arg13[%add3A_33, %dma_wait3A_91] : memref<10240x128xf32, #tpu.memory_space<vmem_shared>> -> memref<80x128xf32, #tpu.memory_space<vmem_shared>>
      tpu.wait_dma2 semaphore(%run_scoped3A_84 : memref<!tpu.dma_semaphore, #tpu.memory_space<semaphore_mem>>) src(%arg9 : memref<80x128xf32, #tpu.memory_space<vmem>>) dst(%dma_wait3A_92 : memref<80x128xf32, #tpu.memory_space<vmem_shared>>)
      tpu.yield
    }) : () -> ()
    %mul3A_34 = arith.constant 640 : i32
    %mul3A_35 = arith.muli %arg1, %mul3A_34 : i32
    %add3A_36 = arith.constant 560 : i32
    %add3A_37 = arith.addi %mul3A_35, %add3A_36 : i32
    "tpu.region"() ({
      %run_scoped3A_84 = tpu.sem_alloc : memref<!tpu.dma_semaphore, #tpu.memory_space<semaphore_mem>>
      %dma_start3A_85 = arith.constant 0 : i32
      %dma_start3A_86 = tpu.memref_slice %arg13[%add3A_37, %dma_start3A_85] : memref<10240x128xf32, #tpu.memory_space<vmem_shared>> -> memref<80x128xf32, #tpu.memory_space<vmem_shared>>
      %dma_start3A_87 = arith.constant 0 : i32
      %dma_start3A_88 = tpu.memref_slice %arg13[%add3A_37, %dma_start3A_87] : memref<10240x128xf32, #tpu.memory_space<vmem_shared>> -> memref<80x128xf32, #tpu.memory_space<vmem_shared>>
      tpu.enqueue_dma source(%arg9 : memref<80x128xf32, #tpu.memory_space<vmem>>) target(%dma_start3A_88 : memref<80x128xf32, #tpu.memory_space<vmem_shared>>) target_semaphore(%run_scoped3A_84 : memref<!tpu.dma_semaphore, #tpu.memory_space<semaphore_mem>>)
      %dma_wait3A_89 = arith.constant 0 : i32
      %dma_wait3A_90 = tpu.memref_slice %arg13[%add3A_37, %dma_wait3A_89] : memref<10240x128xf32, #tpu.memory_space<vmem_shared>> -> memref<80x128xf32, #tpu.memory_space<vmem_shared>>
      %dma_wait3A_91 = arith.constant 0 : i32
      %dma_wait3A_92 = tpu.memref_slice %arg13[%add3A_37, %dma_wait3A_91] : memref<10240x128xf32, #tpu.memory_space<vmem_shared>> -> memref<80x128xf32, #tpu.memory_space<vmem_shared>>
      tpu.wait_dma2 semaphore(%run_scoped3A_84 : memref<!tpu.dma_semaphore, #tpu.memory_space<semaphore_mem>>) src(%arg9 : memref<80x128xf32, #tpu.memory_space<vmem>>) dst(%dma_wait3A_92 : memref<80x128xf32, #tpu.memory_space<vmem_shared>>)
      tpu.yield
    }) : () -> ()
    %barrier3A = arith.constant 0 : index
    tpu.barrier barrier_id(%barrier3A)
    %run_scoped3A = arith.constant 0 : i32
    "tpu.region"() ({
      %run_scoped3A_84 = tpu.sem_alloc : memref<!tpu.dma_semaphore, #tpu.memory_space<semaphore_mem>>
      %dma_start3A_85 = arith.constant 0 : i32
      %dma_start3A_86 = arith.constant 0 : i32
      %dma_start3A_87 = tpu.memref_slice %arg4[%add3A, %run_scoped3A, %dma_start3A_85, %dma_start3A_86] : memref<32x126x2x80xi32, #tpu.memory_space<hbm>> -> memref<1x1x2x80xi32, #tpu.memory_space<hbm>>
      %dma_start3A_88 = tpu.memref_squeeze %dma_start3A_87 : memref<1x1x2x80xi32, #tpu.memory_space<hbm>> -> memref<2x80xi32, #tpu.memory_space<hbm>>
      %dma_start3A_89 = arith.constant 0 : i32
      %dma_start3A_90 = arith.constant 0 : i32
      %dma_start3A_91 = tpu.memref_slice %arg4[%add3A, %run_scoped3A, %dma_start3A_89, %dma_start3A_90] : memref<32x126x2x80xi32, #tpu.memory_space<hbm>> -> memref<1x1x2x80xi32, #tpu.memory_space<hbm>>
      %dma_start3A_92 = tpu.memref_squeeze %dma_start3A_91 : memref<1x1x2x80xi32, #tpu.memory_space<hbm>> -> memref<2x80xi32, #tpu.memory_space<hbm>>
      tpu.enqueue_dma source(%dma_start3A_92 : memref<2x80xi32, #tpu.memory_space<hbm>>) target(%arg6 : memref<2x80xi32, #tpu.memory_space<vmem>>) target_semaphore(%run_scoped3A_84 : memref<!tpu.dma_semaphore, #tpu.memory_space<semaphore_mem>>)
      %dma_wait3A_93 = arith.constant 0 : i32
      %dma_wait3A_94 = arith.constant 0 : i32
      %dma_wait3A_95 = tpu.memref_slice %arg4[%add3A, %run_scoped3A, %dma_wait3A_93, %dma_wait3A_94] : memref<32x126x2x80xi32, #tpu.memory_space<hbm>> -> memref<1x1x2x80xi32, #tpu.memory_space<hbm>>
      %dma_wait3A_96 = tpu.memref_squeeze %dma_wait3A_95 : memref<1x1x2x80xi32, #tpu.memory_space<hbm>> -> memref<2x80xi32, #tpu.memory_space<hbm>>
      %dma_wait3A_97 = arith.constant 0 : i32
      %dma_wait3A_98 = arith.constant 0 : i32
      %dma_wait3A_99 = tpu.memref_slice %arg4[%add3A, %run_scoped3A, %dma_wait3A_97, %dma_wait3A_98] : memref<32x126x2x80xi32, #tpu.memory_space<hbm>> -> memref<1x1x2x80xi32, #tpu.memory_space<hbm>>
      %dma_wait3A_100 = tpu.memref_squeeze %dma_wait3A_99 : memref<1x1x2x80xi32, #tpu.memory_space<hbm>> -> memref<2x80xi32, #tpu.memory_space<hbm>>
      tpu.wait_dma2 semaphore(%run_scoped3A_84 : memref<!tpu.dma_semaphore, #tpu.memory_space<semaphore_mem>>) src(%dma_wait3A_100 : memref<2x80xi32, #tpu.memory_space<hbm>>) dst(%arg6 : memref<2x80xi32, #tpu.memory_space<vmem>>)
      tpu.yield
    }) : () -> ()
    %dma_start3A = arith.constant 1 : i32
    %dma_start3A_38 = arith.constant 0 : i32
    %dma_start3A_39 = arith.constant 0 : i32
    %dma_start3A_40 = tpu.memref_slice %arg4[%add3A, %dma_start3A, %dma_start3A_38, %dma_start3A_39] : memref<32x126x2x80xi32, #tpu.memory_space<hbm>> -> memref<1x1x2x80xi32, #tpu.memory_space<hbm>>
    %dma_start3A_41 = tpu.memref_squeeze %dma_start3A_40 : memref<1x1x2x80xi32, #tpu.memory_space<hbm>> -> memref<2x80xi32, #tpu.memory_space<hbm>>
    %dma_start3A_42 = arith.constant 0 : i32
    %dma_start3A_43 = arith.constant 0 : i32
    %dma_start3A_44 = tpu.memref_slice %arg4[%add3A, %dma_start3A, %dma_start3A_42, %dma_start3A_43] : memref<32x126x2x80xi32, #tpu.memory_space<hbm>> -> memref<1x1x2x80xi32, #tpu.memory_space<hbm>>
    %dma_start3A_45 = tpu.memref_squeeze %dma_start3A_44 : memref<1x1x2x80xi32, #tpu.memory_space<hbm>> -> memref<2x80xi32, #tpu.memory_space<hbm>>
    tpu.enqueue_dma source(%dma_start3A_45 : memref<2x80xi32, #tpu.memory_space<hbm>>) target(%arg7 : memref<2x80xi32, #tpu.memory_space<vmem>>) target_semaphore(%arg15 : memref<!tpu.dma_semaphore, #tpu.memory_space<semaphore_mem>>)
    %dma_start3A_46 = arith.constant 0 : i32
    %dma_start3A_47 = arith.constant 0 : i32
    %dma_start3A_48 = tpu.memref_slice %arg6[%dma_start3A_46, %dma_start3A_47] : memref<2x80xi32, #tpu.memory_space<vmem>> -> memref<1x80xi32, #tpu.memory_space<vmem>>
    %dma_start3A_49 = tpu.memref_squeeze %dma_start3A_48 : memref<1x80xi32, #tpu.memory_space<vmem>> -> memref<80xi32, #tpu.memory_space<vmem>>
    %dma_start3A_50 = arith.constant 0 : i32
    %dma_start3A_51 = arith.constant 0 : i32
    %dma_start3A_52 = tpu.memref_slice %arg2[%dma_start3A_50, %dma_start3A_51] : memref<10240x128xf32, #tpu.memory_space<hbm>> -> memref<10240x128xf32, #tpu.memory_space<hbm>>
    tpu.enqueue_indirect_dma source(%dma_start3A_52 : memref<10240x128xf32, #tpu.memory_space<hbm>>) target(%arg9 : memref<80x128xf32, #tpu.memory_space<vmem>>) offsets(%dma_start3A_49 : memref<80xi32, #tpu.memory_space<vmem>>) semaphore(%arg17 : memref<!tpu.dma_semaphore, #tpu.memory_space<semaphore_mem>>)
    %mul3A_53 = arith.constant 126 : i32
    %mul3A_54 = arith.muli %add3A, %mul3A_53 : i32
    %add3A_55 = arith.constant 0 : i32
    %add3A_56 = arith.addi %mul3A_54, %add3A_55 : i32
    %mul3A_57 = arith.constant 80 : i32
    %mul3A_58 = arith.muli %add3A_56, %mul3A_57 : i32
    %multiple_of3A = tpu.assume_multiple %mul3A_58, 80 : i32
    %dma_start3A_59 = arith.constant 0 : i32
    %dma_start3A_60 = tpu.memref_slice %arg3[%multiple_of3A, %dma_start3A_59] : memref<322560x128xf32, #tpu.memory_space<hbm>> -> memref<80x128xf32, #tpu.memory_space<hbm>>
    %dma_start3A_61 = arith.constant 0 : i32
    %dma_start3A_62 = tpu.memref_slice %arg3[%multiple_of3A, %dma_start3A_61] : memref<322560x128xf32, #tpu.memory_space<hbm>> -> memref<80x128xf32, #tpu.memory_space<hbm>>
    tpu.enqueue_dma source(%dma_start3A_62 : memref<80x128xf32, #tpu.memory_space<hbm>>) target(%arg11 : memref<80x128xf32, #tpu.memory_space<vmem>>) target_semaphore(%arg19 : memref<!tpu.dma_semaphore, #tpu.memory_space<semaphore_mem>>)
    %scan3A_63 = arith.constant 0 : i32
    %scan3A_64 = arith.constant 21 : i32
    %scan3A_65 = arith.addi %scan3A_63, %scan3A_64 : i32
    %scan3A_66 = arith.constant 1 : i32
    scf.for %scan3A_84 = %scan3A_63 to %scan3A_65 step %scan3A_66  : i32 {
      %mul3A_85 = arith.constant 6 : i32
      %mul3A_86 = arith.muli %scan3A_84, %mul3A_85 : i32
      %add3A_87 = arith.constant 0 : i32
      %add3A_88 = arith.addi %add3A_87, %mul3A_86 : i32
      %add3A_89 = arith.constant 0 : i32
      %add3A_90 = arith.addi %add3A_88, %add3A_89 : i32
      %add3A_91 = arith.constant 1 : i32
      %add3A_92 = arith.addi %add3A_90, %add3A_91 : i32
      %lt3A = arith.constant 126 : i32
      %lt3A_93 = arith.cmpi slt, %add3A_92, %lt3A : i32
      %convert_element_type3A = arith.extui %lt3A_93 : i1 to i32
      %cond3A = arith.constant 0 : i32
      %cond3A_94 = arith.cmpi ne, %convert_element_type3A, %cond3A : i32
      scf.if %cond3A_94 {
        %add3A_356 = arith.constant 1 : i32
        %add3A_357 = arith.addi %add3A_90, %add3A_356 : i32
        %dma_wait3A_358 = arith.constant 0 : i32
        %dma_wait3A_359 = arith.constant 0 : i32
        %dma_wait3A_360 = tpu.memref_slice %arg4[%add3A, %add3A_357, %dma_wait3A_358, %dma_wait3A_359] : memref<32x126x2x80xi32, #tpu.memory_space<hbm>> -> memref<1x1x2x80xi32, #tpu.memory_space<hbm>>
        %dma_wait3A_361 = tpu.memref_squeeze %dma_wait3A_360 : memref<1x1x2x80xi32, #tpu.memory_space<hbm>> -> memref<2x80xi32, #tpu.memory_space<hbm>>
        %dma_wait3A_362 = arith.constant 0 : i32
        %dma_wait3A_363 = arith.constant 0 : i32
        %dma_wait3A_364 = tpu.memref_slice %arg4[%add3A, %add3A_357, %dma_wait3A_362, %dma_wait3A_363] : memref<32x126x2x80xi32, #tpu.memory_space<hbm>> -> memref<1x1x2x80xi32, #tpu.memory_space<hbm>>
        %dma_wait3A_365 = tpu.memref_squeeze %dma_wait3A_364 : memref<1x1x2x80xi32, #tpu.memory_space<hbm>> -> memref<2x80xi32, #tpu.memory_space<hbm>>
        tpu.wait_dma2 semaphore(%arg15 : memref<!tpu.dma_semaphore, #tpu.memory_space<semaphore_mem>>) src(%dma_wait3A_365 : memref<2x80xi32, #tpu.memory_space<hbm>>) dst(%arg7 : memref<2x80xi32, #tpu.memory_space<vmem>>)
        %ge3A = arith.constant 1 : i32
        %ge3A_366 = arith.cmpi sge, %add3A_90, %ge3A : i32
        %convert_element_type3A_367 = arith.extui %ge3A_366 : i1 to i32
        %cond3A_368 = arith.constant 0 : i32
        %cond3A_369 = arith.cmpi ne, %convert_element_type3A_367, %cond3A_368 : i32
        scf.if %cond3A_369 {
          %dma_wait3A_389 = arith.constant 1 : i32
          %dma_wait3A_390 = arith.constant 0 : i32
          %dma_wait3A_391 = tpu.memref_slice %arg7[%dma_wait3A_389, %dma_wait3A_390] : memref<2x80xi32, #tpu.memory_space<vmem>> -> memref<1x80xi32, #tpu.memory_space<vmem>>
          %dma_wait3A_392 = tpu.memref_squeeze %dma_wait3A_391 : memref<1x80xi32, #tpu.memory_space<vmem>> -> memref<80xi32, #tpu.memory_space<vmem>>
          %dma_wait3A_393 = arith.constant 0 : i32
          %dma_wait3A_394 = arith.constant 0 : i32
          %dma_wait3A_395 = tpu.memref_slice %arg13[%dma_wait3A_393, %dma_wait3A_394] : memref<10240x128xf32, #tpu.memory_space<vmem_shared>> -> memref<10240x128xf32, #tpu.memory_space<vmem_shared>>
          tpu.wait_indirect_dma semaphore(%arg22 : memref<!tpu.dma_semaphore, #tpu.memory_space<semaphore_mem>>) src(%arg10 : memref<80x128xf32, #tpu.memory_space<vmem>>) dst(%dma_wait3A_395 : memref<10240x128xf32, #tpu.memory_space<vmem_shared>>)
        } else {
        }
        %add3A_370 = arith.constant 1 : i32
        %add3A_371 = arith.addi %add3A_90, %add3A_370 : i32
        %dma_start3A_372 = arith.constant 0 : i32
        %dma_start3A_373 = arith.constant 0 : i32
        %dma_start3A_374 = tpu.memref_slice %arg7[%dma_start3A_372, %dma_start3A_373] : memref<2x80xi32, #tpu.memory_space<vmem>> -> memref<1x80xi32, #tpu.memory_space<vmem>>
        %dma_start3A_375 = tpu.memref_squeeze %dma_start3A_374 : memref<1x80xi32, #tpu.memory_space<vmem>> -> memref<80xi32, #tpu.memory_space<vmem>>
        %dma_start3A_376 = arith.constant 0 : i32
        %dma_start3A_377 = arith.constant 0 : i32
        %dma_start3A_378 = tpu.memref_slice %arg2[%dma_start3A_376, %dma_start3A_377] : memref<10240x128xf32, #tpu.memory_space<hbm>> -> memref<10240x128xf32, #tpu.memory_space<hbm>>
        tpu.enqueue_indirect_dma source(%dma_start3A_378 : memref<10240x128xf32, #tpu.memory_space<hbm>>) target(%arg10 : memref<80x128xf32, #tpu.memory_space<vmem>>) offsets(%dma_start3A_375 : memref<80xi32, #tpu.memory_space<vmem>>) semaphore(%arg18 : memref<!tpu.dma_semaphore, #tpu.memory_space<semaphore_mem>>)
        %mul3A_379 = arith.constant 126 : i32
        %mul3A_380 = arith.muli %add3A, %mul3A_379 : i32
        %add3A_381 = arith.addi %mul3A_380, %add3A_371 : i32
        %mul3A_382 = arith.constant 80 : i32
        %mul3A_383 = arith.muli %add3A_381, %mul3A_382 : i32
        %multiple_of3A_384 = tpu.assume_multiple %mul3A_383, 80 : i32
        %dma_start3A_385 = arith.constant 0 : i32
        %dma_start3A_386 = tpu.memref_slice %arg3[%multiple_of3A_384, %dma_start3A_385] : memref<322560x128xf32, #tpu.memory_space<hbm>> -> memref<80x128xf32, #tpu.memory_space<hbm>>
        %dma_start3A_387 = arith.constant 0 : i32
        %dma_start3A_388 = tpu.memref_slice %arg3[%multiple_of3A_384, %dma_start3A_387] : memref<322560x128xf32, #tpu.memory_space<hbm>> -> memref<80x128xf32, #tpu.memory_space<hbm>>
        tpu.enqueue_dma source(%dma_start3A_388 : memref<80x128xf32, #tpu.memory_space<hbm>>) target(%arg12 : memref<80x128xf32, #tpu.memory_space<vmem>>) target_semaphore(%arg20 : memref<!tpu.dma_semaphore, #tpu.memory_space<semaphore_mem>>)
      } else {
      }
      %add3A_95 = arith.constant 2 : i32
      %add3A_96 = arith.addi %add3A_90, %add3A_95 : i32
      %lt3A_97 = arith.constant 126 : i32
      %lt3A_98 = arith.cmpi slt, %add3A_96, %lt3A_97 : i32
      %convert_element_type3A_99 = arith.extui %lt3A_98 : i1 to i32
      %cond3A_100 = arith.constant 0 : i32
      %cond3A_101 = arith.cmpi ne, %convert_element_type3A_99, %cond3A_100 : i32
      scf.if %cond3A_101 {
        %add3A_356 = arith.constant 2 : i32
        %add3A_357 = arith.addi %add3A_90, %add3A_356 : i32
        %dma_start3A_358 = arith.constant 0 : i32
        %dma_start3A_359 = arith.constant 0 : i32
        %dma_start3A_360 = tpu.memref_slice %arg4[%add3A, %add3A_357, %dma_start3A_358, %dma_start3A_359] : memref<32x126x2x80xi32, #tpu.memory_space<hbm>> -> memref<1x1x2x80xi32, #tpu.memory_space<hbm>>
        %dma_start3A_361 = tpu.memref_squeeze %dma_start3A_360 : memref<1x1x2x80xi32, #tpu.memory_space<hbm>> -> memref<2x80xi32, #tpu.memory_space<hbm>>
        %dma_start3A_362 = arith.constant 0 : i32
        %dma_start3A_363 = arith.constant 0 : i32
        %dma_start3A_364 = tpu.memref_slice %arg4[%add3A, %add3A_357, %dma_start3A_362, %dma_start3A_363] : memref<32x126x2x80xi32, #tpu.memory_space<hbm>> -> memref<1x1x2x80xi32, #tpu.memory_space<hbm>>
        %dma_start3A_365 = tpu.memref_squeeze %dma_start3A_364 : memref<1x1x2x80xi32, #tpu.memory_space<hbm>> -> memref<2x80xi32, #tpu.memory_space<hbm>>
        tpu.enqueue_dma source(%dma_start3A_365 : memref<2x80xi32, #tpu.memory_space<hbm>>) target(%arg8 : memref<2x80xi32, #tpu.memory_space<vmem>>) target_semaphore(%arg16 : memref<!tpu.dma_semaphore, #tpu.memory_space<semaphore_mem>>)
      } else {
      }
      %dma_wait3A_102 = arith.constant 0 : i32
      %dma_wait3A_103 = arith.constant 0 : i32
      %dma_wait3A_104 = tpu.memref_slice %arg6[%dma_wait3A_102, %dma_wait3A_103] : memref<2x80xi32, #tpu.memory_space<vmem>> -> memref<1x80xi32, #tpu.memory_space<vmem>>
      %dma_wait3A_105 = tpu.memref_squeeze %dma_wait3A_104 : memref<1x80xi32, #tpu.memory_space<vmem>> -> memref<80xi32, #tpu.memory_space<vmem>>
      %dma_wait3A_106 = arith.constant 0 : i32
      %dma_wait3A_107 = arith.constant 0 : i32
      %dma_wait3A_108 = tpu.memref_slice %arg2[%dma_wait3A_106, %dma_wait3A_107] : memref<10240x128xf32, #tpu.memory_space<hbm>> -> memref<10240x128xf32, #tpu.memory_space<hbm>>
      tpu.wait_indirect_dma semaphore(%arg17 : memref<!tpu.dma_semaphore, #tpu.memory_space<semaphore_mem>>) src(%dma_wait3A_108 : memref<10240x128xf32, #tpu.memory_space<hbm>>) dst(%arg9 : memref<80x128xf32, #tpu.memory_space<vmem>>)
      %mul3A_109 = arith.constant 126 : i32
      %mul3A_110 = arith.muli %add3A, %mul3A_109 : i32
      %add3A_111 = arith.addi %mul3A_110, %add3A_90 : i32
      %mul3A_112 = arith.constant 80 : i32
      %mul3A_113 = arith.muli %add3A_111, %mul3A_112 : i32
      %multiple_of3A_114 = tpu.assume_multiple %mul3A_113, 80 : i32
      %dma_wait3A_115 = arith.constant 0 : i32
      %dma_wait3A_116 = tpu.memref_slice %arg3[%multiple_of3A_114, %dma_wait3A_115] : memref<322560x128xf32, #tpu.memory_space<hbm>> -> memref<80x128xf32, #tpu.memory_space<hbm>>
      %dma_wait3A_117 = arith.constant 0 : i32
      %dma_wait3A_118 = tpu.memref_slice %arg3[%multiple_of3A_114, %dma_wait3A_117] : memref<322560x128xf32, #tpu.memory_space<hbm>> -> memref<80x128xf32, #tpu.memory_space<hbm>>
      tpu.wait_dma2 semaphore(%arg19 : memref<!tpu.dma_semaphore, #tpu.memory_space<semaphore_mem>>) src(%dma_wait3A_118 : memref<80x128xf32, #tpu.memory_space<hbm>>) dst(%arg11 : memref<80x128xf32, #tpu.memory_space<vmem>>)
      %scan3A_119 = arith.constant 0 : i32
      %scan3A_120 = arith.constant 80 : i32
      %scan3A_121 = arith.addi %scan3A_119, %scan3A_120 : i32
      %scan3A_122 = arith.constant 1 : i32
      scf.for %scan3A_356 = %scan3A_119 to %scan3A_121 step %scan3A_122  : i32 {
        %mul3A_357 = arith.constant 1 : i32
        %mul3A_358 = arith.muli %scan3A_356, %mul3A_357 : i32
        %add3A_359 = arith.constant 0 : i32
        %add3A_360 = arith.addi %add3A_359, %mul3A_358 : i32
        %get3A = arith.index_cast %add3A_360 : i32 to index
        %get3A_361 = arith.constant 0 : index
        %get3A_362 = tpu.vector_load %arg9[%get3A, %get3A_361] {strides = array<i32>} : memref<80x128xf32, #tpu.memory_space<vmem>>, vector<1x16xf32>,
        %get3A_363 = vector.shape_cast %get3A_362 : vector<1x16xf32> to vector<16xf32>
        %get3A_364 = arith.index_cast %add3A_360 : i32 to index
        %get3A_365 = arith.constant 0 : index
        %get3A_366 = tpu.vector_load %arg11[%get3A_364, %get3A_365] {strides = array<i32>} : memref<80x128xf32, #tpu.memory_space<vmem>>, vector<1x16xf32>,
        %get3A_367 = vector.shape_cast %get3A_366 : vector<1x16xf32> to vector<16xf32>
        %mul3A_368 = arith.mulf %get3A_363, %get3A_367 : vector<16xf32>
        %swap3A = arith.index_cast %add3A_360 : i32 to index
        %swap3A_369 = arith.constant 0 : index
        %swap3A_370 = tpu.vector_load %arg9[%swap3A, %swap3A_369] {strides = array<i32>} : memref<80x128xf32, #tpu.memory_space<vmem>>, vector<1x16xf32>,
        %swap3A_371 = vector.shape_cast %swap3A_370 : vector<1x16xf32> to vector<16xf32>
        %swap3A_372 = vector.shape_cast %mul3A_368 : vector<16xf32> to vector<1x16xf32>
        tpu.vector_store %arg9[%swap3A, %swap3A_369], %swap3A_372 {strides = array<i32>} : memref<80x128xf32, #tpu.memory_space<vmem>>, vector<1x16xf32>,
        %get3A_373 = arith.index_cast %add3A_360 : i32 to index
        %get3A_374 = arith.constant 16 : index
        %get3A_375 = tpu.vector_load %arg9[%get3A_373, %get3A_374] {strides = array<i32>} : memref<80x128xf32, #tpu.memory_space<vmem>>, vector<1x16xf32>,
        %get3A_376 = vector.shape_cast %get3A_375 : vector<1x16xf32> to vector<16xf32>
        %get3A_377 = arith.index_cast %add3A_360 : i32 to index
        %get3A_378 = arith.constant 16 : index
        %get3A_379 = tpu.vector_load %arg11[%get3A_377, %get3A_378] {strides = array<i32>} : memref<80x128xf32, #tpu.memory_space<vmem>>, vector<1x16xf32>,
        %get3A_380 = vector.shape_cast %get3A_379 : vector<1x16xf32> to vector<16xf32>
        %mul3A_381 = arith.mulf %get3A_376, %get3A_380 : vector<16xf32>
        %swap3A_382 = arith.index_cast %add3A_360 : i32 to index
        %swap3A_383 = arith.constant 16 : index
        %swap3A_384 = tpu.vector_load %arg9[%swap3A_382, %swap3A_383] {strides = array<i32>} : memref<80x128xf32, #tpu.memory_space<vmem>>, vector<1x16xf32>,
        %swap3A_385 = vector.shape_cast %swap3A_384 : vector<1x16xf32> to vector<16xf32>
        %swap3A_386 = vector.shape_cast %mul3A_381 : vector<16xf32> to vector<1x16xf32>
        tpu.vector_store %arg9[%swap3A_382, %swap3A_383], %swap3A_386 {strides = array<i32>} : memref<80x128xf32, #tpu.memory_space<vmem>>, vector<1x16xf32>,
        %get3A_387 = arith.index_cast %add3A_360 : i32 to index
        %get3A_388 = arith.constant 32 : index
        %get3A_389 = tpu.vector_load %arg9[%get3A_387, %get3A_388] {strides = array<i32>} : memref<80x128xf32, #tpu.memory_space<vmem>>, vector<1x16xf32>,
        %get3A_390 = vector.shape_cast %get3A_389 : vector<1x16xf32> to vector<16xf32>
        %get3A_391 = arith.index_cast %add3A_360 : i32 to index
        %get3A_392 = arith.constant 32 : index
        %get3A_393 = tpu.vector_load %arg11[%get3A_391, %get3A_392] {strides = array<i32>} : memref<80x128xf32, #tpu.memory_space<vmem>>, vector<1x16xf32>,
        %get3A_394 = vector.shape_cast %get3A_393 : vector<1x16xf32> to vector<16xf32>
        %mul3A_395 = arith.mulf %get3A_390, %get3A_394 : vector<16xf32>
        %swap3A_396 = arith.index_cast %add3A_360 : i32 to index
        %swap3A_397 = arith.constant 32 : index
        %swap3A_398 = tpu.vector_load %arg9[%swap3A_396, %swap3A_397] {strides = array<i32>} : memref<80x128xf32, #tpu.memory_space<vmem>>, vector<1x16xf32>,
        %swap3A_399 = vector.shape_cast %swap3A_398 : vector<1x16xf32> to vector<16xf32>
        %swap3A_400 = vector.shape_cast %mul3A_395 : vector<16xf32> to vector<1x16xf32>
        tpu.vector_store %arg9[%swap3A_396, %swap3A_397], %swap3A_400 {strides = array<i32>} : memref<80x128xf32, #tpu.memory_space<vmem>>, vector<1x16xf32>,
        %get3A_401 = arith.index_cast %add3A_360 : i32 to index
        %get3A_402 = arith.constant 48 : index
        %get3A_403 = tpu.vector_load %arg9[%get3A_401, %get3A_402] {strides = array<i32>} : memref<80x128xf32, #tpu.memory_space<vmem>>, vector<1x16xf32>,
        %get3A_404 = vector.shape_cast %get3A_403 : vector<1x16xf32> to vector<16xf32>
        %get3A_405 = arith.index_cast %add3A_360 : i32 to index
        %get3A_406 = arith.constant 48 : index
        %get3A_407 = tpu.vector_load %arg11[%get3A_405, %get3A_406] {strides = array<i32>} : memref<80x128xf32, #tpu.memory_space<vmem>>, vector<1x16xf32>,
        %get3A_408 = vector.shape_cast %get3A_407 : vector<1x16xf32> to vector<16xf32>
        %mul3A_409 = arith.mulf %get3A_404, %get3A_408 : vector<16xf32>
        %swap3A_410 = arith.index_cast %add3A_360 : i32 to index
        %swap3A_411 = arith.constant 48 : index
        %swap3A_412 = tpu.vector_load %arg9[%swap3A_410, %swap3A_411] {strides = array<i32>} : memref<80x128xf32, #tpu.memory_space<vmem>>, vector<1x16xf32>,
        %swap3A_413 = vector.shape_cast %swap3A_412 : vector<1x16xf32> to vector<16xf32>
        %swap3A_414 = vector.shape_cast %mul3A_409 : vector<16xf32> to vector<1x16xf32>
        tpu.vector_store %arg9[%swap3A_410, %swap3A_411], %swap3A_414 {strides = array<i32>} : memref<80x128xf32, #tpu.memory_space<vmem>>, vector<1x16xf32>,
        %get3A_415 = arith.index_cast %add3A_360 : i32 to index
        %get3A_416 = arith.constant 64 : index
        %get3A_417 = tpu.vector_load %arg9[%get3A_415, %get3A_416] {strides = array<i32>} : memref<80x128xf32, #tpu.memory_space<vmem>>, vector<1x16xf32>,
        %get3A_418 = vector.shape_cast %get3A_417 : vector<1x16xf32> to vector<16xf32>
        %get3A_419 = arith.index_cast %add3A_360 : i32 to index
        %get3A_420 = arith.constant 64 : index
        %get3A_421 = tpu.vector_load %arg11[%get3A_419, %get3A_420] {strides = array<i32>} : memref<80x128xf32, #tpu.memory_space<vmem>>, vector<1x16xf32>,
        %get3A_422 = vector.shape_cast %get3A_421 : vector<1x16xf32> to vector<16xf32>
        %mul3A_423 = arith.mulf %get3A_418, %get3A_422 : vector<16xf32>
        %swap3A_424 = arith.index_cast %add3A_360 : i32 to index
        %swap3A_425 = arith.constant 64 : index
        %swap3A_426 = tpu.vector_load %arg9[%swap3A_424, %swap3A_425] {strides = array<i32>} : memref<80x128xf32, #tpu.memory_space<vmem>>, vector<1x16xf32>,
        %swap3A_427 = vector.shape_cast %swap3A_426 : vector<1x16xf32> to vector<16xf32>
        %swap3A_428 = vector.shape_cast %mul3A_423 : vector<16xf32> to vector<1x16xf32>
        tpu.vector_store %arg9[%swap3A_424, %swap3A_425], %swap3A_428 {strides = array<i32>} : memref<80x128xf32, #tpu.memory_space<vmem>>, vector<1x16xf32>,
        %get3A_429 = arith.index_cast %add3A_360 : i32 to index
        %get3A_430 = arith.constant 80 : index
        %get3A_431 = tpu.vector_load %arg9[%get3A_429, %get3A_430] {strides = array<i32>} : memref<80x128xf32, #tpu.memory_space<vmem>>, vector<1x16xf32>,
        %get3A_432 = vector.shape_cast %get3A_431 : vector<1x16xf32> to vector<16xf32>
        %get3A_433 = arith.index_cast %add3A_360 : i32 to index
        %get3A_434 = arith.constant 80 : index
        %get3A_435 = tpu.vector_load %arg11[%get3A_433, %get3A_434] {strides = array<i32>} : memref<80x128xf32, #tpu.memory_space<vmem>>, vector<1x16xf32>,
        %get3A_436 = vector.shape_cast %get3A_435 : vector<1x16xf32> to vector<16xf32>
        %mul3A_437 = arith.mulf %get3A_432, %get3A_436 : vector<16xf32>
        %swap3A_438 = arith.index_cast %add3A_360 : i32 to index
        %swap3A_439 = arith.constant 80 : index
        %swap3A_440 = tpu.vector_load %arg9[%swap3A_438, %swap3A_439] {strides = array<i32>} : memref<80x128xf32, #tpu.memory_space<vmem>>, vector<1x16xf32>,
        %swap3A_441 = vector.shape_cast %swap3A_440 : vector<1x16xf32> to vector<16xf32>
        %swap3A_442 = vector.shape_cast %mul3A_437 : vector<16xf32> to vector<1x16xf32>
        tpu.vector_store %arg9[%swap3A_438, %swap3A_439], %swap3A_442 {strides = array<i32>} : memref<80x128xf32, #tpu.memory_space<vmem>>, vector<1x16xf32>,
        %get3A_443 = arith.index_cast %add3A_360 : i32 to index
        %get3A_444 = arith.constant 96 : index
        %get3A_445 = tpu.vector_load %arg9[%get3A_443, %get3A_444] {strides = array<i32>} : memref<80x128xf32, #tpu.memory_space<vmem>>, vector<1x16xf32>,
        %get3A_446 = vector.shape_cast %get3A_445 : vector<1x16xf32> to vector<16xf32>
        %get3A_447 = arith.index_cast %add3A_360 : i32 to index
        %get3A_448 = arith.constant 96 : index
        %get3A_449 = tpu.vector_load %arg11[%get3A_447, %get3A_448] {strides = array<i32>} : memref<80x128xf32, #tpu.memory_space<vmem>>, vector<1x16xf32>,
        %get3A_450 = vector.shape_cast %get3A_449 : vector<1x16xf32> to vector<16xf32>
        %mul3A_451 = arith.mulf %get3A_446, %get3A_450 : vector<16xf32>
        %swap3A_452 = arith.index_cast %add3A_360 : i32 to index
        %swap3A_453 = arith.constant 96 : index
        %swap3A_454 = tpu.vector_load %arg9[%swap3A_452, %swap3A_453] {strides = array<i32>} : memref<80x128xf32, #tpu.memory_space<vmem>>, vector<1x16xf32>,
        %swap3A_455 = vector.shape_cast %swap3A_454 : vector<1x16xf32> to vector<16xf32>
        %swap3A_456 = vector.shape_cast %mul3A_451 : vector<16xf32> to vector<1x16xf32>
        tpu.vector_store %arg9[%swap3A_452, %swap3A_453], %swap3A_456 {strides = array<i32>} : memref<80x128xf32, #tpu.memory_space<vmem>>, vector<1x16xf32>,
        %get3A_457 = arith.index_cast %add3A_360 : i32 to index
        %get3A_458 = arith.constant 112 : index
        %get3A_459 = tpu.vector_load %arg9[%get3A_457, %get3A_458] {strides = array<i32>} : memref<80x128xf32, #tpu.memory_space<vmem>>, vector<1x16xf32>,
        %get3A_460 = vector.shape_cast %get3A_459 : vector<1x16xf32> to vector<16xf32>
        %get3A_461 = arith.index_cast %add3A_360 : i32 to index
        %get3A_462 = arith.constant 112 : index
        %get3A_463 = tpu.vector_load %arg11[%get3A_461, %get3A_462] {strides = array<i32>} : memref<80x128xf32, #tpu.memory_space<vmem>>, vector<1x16xf32>,
        %get3A_464 = vector.shape_cast %get3A_463 : vector<1x16xf32> to vector<16xf32>
        %mul3A_465 = arith.mulf %get3A_460, %get3A_464 : vector<16xf32>
        %swap3A_466 = arith.index_cast %add3A_360 : i32 to index
        %swap3A_467 = arith.constant 112 : index
        %swap3A_468 = tpu.vector_load %arg9[%swap3A_466, %swap3A_467] {strides = array<i32>} : memref<80x128xf32, #tpu.memory_space<vmem>>, vector<1x16xf32>,
        %swap3A_469 = vector.shape_cast %swap3A_468 : vector<1x16xf32> to vector<16xf32>
        %swap3A_470 = vector.shape_cast %mul3A_465 : vector<16xf32> to vector<1x16xf32>
        tpu.vector_store %arg9[%swap3A_466, %swap3A_467], %swap3A_470 {strides = array<i32>} : memref<80x128xf32, #tpu.memory_space<vmem>>, vector<1x16xf32>,
      }
      %scan3A_123 = arith.constant 80 : i32
      %dma_start3A_124 = arith.constant 1 : i32
      %dma_start3A_125 = arith.constant 0 : i32
      %dma_start3A_126 = tpu.memref_slice %arg6[%dma_start3A_124, %dma_start3A_125] : memref<2x80xi32, #tpu.memory_space<vmem>> -> memref<1x80xi32, #tpu.memory_space<vmem>>
      %dma_start3A_127 = tpu.memref_squeeze %dma_start3A_126 : memref<1x80xi32, #tpu.memory_space<vmem>> -> memref<80xi32, #tpu.memory_space<vmem>>
      %dma_start3A_128 = arith.constant 0 : i32
      %dma_start3A_129 = arith.constant 0 : i32
      %dma_start3A_130 = tpu.memref_slice %arg13[%dma_start3A_128, %dma_start3A_129] : memref<10240x128xf32, #tpu.memory_space<vmem_shared>> -> memref<10240x128xf32, #tpu.memory_space<vmem_shared>>
      tpu.enqueue_indirect_dma source(%arg9 : memref<80x128xf32, #tpu.memory_space<vmem>>) target(%dma_start3A_130 : memref<10240x128xf32, #tpu.memory_space<vmem_shared>>) offsets(%dma_start3A_127 : memref<80xi32, #tpu.memory_space<vmem>>) semaphore(%arg21 : memref<!tpu.dma_semaphore, #tpu.memory_space<semaphore_mem>>) {add = true}
      %add3A_131 = arith.constant 1 : i32
      %add3A_132 = arith.addi %add3A_88, %add3A_131 : i32
      %add3A_133 = arith.constant 1 : i32
      %add3A_134 = arith.addi %add3A_132, %add3A_133 : i32
      %lt3A_135 = arith.constant 126 : i32
      %lt3A_136 = arith.cmpi slt, %add3A_134, %lt3A_135 : i32
      %convert_element_type3A_137 = arith.extui %lt3A_136 : i1 to i32
      %cond3A_138 = arith.constant 0 : i32
      %cond3A_139 = arith.cmpi ne, %convert_element_type3A_137, %cond3A_138 : i32
      scf.if %cond3A_139 {
        %add3A_356 = arith.constant 1 : i32
        %add3A_357 = arith.addi %add3A_132, %add3A_356 : i32
        %dma_wait3A_358 = arith.constant 0 : i32
        %dma_wait3A_359 = arith.constant 0 : i32
        %dma_wait3A_360 = tpu.memref_slice %arg4[%add3A, %add3A_357, %dma_wait3A_358, %dma_wait3A_359] : memref<32x126x2x80xi32, #tpu.memory_space<hbm>> -> memref<1x1x2x80xi32, #tpu.memory_space<hbm>>
        %dma_wait3A_361 = tpu.memref_squeeze %dma_wait3A_360 : memref<1x1x2x80xi32, #tpu.memory_space<hbm>> -> memref<2x80xi32, #tpu.memory_space<hbm>>
        %dma_wait3A_362 = arith.constant 0 : i32
        %dma_wait3A_363 = arith.constant 0 : i32
        %dma_wait3A_364 = tpu.memref_slice %arg4[%add3A, %add3A_357, %dma_wait3A_362, %dma_wait3A_363] : memref<32x126x2x80xi32, #tpu.memory_space<hbm>> -> memref<1x1x2x80xi32, #tpu.memory_space<hbm>>
        %dma_wait3A_365 = tpu.memref_squeeze %dma_wait3A_364 : memref<1x1x2x80xi32, #tpu.memory_space<hbm>> -> memref<2x80xi32, #tpu.memory_space<hbm>>
        tpu.wait_dma2 semaphore(%arg16 : memref<!tpu.dma_semaphore, #tpu.memory_space<semaphore_mem>>) src(%dma_wait3A_365 : memref<2x80xi32, #tpu.memory_space<hbm>>) dst(%arg8 : memref<2x80xi32, #tpu.memory_space<vmem>>)
        %ge3A = arith.constant 1 : i32
        %ge3A_366 = arith.cmpi sge, %add3A_132, %ge3A : i32
        %convert_element_type3A_367 = arith.extui %ge3A_366 : i1 to i32
        %cond3A_368 = arith.constant 0 : i32
        %cond3A_369 = arith.cmpi ne, %convert_element_type3A_367, %cond3A_368 : i32
        scf.if %cond3A_369 {
          %dma_wait3A_389 = arith.constant 1 : i32
          %dma_wait3A_390 = arith.constant 0 : i32
          %dma_wait3A_391 = tpu.memref_slice %arg8[%dma_wait3A_389, %dma_wait3A_390] : memref<2x80xi32, #tpu.memory_space<vmem>> -> memref<1x80xi32, #tpu.memory_space<vmem>>
          %dma_wait3A_392 = tpu.memref_squeeze %dma_wait3A_391 : memref<1x80xi32, #tpu.memory_space<vmem>> -> memref<80xi32, #tpu.memory_space<vmem>>
          %dma_wait3A_393 = arith.constant 0 : i32
          %dma_wait3A_394 = arith.constant 0 : i32
          %dma_wait3A_395 = tpu.memref_slice %arg13[%dma_wait3A_393, %dma_wait3A_394] : memref<10240x128xf32, #tpu.memory_space<vmem_shared>> -> memref<10240x128xf32, #tpu.memory_space<vmem_shared>>
          tpu.wait_indirect_dma semaphore(%arg21 : memref<!tpu.dma_semaphore, #tpu.memory_space<semaphore_mem>>) src(%arg9 : memref<80x128xf32, #tpu.memory_space<vmem>>) dst(%dma_wait3A_395 : memref<10240x128xf32, #tpu.memory_space<vmem_shared>>)
        } else {
        }
        %add3A_370 = arith.constant 1 : i32
        %add3A_371 = arith.addi %add3A_132, %add3A_370 : i32
        %dma_start3A_372 = arith.constant 0 : i32
        %dma_start3A_373 = arith.constant 0 : i32
        %dma_start3A_374 = tpu.memref_slice %arg8[%dma_start3A_372, %dma_start3A_373] : memref<2x80xi32, #tpu.memory_space<vmem>> -> memref<1x80xi32, #tpu.memory_space<vmem>>
        %dma_start3A_375 = tpu.memref_squeeze %dma_start3A_374 : memref<1x80xi32, #tpu.memory_space<vmem>> -> memref<80xi32, #tpu.memory_space<vmem>>
        %dma_start3A_376 = arith.constant 0 : i32
        %dma_start3A_377 = arith.constant 0 : i32
        %dma_start3A_378 = tpu.memref_slice %arg2[%dma_start3A_376, %dma_start3A_377] : memref<10240x128xf32, #tpu.memory_space<hbm>> -> memref<10240x128xf32, #tpu.memory_space<hbm>>
        tpu.enqueue_indirect_dma source(%dma_start3A_378 : memref<10240x128xf32, #tpu.memory_space<hbm>>) target(%arg9 : memref<80x128xf32, #tpu.memory_space<vmem>>) offsets(%dma_start3A_375 : memref<80xi32, #tpu.memory_space<vmem>>) semaphore(%arg17 : memref<!tpu.dma_semaphore, #tpu.memory_space<semaphore_mem>>)
        %mul3A_379 = arith.constant 126 : i32
        %mul3A_380 = arith.muli %add3A, %mul3A_379 : i32
        %add3A_381 = arith.addi %mul3A_380, %add3A_371 : i32
        %mul3A_382 = arith.constant 80 : i32
        %mul3A_383 = arith.muli %add3A_381, %mul3A_382 : i32
        %multiple_of3A_384 = tpu.assume_multiple %mul3A_383, 80 : i32
        %dma_start3A_385 = arith.constant 0 : i32
        %dma_start3A_386 = tpu.memref_slice %arg3[%multiple_of3A_384, %dma_start3A_385] : memref<322560x128xf32, #tpu.memory_space<hbm>> -> memref<80x128xf32, #tpu.memory_space<hbm>>
        %dma_start3A_387 = arith.constant 0 : i32
        %dma_start3A_388 = tpu.memref_slice %arg3[%multiple_of3A_384, %dma_start3A_387] : memref<322560x128xf32, #tpu.memory_space<hbm>> -> memref<80x128xf32, #tpu.memory_space<hbm>>
        tpu.enqueue_dma source(%dma_start3A_388 : memref<80x128xf32, #tpu.memory_space<hbm>>) target(%arg11 : memref<80x128xf32, #tpu.memory_space<vmem>>) target_semaphore(%arg19 : memref<!tpu.dma_semaphore, #tpu.memory_space<semaphore_mem>>)
      } else {
      }
      %add3A_140 = arith.constant 2 : i32
      %add3A_141 = arith.addi %add3A_132, %add3A_140 : i32
      %lt3A_142 = arith.constant 126 : i32
      %lt3A_143 = arith.cmpi slt, %add3A_141, %lt3A_142 : i32
      %convert_element_type3A_144 = arith.extui %lt3A_143 : i1 to i32
      %cond3A_145 = arith.constant 0 : i32
      %cond3A_146 = arith.cmpi ne, %convert_element_type3A_144, %cond3A_145 : i32
      scf.if %cond3A_146 {
        %add3A_356 = arith.constant 2 : i32
        %add3A_357 = arith.addi %add3A_132, %add3A_356 : i32
        %dma_start3A_358 = arith.constant 0 : i32
        %dma_start3A_359 = arith.constant 0 : i32
        %dma_start3A_360 = tpu.memref_slice %arg4[%add3A, %add3A_357, %dma_start3A_358, %dma_start3A_359] : memref<32x126x2x80xi32, #tpu.memory_space<hbm>> -> memref<1x1x2x80xi32, #tpu.memory_space<hbm>>
        %dma_start3A_361 = tpu.memref_squeeze %dma_start3A_360 : memref<1x1x2x80xi32, #tpu.memory_space<hbm>> -> memref<2x80xi32, #tpu.memory_space<hbm>>
        %dma_start3A_362 = arith.constant 0 : i32
        %dma_start3A_363 = arith.constant 0 : i32
        %dma_start3A_364 = tpu.memref_slice %arg4[%add3A, %add3A_357, %dma_start3A_362, %dma_start3A_363] : memref<32x126x2x80xi32, #tpu.memory_space<hbm>> -> memref<1x1x2x80xi32, #tpu.memory_space<hbm>>
        %dma_start3A_365 = tpu.memref_squeeze %dma_start3A_364 : memref<1x1x2x80xi32, #tpu.memory_space<hbm>> -> memref<2x80xi32, #tpu.memory_space<hbm>>
        tpu.enqueue_dma source(%dma_start3A_365 : memref<2x80xi32, #tpu.memory_space<hbm>>) target(%arg6 : memref<2x80xi32, #tpu.memory_space<vmem>>) target_semaphore(%arg14 : memref<!tpu.dma_semaphore, #tpu.memory_space<semaphore_mem>>)
      } else {
      }
      %dma_wait3A_147 = arith.constant 0 : i32
      %dma_wait3A_148 = arith.constant 0 : i32
      %dma_wait3A_149 = tpu.memref_slice %arg7[%dma_wait3A_147, %dma_wait3A_148] : memref<2x80xi32, #tpu.memory_space<vmem>> -> memref<1x80xi32, #tpu.memory_space<vmem>>
      %dma_wait3A_150 = tpu.memref_squeeze %dma_wait3A_149 : memref<1x80xi32, #tpu.memory_space<vmem>> -> memref<80xi32, #tpu.memory_space<vmem>>
      %dma_wait3A_151 = arith.constant 0 : i32
      %dma_wait3A_152 = arith.constant 0 : i32
      %dma_wait3A_153 = tpu.memref_slice %arg2[%dma_wait3A_151, %dma_wait3A_152] : memref<10240x128xf32, #tpu.memory_space<hbm>> -> memref<10240x128xf32, #tpu.memory_space<hbm>>
      tpu.wait_indirect_dma semaphore(%arg18 : memref<!tpu.dma_semaphore, #tpu.memory_space<semaphore_mem>>) src(%dma_wait3A_153 : memref<10240x128xf32, #tpu.memory_space<hbm>>) dst(%arg10 : memref<80x128xf32, #tpu.memory_space<vmem>>)
      %mul3A_154 = arith.constant 126 : i32
      %mul3A_155 = arith.muli %add3A, %mul3A_154 : i32
      %add3A_156 = arith.addi %mul3A_155, %add3A_132 : i32
      %mul3A_157 = arith.constant 80 : i32
      %mul3A_158 = arith.muli %add3A_156, %mul3A_157 : i32
      %multiple_of3A_159 = tpu.assume_multiple %mul3A_158, 80 : i32
      %dma_wait3A_160 = arith.constant 0 : i32
      %dma_wait3A_161 = tpu.memref_slice %arg3[%multiple_of3A_159, %dma_wait3A_160] : memref<322560x128xf32, #tpu.memory_space<hbm>> -> memref<80x128xf32, #tpu.memory_space<hbm>>
      %dma_wait3A_162 = arith.constant 0 : i32
      %dma_wait3A_163 = tpu.memref_slice %arg3[%multiple_of3A_159, %dma_wait3A_162] : memref<322560x128xf32, #tpu.memory_space<hbm>> -> memref<80x128xf32, #tpu.memory_space<hbm>>
      tpu.wait_dma2 semaphore(%arg20 : memref<!tpu.dma_semaphore, #tpu.memory_space<semaphore_mem>>) src(%dma_wait3A_163 : memref<80x128xf32, #tpu.memory_space<hbm>>) dst(%arg12 : memref<80x128xf32, #tpu.memory_space<vmem>>)
      %scan3A_164 = arith.constant 0 : i32
      %scan3A_165 = arith.constant 80 : i32
      %scan3A_166 = arith.addi %scan3A_164, %scan3A_165 : i32
      %scan3A_167 = arith.constant 1 : i32
      scf.for %scan3A_356 = %scan3A_164 to %scan3A_166 step %scan3A_167  : i32 {
        %mul3A_357 = arith.constant 1 : i32
        %mul3A_358 = arith.muli %scan3A_356, %mul3A_357 : i32
        %add3A_359 = arith.constant 0 : i32
        %add3A_360 = arith.addi %add3A_359, %mul3A_358 : i32
        %get3A = arith.index_cast %add3A_360 : i32 to index
        %get3A_361 = arith.constant 0 : index
        %get3A_362 = tpu.vector_load %arg10[%get3A, %get3A_361] {strides = array<i32>} : memref<80x128xf32, #tpu.memory_space<vmem>>, vector<1x16xf32>,
        %get3A_363 = vector.shape_cast %get3A_362 : vector<1x16xf32> to vector<16xf32>
        %get3A_364 = arith.index_cast %add3A_360 : i32 to index
        %get3A_365 = arith.constant 0 : index
        %get3A_366 = tpu.vector_load %arg12[%get3A_364, %get3A_365] {strides = array<i32>} : memref<80x128xf32, #tpu.memory_space<vmem>>, vector<1x16xf32>,
        %get3A_367 = vector.shape_cast %get3A_366 : vector<1x16xf32> to vector<16xf32>
        %mul3A_368 = arith.mulf %get3A_363, %get3A_367 : vector<16xf32>
        %swap3A = arith.index_cast %add3A_360 : i32 to index
        %swap3A_369 = arith.constant 0 : index
        %swap3A_370 = tpu.vector_load %arg10[%swap3A, %swap3A_369] {strides = array<i32>} : memref<80x128xf32, #tpu.memory_space<vmem>>, vector<1x16xf32>,
        %swap3A_371 = vector.shape_cast %swap3A_370 : vector<1x16xf32> to vector<16xf32>
        %swap3A_372 = vector.shape_cast %mul3A_368 : vector<16xf32> to vector<1x16xf32>
        tpu.vector_store %arg10[%swap3A, %swap3A_369], %swap3A_372 {strides = array<i32>} : memref<80x128xf32, #tpu.memory_space<vmem>>, vector<1x16xf32>,
        %get3A_373 = arith.index_cast %add3A_360 : i32 to index
        %get3A_374 = arith.constant 16 : index
        %get3A_375 = tpu.vector_load %arg10[%get3A_373, %get3A_374] {strides = array<i32>} : memref<80x128xf32, #tpu.memory_space<vmem>>, vector<1x16xf32>,
        %get3A_376 = vector.shape_cast %get3A_375 : vector<1x16xf32> to vector<16xf32>
        %get3A_377 = arith.index_cast %add3A_360 : i32 to index
        %get3A_378 = arith.constant 16 : index
        %get3A_379 = tpu.vector_load %arg12[%get3A_377, %get3A_378] {strides = array<i32>} : memref<80x128xf32, #tpu.memory_space<vmem>>, vector<1x16xf32>,
        %get3A_380 = vector.shape_cast %get3A_379 : vector<1x16xf32> to vector<16xf32>
        %mul3A_381 = arith.mulf %get3A_376, %get3A_380 : vector<16xf32>
        %swap3A_382 = arith.index_cast %add3A_360 : i32 to index
        %swap3A_383 = arith.constant 16 : index
        %swap3A_384 = tpu.vector_load %arg10[%swap3A_382, %swap3A_383] {strides = array<i32>} : memref<80x128xf32, #tpu.memory_space<vmem>>, vector<1x16xf32>,
        %swap3A_385 = vector.shape_cast %swap3A_384 : vector<1x16xf32> to vector<16xf32>
        %swap3A_386 = vector.shape_cast %mul3A_381 : vector<16xf32> to vector<1x16xf32>
        tpu.vector_store %arg10[%swap3A_382, %swap3A_383], %swap3A_386 {strides = array<i32>} : memref<80x128xf32, #tpu.memory_space<vmem>>, vector<1x16xf32>,
        %get3A_387 = arith.index_cast %add3A_360 : i32 to index
        %get3A_388 = arith.constant 32 : index
        %get3A_389 = tpu.vector_load %arg10[%get3A_387, %get3A_388] {strides = array<i32>} : memref<80x128xf32, #tpu.memory_space<vmem>>, vector<1x16xf32>,
        %get3A_390 = vector.shape_cast %get3A_389 : vector<1x16xf32> to vector<16xf32>
        %get3A_391 = arith.index_cast %add3A_360 : i32 to index
        %get3A_392 = arith.constant 32 : index
        %get3A_393 = tpu.vector_load %arg12[%get3A_391, %get3A_392] {strides = array<i32>} : memref<80x128xf32, #tpu.memory_space<vmem>>, vector<1x16xf32>,
        %get3A_394 = vector.shape_cast %get3A_393 : vector<1x16xf32> to vector<16xf32>
        %mul3A_395 = arith.mulf %get3A_390, %get3A_394 : vector<16xf32>
        %swap3A_396 = arith.index_cast %add3A_360 : i32 to index
        %swap3A_397 = arith.constant 32 : index
        %swap3A_398 = tpu.vector_load %arg10[%swap3A_396, %swap3A_397] {strides = array<i32>} : memref<80x128xf32, #tpu.memory_space<vmem>>, vector<1x16xf32>,
        %swap3A_399 = vector.shape_cast %swap3A_398 : vector<1x16xf32> to vector<16xf32>
        %swap3A_400 = vector.shape_cast %mul3A_395 : vector<16xf32> to vector<1x16xf32>
        tpu.vector_store %arg10[%swap3A_396, %swap3A_397], %swap3A_400 {strides = array<i32>} : memref<80x128xf32, #tpu.memory_space<vmem>>, vector<1x16xf32>,
        %get3A_401 = arith.index_cast %add3A_360 : i32 to index
        %get3A_402 = arith.constant 48 : index
        %get3A_403 = tpu.vector_load %arg10[%get3A_401, %get3A_402] {strides = array<i32>} : memref<80x128xf32, #tpu.memory_space<vmem>>, vector<1x16xf32>,
        %get3A_404 = vector.shape_cast %get3A_403 : vector<1x16xf32> to vector<16xf32>
        %get3A_405 = arith.index_cast %add3A_360 : i32 to index
        %get3A_406 = arith.constant 48 : index
        %get3A_407 = tpu.vector_load %arg12[%get3A_405, %get3A_406] {strides = array<i32>} : memref<80x128xf32, #tpu.memory_space<vmem>>, vector<1x16xf32>,
        %get3A_408 = vector.shape_cast %get3A_407 : vector<1x16xf32> to vector<16xf32>
        %mul3A_409 = arith.mulf %get3A_404, %get3A_408 : vector<16xf32>
        %swap3A_410 = arith.index_cast %add3A_360 : i32 to index
        %swap3A_411 = arith.constant 48 : index
        %swap3A_412 = tpu.vector_load %arg10[%swap3A_410, %swap3A_411] {strides = array<i32>} : memref<80x128xf32, #tpu.memory_space<vmem>>, vector<1x16xf32>,
        %swap3A_413 = vector.shape_cast %swap3A_412 : vector<1x16xf32> to vector<16xf32>
        %swap3A_414 = vector.shape_cast %mul3A_409 : vector<16xf32> to vector<1x16xf32>
        tpu.vector_store %arg10[%swap3A_410, %swap3A_411], %swap3A_414 {strides = array<i32>} : memref<80x128xf32, #tpu.memory_space<vmem>>, vector<1x16xf32>,
        %get3A_415 = arith.index_cast %add3A_360 : i32 to index
        %get3A_416 = arith.constant 64 : index
        %get3A_417 = tpu.vector_load %arg10[%get3A_415, %get3A_416] {strides = array<i32>} : memref<80x128xf32, #tpu.memory_space<vmem>>, vector<1x16xf32>,
        %get3A_418 = vector.shape_cast %get3A_417 : vector<1x16xf32> to vector<16xf32>
        %get3A_419 = arith.index_cast %add3A_360 : i32 to index
        %get3A_420 = arith.constant 64 : index
        %get3A_421 = tpu.vector_load %arg12[%get3A_419, %get3A_420] {strides = array<i32>} : memref<80x128xf32, #tpu.memory_space<vmem>>, vector<1x16xf32>,
        %get3A_422 = vector.shape_cast %get3A_421 : vector<1x16xf32> to vector<16xf32>
        %mul3A_423 = arith.mulf %get3A_418, %get3A_422 : vector<16xf32>
        %swap3A_424 = arith.index_cast %add3A_360 : i32 to index
        %swap3A_425 = arith.constant 64 : index
        %swap3A_426 = tpu.vector_load %arg10[%swap3A_424, %swap3A_425] {strides = array<i32>} : memref<80x128xf32, #tpu.memory_space<vmem>>, vector<1x16xf32>,
        %swap3A_427 = vector.shape_cast %swap3A_426 : vector<1x16xf32> to vector<16xf32>
        %swap3A_428 = vector.shape_cast %mul3A_423 : vector<16xf32> to vector<1x16xf32>
        tpu.vector_store %arg10[%swap3A_424, %swap3A_425], %swap3A_428 {strides = array<i32>} : memref<80x128xf32, #tpu.memory_space<vmem>>, vector<1x16xf32>,
        %get3A_429 = arith.index_cast %add3A_360 : i32 to index
        %get3A_430 = arith.constant 80 : index
        %get3A_431 = tpu.vector_load %arg10[%get3A_429, %get3A_430] {strides = array<i32>} : memref<80x128xf32, #tpu.memory_space<vmem>>, vector<1x16xf32>,
        %get3A_432 = vector.shape_cast %get3A_431 : vector<1x16xf32> to vector<16xf32>
        %get3A_433 = arith.index_cast %add3A_360 : i32 to index
        %get3A_434 = arith.constant 80 : index
        %get3A_435 = tpu.vector_load %arg12[%get3A_433, %get3A_434] {strides = array<i32>} : memref<80x128xf32, #tpu.memory_space<vmem>>, vector<1x16xf32>,
        %get3A_436 = vector.shape_cast %get3A_435 : vector<1x16xf32> to vector<16xf32>
        %mul3A_437 = arith.mulf %get3A_432, %get3A_436 : vector<16xf32>
        %swap3A_438 = arith.index_cast %add3A_360 : i32 to index
        %swap3A_439 = arith.constant 80 : index
        %swap3A_440 = tpu.vector_load %arg10[%swap3A_438, %swap3A_439] {strides = array<i32>} : memref<80x128xf32, #tpu.memory_space<vmem>>, vector<1x16xf32>,
        %swap3A_441 = vector.shape_cast %swap3A_440 : vector<1x16xf32> to vector<16xf32>
        %swap3A_442 = vector.shape_cast %mul3A_437 : vector<16xf32> to vector<1x16xf32>
        tpu.vector_store %arg10[%swap3A_438, %swap3A_439], %swap3A_442 {strides = array<i32>} : memref<80x128xf32, #tpu.memory_space<vmem>>, vector<1x16xf32>,
        %get3A_443 = arith.index_cast %add3A_360 : i32 to index
        %get3A_444 = arith.constant 96 : index
        %get3A_445 = tpu.vector_load %arg10[%get3A_443, %get3A_444] {strides = array<i32>} : memref<80x128xf32, #tpu.memory_space<vmem>>, vector<1x16xf32>,
        %get3A_446 = vector.shape_cast %get3A_445 : vector<1x16xf32> to vector<16xf32>
        %get3A_447 = arith.index_cast %add3A_360 : i32 to index
        %get3A_448 = arith.constant 96 : index
        %get3A_449 = tpu.vector_load %arg12[%get3A_447, %get3A_448] {strides = array<i32>} : memref<80x128xf32, #tpu.memory_space<vmem>>, vector<1x16xf32>,
        %get3A_450 = vector.shape_cast %get3A_449 : vector<1x16xf32> to vector<16xf32>
        %mul3A_451 = arith.mulf %get3A_446, %get3A_450 : vector<16xf32>
        %swap3A_452 = arith.index_cast %add3A_360 : i32 to index
        %swap3A_453 = arith.constant 96 : index
        %swap3A_454 = tpu.vector_load %arg10[%swap3A_452, %swap3A_453] {strides = array<i32>} : memref<80x128xf32, #tpu.memory_space<vmem>>, vector<1x16xf32>,
        %swap3A_455 = vector.shape_cast %swap3A_454 : vector<1x16xf32> to vector<16xf32>
        %swap3A_456 = vector.shape_cast %mul3A_451 : vector<16xf32> to vector<1x16xf32>
        tpu.vector_store %arg10[%swap3A_452, %swap3A_453], %swap3A_456 {strides = array<i32>} : memref<80x128xf32, #tpu.memory_space<vmem>>, vector<1x16xf32>,
        %get3A_457 = arith.index_cast %add3A_360 : i32 to index
        %get3A_458 = arith.constant 112 : index
        %get3A_459 = tpu.vector_load %arg10[%get3A_457, %get3A_458] {strides = array<i32>} : memref<80x128xf32, #tpu.memory_space<vmem>>, vector<1x16xf32>,
        %get3A_460 = vector.shape_cast %get3A_459 : vector<1x16xf32> to vector<16xf32>
        %get3A_461 = arith.index_cast %add3A_360 : i32 to index
        %get3A_462 = arith.constant 112 : index
        %get3A_463 = tpu.vector_load %arg12[%get3A_461, %get3A_462] {strides = array<i32>} : memref<80x128xf32, #tpu.memory_space<vmem>>, vector<1x16xf32>,
        %get3A_464 = vector.shape_cast %get3A_463 : vector<1x16xf32> to vector<16xf32>
        %mul3A_465 = arith.mulf %get3A_460, %get3A_464 : vector<16xf32>
        %swap3A_466 = arith.index_cast %add3A_360 : i32 to index
        %swap3A_467 = arith.constant 112 : index
        %swap3A_468 = tpu.vector_load %arg10[%swap3A_466, %swap3A_467] {strides = array<i32>} : memref<80x128xf32, #tpu.memory_space<vmem>>, vector<1x16xf32>,
        %swap3A_469 = vector.shape_cast %swap3A_468 : vector<1x16xf32> to vector<16xf32>
        %swap3A_470 = vector.shape_cast %mul3A_465 : vector<16xf32> to vector<1x16xf32>
        tpu.vector_store %arg10[%swap3A_466, %swap3A_467], %swap3A_470 {strides = array<i32>} : memref<80x128xf32, #tpu.memory_space<vmem>>, vector<1x16xf32>,
      }
      %scan3A_168 = arith.constant 80 : i32
      %dma_start3A_169 = arith.constant 1 : i32
      %dma_start3A_170 = arith.constant 0 : i32
      %dma_start3A_171 = tpu.memref_slice %arg7[%dma_start3A_169, %dma_start3A_170] : memref<2x80xi32, #tpu.memory_space<vmem>> -> memref<1x80xi32, #tpu.memory_space<vmem>>
      %dma_start3A_172 = tpu.memref_squeeze %dma_start3A_171 : memref<1x80xi32, #tpu.memory_space<vmem>> -> memref<80xi32, #tpu.memory_space<vmem>>
      %dma_start3A_173 = arith.constant 0 : i32
      %dma_start3A_174 = arith.constant 0 : i32
      %dma_start3A_175 = tpu.memref_slice %arg13[%dma_start3A_173, %dma_start3A_174] : memref<10240x128xf32, #tpu.memory_space<vmem_shared>> -> memref<10240x128xf32, #tpu.memory_space<vmem_shared>>
      tpu.enqueue_indirect_dma source(%arg10 : memref<80x128xf32, #tpu.memory_space<vmem>>) target(%dma_start3A_175 : memref<10240x128xf32, #tpu.memory_space<vmem_shared>>) offsets(%dma_start3A_172 : memref<80xi32, #tpu.memory_space<vmem>>) semaphore(%arg22 : memref<!tpu.dma_semaphore, #tpu.memory_space<semaphore_mem>>) {add = true}
      %add3A_176 = arith.constant 2 : i32
      %add3A_177 = arith.addi %add3A_88, %add3A_176 : i32
      %add3A_178 = arith.constant 1 : i32
      %add3A_179 = arith.addi %add3A_177, %add3A_178 : i32
      %lt3A_180 = arith.constant 126 : i32
      %lt3A_181 = arith.cmpi slt, %add3A_179, %lt3A_180 : i32
      %convert_element_type3A_182 = arith.extui %lt3A_181 : i1 to i32
      %cond3A_183 = arith.constant 0 : i32
      %cond3A_184 = arith.cmpi ne, %convert_element_type3A_182, %cond3A_183 : i32
      scf.if %cond3A_184 {
        %add3A_356 = arith.constant 1 : i32
        %add3A_357 = arith.addi %add3A_177, %add3A_356 : i32
        %dma_wait3A_358 = arith.constant 0 : i32
        %dma_wait3A_359 = arith.constant 0 : i32
        %dma_wait3A_360 = tpu.memref_slice %arg4[%add3A, %add3A_357, %dma_wait3A_358, %dma_wait3A_359] : memref<32x126x2x80xi32, #tpu.memory_space<hbm>> -> memref<1x1x2x80xi32, #tpu.memory_space<hbm>>
        %dma_wait3A_361 = tpu.memref_squeeze %dma_wait3A_360 : memref<1x1x2x80xi32, #tpu.memory_space<hbm>> -> memref<2x80xi32, #tpu.memory_space<hbm>>
        %dma_wait3A_362 = arith.constant 0 : i32
        %dma_wait3A_363 = arith.constant 0 : i32
        %dma_wait3A_364 = tpu.memref_slice %arg4[%add3A, %add3A_357, %dma_wait3A_362, %dma_wait3A_363] : memref<32x126x2x80xi32, #tpu.memory_space<hbm>> -> memref<1x1x2x80xi32, #tpu.memory_space<hbm>>
        %dma_wait3A_365 = tpu.memref_squeeze %dma_wait3A_364 : memref<1x1x2x80xi32, #tpu.memory_space<hbm>> -> memref<2x80xi32, #tpu.memory_space<hbm>>
        tpu.wait_dma2 semaphore(%arg14 : memref<!tpu.dma_semaphore, #tpu.memory_space<semaphore_mem>>) src(%dma_wait3A_365 : memref<2x80xi32, #tpu.memory_space<hbm>>) dst(%arg6 : memref<2x80xi32, #tpu.memory_space<vmem>>)
        %ge3A = arith.constant 1 : i32
        %ge3A_366 = arith.cmpi sge, %add3A_177, %ge3A : i32
        %convert_element_type3A_367 = arith.extui %ge3A_366 : i1 to i32
        %cond3A_368 = arith.constant 0 : i32
        %cond3A_369 = arith.cmpi ne, %convert_element_type3A_367, %cond3A_368 : i32
        scf.if %cond3A_369 {
          %dma_wait3A_389 = arith.constant 1 : i32
          %dma_wait3A_390 = arith.constant 0 : i32
          %dma_wait3A_391 = tpu.memref_slice %arg6[%dma_wait3A_389, %dma_wait3A_390] : memref<2x80xi32, #tpu.memory_space<vmem>> -> memref<1x80xi32, #tpu.memory_space<vmem>>
          %dma_wait3A_392 = tpu.memref_squeeze %dma_wait3A_391 : memref<1x80xi32, #tpu.memory_space<vmem>> -> memref<80xi32, #tpu.memory_space<vmem>>
          %dma_wait3A_393 = arith.constant 0 : i32
          %dma_wait3A_394 = arith.constant 0 : i32
          %dma_wait3A_395 = tpu.memref_slice %arg13[%dma_wait3A_393, %dma_wait3A_394] : memref<10240x128xf32, #tpu.memory_space<vmem_shared>> -> memref<10240x128xf32, #tpu.memory_space<vmem_shared>>
          tpu.wait_indirect_dma semaphore(%arg22 : memref<!tpu.dma_semaphore, #tpu.memory_space<semaphore_mem>>) src(%arg10 : memref<80x128xf32, #tpu.memory_space<vmem>>) dst(%dma_wait3A_395 : memref<10240x128xf32, #tpu.memory_space<vmem_shared>>)
        } else {
        }
        %add3A_370 = arith.constant 1 : i32
        %add3A_371 = arith.addi %add3A_177, %add3A_370 : i32
        %dma_start3A_372 = arith.constant 0 : i32
        %dma_start3A_373 = arith.constant 0 : i32
        %dma_start3A_374 = tpu.memref_slice %arg6[%dma_start3A_372, %dma_start3A_373] : memref<2x80xi32, #tpu.memory_space<vmem>> -> memref<1x80xi32, #tpu.memory_space<vmem>>
        %dma_start3A_375 = tpu.memref_squeeze %dma_start3A_374 : memref<1x80xi32, #tpu.memory_space<vmem>> -> memref<80xi32, #tpu.memory_space<vmem>>
        %dma_start3A_376 = arith.constant 0 : i32
        %dma_start3A_377 = arith.constant 0 : i32
        %dma_start3A_378 = tpu.memref_slice %arg2[%dma_start3A_376, %dma_start3A_377] : memref<10240x128xf32, #tpu.memory_space<hbm>> -> memref<10240x128xf32, #tpu.memory_space<hbm>>
        tpu.enqueue_indirect_dma source(%dma_start3A_378 : memref<10240x128xf32, #tpu.memory_space<hbm>>) target(%arg10 : memref<80x128xf32, #tpu.memory_space<vmem>>) offsets(%dma_start3A_375 : memref<80xi32, #tpu.memory_space<vmem>>) semaphore(%arg18 : memref<!tpu.dma_semaphore, #tpu.memory_space<semaphore_mem>>)
        %mul3A_379 = arith.constant 126 : i32
        %mul3A_380 = arith.muli %add3A, %mul3A_379 : i32
        %add3A_381 = arith.addi %mul3A_380, %add3A_371 : i32
        %mul3A_382 = arith.constant 80 : i32
        %mul3A_383 = arith.muli %add3A_381, %mul3A_382 : i32
        %multiple_of3A_384 = tpu.assume_multiple %mul3A_383, 80 : i32
        %dma_start3A_385 = arith.constant 0 : i32
        %dma_start3A_386 = tpu.memref_slice %arg3[%multiple_of3A_384, %dma_start3A_385] : memref<322560x128xf32, #tpu.memory_space<hbm>> -> memref<80x128xf32, #tpu.memory_space<hbm>>
        %dma_start3A_387 = arith.constant 0 : i32
        %dma_start3A_388 = tpu.memref_slice %arg3[%multiple_of3A_384, %dma_start3A_387] : memref<322560x128xf32, #tpu.memory_space<hbm>> -> memref<80x128xf32, #tpu.memory_space<hbm>>
        tpu.enqueue_dma source(%dma_start3A_388 : memref<80x128xf32, #tpu.memory_space<hbm>>) target(%arg12 : memref<80x128xf32, #tpu.memory_space<vmem>>) target_semaphore(%arg20 : memref<!tpu.dma_semaphore, #tpu.memory_space<semaphore_mem>>)
      } else {
      }
      %add3A_185 = arith.constant 2 : i32
      %add3A_186 = arith.addi %add3A_177, %add3A_185 : i32
      %lt3A_187 = arith.constant 126 : i32
      %lt3A_188 = arith.cmpi slt, %add3A_186, %lt3A_187 : i32
      %convert_element_type3A_189 = arith.extui %lt3A_188 : i1 to i32
      %cond3A_190 = arith.constant 0 : i32
      %cond3A_191 = arith.cmpi ne, %convert_element_type3A_189, %cond3A_190 : i32
      scf.if %cond3A_191 {
        %add3A_356 = arith.constant 2 : i32
        %add3A_357 = arith.addi %add3A_177, %add3A_356 : i32
        %dma_start3A_358 = arith.constant 0 : i32
        %dma_start3A_359 = arith.constant 0 : i32
        %dma_start3A_360 = tpu.memref_slice %arg4[%add3A, %add3A_357, %dma_start3A_358, %dma_start3A_359] : memref<32x126x2x80xi32, #tpu.memory_space<hbm>> -> memref<1x1x2x80xi32, #tpu.memory_space<hbm>>
        %dma_start3A_361 = tpu.memref_squeeze %dma_start3A_360 : memref<1x1x2x80xi32, #tpu.memory_space<hbm>> -> memref<2x80xi32, #tpu.memory_space<hbm>>
        %dma_start3A_362 = arith.constant 0 : i32
        %dma_start3A_363 = arith.constant 0 : i32
        %dma_start3A_364 = tpu.memref_slice %arg4[%add3A, %add3A_357, %dma_start3A_362, %dma_start3A_363] : memref<32x126x2x80xi32, #tpu.memory_space<hbm>> -> memref<1x1x2x80xi32, #tpu.memory_space<hbm>>
        %dma_start3A_365 = tpu.memref_squeeze %dma_start3A_364 : memref<1x1x2x80xi32, #tpu.memory_space<hbm>> -> memref<2x80xi32, #tpu.memory_space<hbm>>
        tpu.enqueue_dma source(%dma_start3A_365 : memref<2x80xi32, #tpu.memory_space<hbm>>) target(%arg7 : memref<2x80xi32, #tpu.memory_space<vmem>>) target_semaphore(%arg15 : memref<!tpu.dma_semaphore, #tpu.memory_space<semaphore_mem>>)
      } else {
      }
      %dma_wait3A_192 = arith.constant 0 : i32
      %dma_wait3A_193 = arith.constant 0 : i32
      %dma_wait3A_194 = tpu.memref_slice %arg8[%dma_wait3A_192, %dma_wait3A_193] : memref<2x80xi32, #tpu.memory_space<vmem>> -> memref<1x80xi32, #tpu.memory_space<vmem>>
      %dma_wait3A_195 = tpu.memref_squeeze %dma_wait3A_194 : memref<1x80xi32, #tpu.memory_space<vmem>> -> memref<80xi32, #tpu.memory_space<vmem>>
      %dma_wait3A_196 = arith.constant 0 : i32
      %dma_wait3A_197 = arith.constant 0 : i32
      %dma_wait3A_198 = tpu.memref_slice %arg2[%dma_wait3A_196, %dma_wait3A_197] : memref<10240x128xf32, #tpu.memory_space<hbm>> -> memref<10240x128xf32, #tpu.memory_space<hbm>>
      tpu.wait_indirect_dma semaphore(%arg17 : memref<!tpu.dma_semaphore, #tpu.memory_space<semaphore_mem>>) src(%dma_wait3A_198 : memref<10240x128xf32, #tpu.memory_space<hbm>>) dst(%arg9 : memref<80x128xf32, #tpu.memory_space<vmem>>)
      %mul3A_199 = arith.constant 126 : i32
      %mul3A_200 = arith.muli %add3A, %mul3A_199 : i32
      %add3A_201 = arith.addi %mul3A_200, %add3A_177 : i32
      %mul3A_202 = arith.constant 80 : i32
      %mul3A_203 = arith.muli %add3A_201, %mul3A_202 : i32
      %multiple_of3A_204 = tpu.assume_multiple %mul3A_203, 80 : i32
      %dma_wait3A_205 = arith.constant 0 : i32
      %dma_wait3A_206 = tpu.memref_slice %arg3[%multiple_of3A_204, %dma_wait3A_205] : memref<322560x128xf32, #tpu.memory_space<hbm>> -> memref<80x128xf32, #tpu.memory_space<hbm>>
      %dma_wait3A_207 = arith.constant 0 : i32
      %dma_wait3A_208 = tpu.memref_slice %arg3[%multiple_of3A_204, %dma_wait3A_207] : memref<322560x128xf32, #tpu.memory_space<hbm>> -> memref<80x128xf32, #tpu.memory_space<hbm>>
      tpu.wait_dma2 semaphore(%arg19 : memref<!tpu.dma_semaphore, #tpu.memory_space<semaphore_mem>>) src(%dma_wait3A_208 : memref<80x128xf32, #tpu.memory_space<hbm>>) dst(%arg11 : memref<80x128xf32, #tpu.memory_space<vmem>>)
      %scan3A_209 = arith.constant 0 : i32
      %scan3A_210 = arith.constant 80 : i32
      %scan3A_211 = arith.addi %scan3A_209, %scan3A_210 : i32
      %scan3A_212 = arith.constant 1 : i32
      scf.for %scan3A_356 = %scan3A_209 to %scan3A_211 step %scan3A_212  : i32 {
        %mul3A_357 = arith.constant 1 : i32
        %mul3A_358 = arith.muli %scan3A_356, %mul3A_357 : i32
        %add3A_359 = arith.constant 0 : i32
        %add3A_360 = arith.addi %add3A_359, %mul3A_358 : i32
        %get3A = arith.index_cast %add3A_360 : i32 to index
        %get3A_361 = arith.constant 0 : index
        %get3A_362 = tpu.vector_load %arg9[%get3A, %get3A_361] {strides = array<i32>} : memref<80x128xf32, #tpu.memory_space<vmem>>, vector<1x16xf32>,
        %get3A_363 = vector.shape_cast %get3A_362 : vector<1x16xf32> to vector<16xf32>
        %get3A_364 = arith.index_cast %add3A_360 : i32 to index
        %get3A_365 = arith.constant 0 : index
        %get3A_366 = tpu.vector_load %arg11[%get3A_364, %get3A_365] {strides = array<i32>} : memref<80x128xf32, #tpu.memory_space<vmem>>, vector<1x16xf32>,
        %get3A_367 = vector.shape_cast %get3A_366 : vector<1x16xf32> to vector<16xf32>
        %mul3A_368 = arith.mulf %get3A_363, %get3A_367 : vector<16xf32>
        %swap3A = arith.index_cast %add3A_360 : i32 to index
        %swap3A_369 = arith.constant 0 : index
        %swap3A_370 = tpu.vector_load %arg9[%swap3A, %swap3A_369] {strides = array<i32>} : memref<80x128xf32, #tpu.memory_space<vmem>>, vector<1x16xf32>,
        %swap3A_371 = vector.shape_cast %swap3A_370 : vector<1x16xf32> to vector<16xf32>
        %swap3A_372 = vector.shape_cast %mul3A_368 : vector<16xf32> to vector<1x16xf32>
        tpu.vector_store %arg9[%swap3A, %swap3A_369], %swap3A_372 {strides = array<i32>} : memref<80x128xf32, #tpu.memory_space<vmem>>, vector<1x16xf32>,
        %get3A_373 = arith.index_cast %add3A_360 : i32 to index
        %get3A_374 = arith.constant 16 : index
        %get3A_375 = tpu.vector_load %arg9[%get3A_373, %get3A_374] {strides = array<i32>} : memref<80x128xf32, #tpu.memory_space<vmem>>, vector<1x16xf32>,
        %get3A_376 = vector.shape_cast %get3A_375 : vector<1x16xf32> to vector<16xf32>
        %get3A_377 = arith.index_cast %add3A_360 : i32 to index
        %get3A_378 = arith.constant 16 : index
        %get3A_379 = tpu.vector_load %arg11[%get3A_377, %get3A_378] {strides = array<i32>} : memref<80x128xf32, #tpu.memory_space<vmem>>, vector<1x16xf32>,
        %get3A_380 = vector.shape_cast %get3A_379 : vector<1x16xf32> to vector<16xf32>
        %mul3A_381 = arith.mulf %get3A_376, %get3A_380 : vector<16xf32>
        %swap3A_382 = arith.index_cast %add3A_360 : i32 to index
        %swap3A_383 = arith.constant 16 : index
        %swap3A_384 = tpu.vector_load %arg9[%swap3A_382, %swap3A_383] {strides = array<i32>} : memref<80x128xf32, #tpu.memory_space<vmem>>, vector<1x16xf32>,
        %swap3A_385 = vector.shape_cast %swap3A_384 : vector<1x16xf32> to vector<16xf32>
        %swap3A_386 = vector.shape_cast %mul3A_381 : vector<16xf32> to vector<1x16xf32>
        tpu.vector_store %arg9[%swap3A_382, %swap3A_383], %swap3A_386 {strides = array<i32>} : memref<80x128xf32, #tpu.memory_space<vmem>>, vector<1x16xf32>,
        %get3A_387 = arith.index_cast %add3A_360 : i32 to index
        %get3A_388 = arith.constant 32 : index
        %get3A_389 = tpu.vector_load %arg9[%get3A_387, %get3A_388] {strides = array<i32>} : memref<80x128xf32, #tpu.memory_space<vmem>>, vector<1x16xf32>,
        %get3A_390 = vector.shape_cast %get3A_389 : vector<1x16xf32> to vector<16xf32>
        %get3A_391 = arith.index_cast %add3A_360 : i32 to index
        %get3A_392 = arith.constant 32 : index
        %get3A_393 = tpu.vector_load %arg11[%get3A_391, %get3A_392] {strides = array<i32>} : memref<80x128xf32, #tpu.memory_space<vmem>>, vector<1x16xf32>,
        %get3A_394 = vector.shape_cast %get3A_393 : vector<1x16xf32> to vector<16xf32>
        %mul3A_395 = arith.mulf %get3A_390, %get3A_394 : vector<16xf32>
        %swap3A_396 = arith.index_cast %add3A_360 : i32 to index
        %swap3A_397 = arith.constant 32 : index
        %swap3A_398 = tpu.vector_load %arg9[%swap3A_396, %swap3A_397] {strides = array<i32>} : memref<80x128xf32, #tpu.memory_space<vmem>>, vector<1x16xf32>,
        %swap3A_399 = vector.shape_cast %swap3A_398 : vector<1x16xf32> to vector<16xf32>
        %swap3A_400 = vector.shape_cast %mul3A_395 : vector<16xf32> to vector<1x16xf32>
        tpu.vector_store %arg9[%swap3A_396, %swap3A_397], %swap3A_400 {strides = array<i32>} : memref<80x128xf32, #tpu.memory_space<vmem>>, vector<1x16xf32>,
        %get3A_401 = arith.index_cast %add3A_360 : i32 to index
        %get3A_402 = arith.constant 48 : index
        %get3A_403 = tpu.vector_load %arg9[%get3A_401, %get3A_402] {strides = array<i32>} : memref<80x128xf32, #tpu.memory_space<vmem>>, vector<1x16xf32>,
        %get3A_404 = vector.shape_cast %get3A_403 : vector<1x16xf32> to vector<16xf32>
        %get3A_405 = arith.index_cast %add3A_360 : i32 to index
        %get3A_406 = arith.constant 48 : index
        %get3A_407 = tpu.vector_load %arg11[%get3A_405, %get3A_406] {strides = array<i32>} : memref<80x128xf32, #tpu.memory_space<vmem>>, vector<1x16xf32>,
        %get3A_408 = vector.shape_cast %get3A_407 : vector<1x16xf32> to vector<16xf32>
        %mul3A_409 = arith.mulf %get3A_404, %get3A_408 : vector<16xf32>
        %swap3A_410 = arith.index_cast %add3A_360 : i32 to index
        %swap3A_411 = arith.constant 48 : index
        %swap3A_412 = tpu.vector_load %arg9[%swap3A_410, %swap3A_411] {strides = array<i32>} : memref<80x128xf32, #tpu.memory_space<vmem>>, vector<1x16xf32>,
        %swap3A_413 = vector.shape_cast %swap3A_412 : vector<1x16xf32> to vector<16xf32>
        %swap3A_414 = vector.shape_cast %mul3A_409 : vector<16xf32> to vector<1x16xf32>
        tpu.vector_store %arg9[%swap3A_410, %swap3A_411], %swap3A_414 {strides = array<i32>} : memref<80x128xf32, #tpu.memory_space<vmem>>, vector<1x16xf32>,
        %get3A_415 = arith.index_cast %add3A_360 : i32 to index
        %get3A_416 = arith.constant 64 : index
        %get3A_417 = tpu.vector_load %arg9[%get3A_415, %get3A_416] {strides = array<i32>} : memref<80x128xf32, #tpu.memory_space<vmem>>, vector<1x16xf32>,
        %get3A_418 = vector.shape_cast %get3A_417 : vector<1x16xf32> to vector<16xf32>
        %get3A_419 = arith.index_cast %add3A_360 : i32 to index
        %get3A_420 = arith.constant 64 : index
        %get3A_421 = tpu.vector_load %arg11[%get3A_419, %get3A_420] {strides = array<i32>} : memref<80x128xf32, #tpu.memory_space<vmem>>, vector<1x16xf32>,
        %get3A_422 = vector.shape_cast %get3A_421 : vector<1x16xf32> to vector<16xf32>
        %mul3A_423 = arith.mulf %get3A_418, %get3A_422 : vector<16xf32>
        %swap3A_424 = arith.index_cast %add3A_360 : i32 to index
        %swap3A_425 = arith.constant 64 : index
        %swap3A_426 = tpu.vector_load %arg9[%swap3A_424, %swap3A_425] {strides = array<i32>} : memref<80x128xf32, #tpu.memory_space<vmem>>, vector<1x16xf32>,
        %swap3A_427 = vector.shape_cast %swap3A_426 : vector<1x16xf32> to vector<16xf32>
        %swap3A_428 = vector.shape_cast %mul3A_423 : vector<16xf32> to vector<1x16xf32>
        tpu.vector_store %arg9[%swap3A_424, %swap3A_425], %swap3A_428 {strides = array<i32>} : memref<80x128xf32, #tpu.memory_space<vmem>>, vector<1x16xf32>,
        %get3A_429 = arith.index_cast %add3A_360 : i32 to index
        %get3A_430 = arith.constant 80 : index
        %get3A_431 = tpu.vector_load %arg9[%get3A_429, %get3A_430] {strides = array<i32>} : memref<80x128xf32, #tpu.memory_space<vmem>>, vector<1x16xf32>,
        %get3A_432 = vector.shape_cast %get3A_431 : vector<1x16xf32> to vector<16xf32>
        %get3A_433 = arith.index_cast %add3A_360 : i32 to index
        %get3A_434 = arith.constant 80 : index
        %get3A_435 = tpu.vector_load %arg11[%get3A_433, %get3A_434] {strides = array<i32>} : memref<80x128xf32, #tpu.memory_space<vmem>>, vector<1x16xf32>,
        %get3A_436 = vector.shape_cast %get3A_435 : vector<1x16xf32> to vector<16xf32>
        %mul3A_437 = arith.mulf %get3A_432, %get3A_436 : vector<16xf32>
        %swap3A_438 = arith.index_cast %add3A_360 : i32 to index
        %swap3A_439 = arith.constant 80 : index
        %swap3A_440 = tpu.vector_load %arg9[%swap3A_438, %swap3A_439] {strides = array<i32>} : memref<80x128xf32, #tpu.memory_space<vmem>>, vector<1x16xf32>,
        %swap3A_441 = vector.shape_cast %swap3A_440 : vector<1x16xf32> to vector<16xf32>
        %swap3A_442 = vector.shape_cast %mul3A_437 : vector<16xf32> to vector<1x16xf32>
        tpu.vector_store %arg9[%swap3A_438, %swap3A_439], %swap3A_442 {strides = array<i32>} : memref<80x128xf32, #tpu.memory_space<vmem>>, vector<1x16xf32>,
        %get3A_443 = arith.index_cast %add3A_360 : i32 to index
        %get3A_444 = arith.constant 96 : index
        %get3A_445 = tpu.vector_load %arg9[%get3A_443, %get3A_444] {strides = array<i32>} : memref<80x128xf32, #tpu.memory_space<vmem>>, vector<1x16xf32>,
        %get3A_446 = vector.shape_cast %get3A_445 : vector<1x16xf32> to vector<16xf32>
        %get3A_447 = arith.index_cast %add3A_360 : i32 to index
        %get3A_448 = arith.constant 96 : index
        %get3A_449 = tpu.vector_load %arg11[%get3A_447, %get3A_448] {strides = array<i32>} : memref<80x128xf32, #tpu.memory_space<vmem>>, vector<1x16xf32>,
        %get3A_450 = vector.shape_cast %get3A_449 : vector<1x16xf32> to vector<16xf32>
        %mul3A_451 = arith.mulf %get3A_446, %get3A_450 : vector<16xf32>
        %swap3A_452 = arith.index_cast %add3A_360 : i32 to index
        %swap3A_453 = arith.constant 96 : index
        %swap3A_454 = tpu.vector_load %arg9[%swap3A_452, %swap3A_453] {strides = array<i32>} : memref<80x128xf32, #tpu.memory_space<vmem>>, vector<1x16xf32>,
        %swap3A_455 = vector.shape_cast %swap3A_454 : vector<1x16xf32> to vector<16xf32>
        %swap3A_456 = vector.shape_cast %mul3A_451 : vector<16xf32> to vector<1x16xf32>
        tpu.vector_store %arg9[%swap3A_452, %swap3A_453], %swap3A_456 {strides = array<i32>} : memref<80x128xf32, #tpu.memory_space<vmem>>, vector<1x16xf32>,
        %get3A_457 = arith.index_cast %add3A_360 : i32 to index
        %get3A_458 = arith.constant 112 : index
        %get3A_459 = tpu.vector_load %arg9[%get3A_457, %get3A_458] {strides = array<i32>} : memref<80x128xf32, #tpu.memory_space<vmem>>, vector<1x16xf32>,
        %get3A_460 = vector.shape_cast %get3A_459 : vector<1x16xf32> to vector<16xf32>
        %get3A_461 = arith.index_cast %add3A_360 : i32 to index
        %get3A_462 = arith.constant 112 : index
        %get3A_463 = tpu.vector_load %arg11[%get3A_461, %get3A_462] {strides = array<i32>} : memref<80x128xf32, #tpu.memory_space<vmem>>, vector<1x16xf32>,
        %get3A_464 = vector.shape_cast %get3A_463 : vector<1x16xf32> to vector<16xf32>
        %mul3A_465 = arith.mulf %get3A_460, %get3A_464 : vector<16xf32>
        %swap3A_466 = arith.index_cast %add3A_360 : i32 to index
        %swap3A_467 = arith.constant 112 : index
        %swap3A_468 = tpu.vector_load %arg9[%swap3A_466, %swap3A_467] {strides = array<i32>} : memref<80x128xf32, #tpu.memory_space<vmem>>, vector<1x16xf32>,
        %swap3A_469 = vector.shape_cast %swap3A_468 : vector<1x16xf32> to vector<16xf32>
        %swap3A_470 = vector.shape_cast %mul3A_465 : vector<16xf32> to vector<1x16xf32>
        tpu.vector_store %arg9[%swap3A_466, %swap3A_467], %swap3A_470 {strides = array<i32>} : memref<80x128xf32, #tpu.memory_space<vmem>>, vector<1x16xf32>,
      }
      %scan3A_213 = arith.constant 80 : i32
      %dma_start3A_214 = arith.constant 1 : i32
      %dma_start3A_215 = arith.constant 0 : i32
      %dma_start3A_216 = tpu.memref_slice %arg8[%dma_start3A_214, %dma_start3A_215] : memref<2x80xi32, #tpu.memory_space<vmem>> -> memref<1x80xi32, #tpu.memory_space<vmem>>
      %dma_start3A_217 = tpu.memref_squeeze %dma_start3A_216 : memref<1x80xi32, #tpu.memory_space<vmem>> -> memref<80xi32, #tpu.memory_space<vmem>>
      %dma_start3A_218 = arith.constant 0 : i32
      %dma_start3A_219 = arith.constant 0 : i32
      %dma_start3A_220 = tpu.memref_slice %arg13[%dma_start3A_218, %dma_start3A_219] : memref<10240x128xf32, #tpu.memory_space<vmem_shared>> -> memref<10240x128xf32, #tpu.memory_space<vmem_shared>>
      tpu.enqueue_indirect_dma source(%arg9 : memref<80x128xf32, #tpu.memory_space<vmem>>) target(%dma_start3A_220 : memref<10240x128xf32, #tpu.memory_space<vmem_shared>>) offsets(%dma_start3A_217 : memref<80xi32, #tpu.memory_space<vmem>>) semaphore(%arg21 : memref<!tpu.dma_semaphore, #tpu.memory_space<semaphore_mem>>) {add = true}
      %add3A_221 = arith.constant 3 : i32
      %add3A_222 = arith.addi %add3A_88, %add3A_221 : i32
      %add3A_223 = arith.constant 1 : i32
      %add3A_224 = arith.addi %add3A_222, %add3A_223 : i32
      %lt3A_225 = arith.constant 126 : i32
      %lt3A_226 = arith.cmpi slt, %add3A_224, %lt3A_225 : i32
      %convert_element_type3A_227 = arith.extui %lt3A_226 : i1 to i32
      %cond3A_228 = arith.constant 0 : i32
      %cond3A_229 = arith.cmpi ne, %convert_element_type3A_227, %cond3A_228 : i32
      scf.if %cond3A_229 {
        %add3A_356 = arith.constant 1 : i32
        %add3A_357 = arith.addi %add3A_222, %add3A_356 : i32
        %dma_wait3A_358 = arith.constant 0 : i32
        %dma_wait3A_359 = arith.constant 0 : i32
        %dma_wait3A_360 = tpu.memref_slice %arg4[%add3A, %add3A_357, %dma_wait3A_358, %dma_wait3A_359] : memref<32x126x2x80xi32, #tpu.memory_space<hbm>> -> memref<1x1x2x80xi32, #tpu.memory_space<hbm>>
        %dma_wait3A_361 = tpu.memref_squeeze %dma_wait3A_360 : memref<1x1x2x80xi32, #tpu.memory_space<hbm>> -> memref<2x80xi32, #tpu.memory_space<hbm>>
        %dma_wait3A_362 = arith.constant 0 : i32
        %dma_wait3A_363 = arith.constant 0 : i32
        %dma_wait3A_364 = tpu.memref_slice %arg4[%add3A, %add3A_357, %dma_wait3A_362, %dma_wait3A_363] : memref<32x126x2x80xi32, #tpu.memory_space<hbm>> -> memref<1x1x2x80xi32, #tpu.memory_space<hbm>>
        %dma_wait3A_365 = tpu.memref_squeeze %dma_wait3A_364 : memref<1x1x2x80xi32, #tpu.memory_space<hbm>> -> memref<2x80xi32, #tpu.memory_space<hbm>>
        tpu.wait_dma2 semaphore(%arg15 : memref<!tpu.dma_semaphore, #tpu.memory_space<semaphore_mem>>) src(%dma_wait3A_365 : memref<2x80xi32, #tpu.memory_space<hbm>>) dst(%arg7 : memref<2x80xi32, #tpu.memory_space<vmem>>)
        %ge3A = arith.constant 1 : i32
        %ge3A_366 = arith.cmpi sge, %add3A_222, %ge3A : i32
        %convert_element_type3A_367 = arith.extui %ge3A_366 : i1 to i32
        %cond3A_368 = arith.constant 0 : i32
        %cond3A_369 = arith.cmpi ne, %convert_element_type3A_367, %cond3A_368 : i32
        scf.if %cond3A_369 {
          %dma_wait3A_389 = arith.constant 1 : i32
          %dma_wait3A_390 = arith.constant 0 : i32
          %dma_wait3A_391 = tpu.memref_slice %arg7[%dma_wait3A_389, %dma_wait3A_390] : memref<2x80xi32, #tpu.memory_space<vmem>> -> memref<1x80xi32, #tpu.memory_space<vmem>>
          %dma_wait3A_392 = tpu.memref_squeeze %dma_wait3A_391 : memref<1x80xi32, #tpu.memory_space<vmem>> -> memref<80xi32, #tpu.memory_space<vmem>>
          %dma_wait3A_393 = arith.constant 0 : i32
          %dma_wait3A_394 = arith.constant 0 : i32
          %dma_wait3A_395 = tpu.memref_slice %arg13[%dma_wait3A_393, %dma_wait3A_394] : memref<10240x128xf32, #tpu.memory_space<vmem_shared>> -> memref<10240x128xf32, #tpu.memory_space<vmem_shared>>
          tpu.wait_indirect_dma semaphore(%arg21 : memref<!tpu.dma_semaphore, #tpu.memory_space<semaphore_mem>>) src(%arg9 : memref<80x128xf32, #tpu.memory_space<vmem>>) dst(%dma_wait3A_395 : memref<10240x128xf32, #tpu.memory_space<vmem_shared>>)
        } else {
        }
        %add3A_370 = arith.constant 1 : i32
        %add3A_371 = arith.addi %add3A_222, %add3A_370 : i32
        %dma_start3A_372 = arith.constant 0 : i32
        %dma_start3A_373 = arith.constant 0 : i32
        %dma_start3A_374 = tpu.memref_slice %arg7[%dma_start3A_372, %dma_start3A_373] : memref<2x80xi32, #tpu.memory_space<vmem>> -> memref<1x80xi32, #tpu.memory_space<vmem>>
        %dma_start3A_375 = tpu.memref_squeeze %dma_start3A_374 : memref<1x80xi32, #tpu.memory_space<vmem>> -> memref<80xi32, #tpu.memory_space<vmem>>
        %dma_start3A_376 = arith.constant 0 : i32
        %dma_start3A_377 = arith.constant 0 : i32
        %dma_start3A_378 = tpu.memref_slice %arg2[%dma_start3A_376, %dma_start3A_377] : memref<10240x128xf32, #tpu.memory_space<hbm>> -> memref<10240x128xf32, #tpu.memory_space<hbm>>
        tpu.enqueue_indirect_dma source(%dma_start3A_378 : memref<10240x128xf32, #tpu.memory_space<hbm>>) target(%arg9 : memref<80x128xf32, #tpu.memory_space<vmem>>) offsets(%dma_start3A_375 : memref<80xi32, #tpu.memory_space<vmem>>) semaphore(%arg17 : memref<!tpu.dma_semaphore, #tpu.memory_space<semaphore_mem>>)
        %mul3A_379 = arith.constant 126 : i32
        %mul3A_380 = arith.muli %add3A, %mul3A_379 : i32
        %add3A_381 = arith.addi %mul3A_380, %add3A_371 : i32
        %mul3A_382 = arith.constant 80 : i32
        %mul3A_383 = arith.muli %add3A_381, %mul3A_382 : i32
        %multiple_of3A_384 = tpu.assume_multiple %mul3A_383, 80 : i32
        %dma_start3A_385 = arith.constant 0 : i32
        %dma_start3A_386 = tpu.memref_slice %arg3[%multiple_of3A_384, %dma_start3A_385] : memref<322560x128xf32, #tpu.memory_space<hbm>> -> memref<80x128xf32, #tpu.memory_space<hbm>>
        %dma_start3A_387 = arith.constant 0 : i32
        %dma_start3A_388 = tpu.memref_slice %arg3[%multiple_of3A_384, %dma_start3A_387] : memref<322560x128xf32, #tpu.memory_space<hbm>> -> memref<80x128xf32, #tpu.memory_space<hbm>>
        tpu.enqueue_dma source(%dma_start3A_388 : memref<80x128xf32, #tpu.memory_space<hbm>>) target(%arg11 : memref<80x128xf32, #tpu.memory_space<vmem>>) target_semaphore(%arg19 : memref<!tpu.dma_semaphore, #tpu.memory_space<semaphore_mem>>)
      } else {
      }
      %add3A_230 = arith.constant 2 : i32
      %add3A_231 = arith.addi %add3A_222, %add3A_230 : i32
      %lt3A_232 = arith.constant 126 : i32
      %lt3A_233 = arith.cmpi slt, %add3A_231, %lt3A_232 : i32
      %convert_element_type3A_234 = arith.extui %lt3A_233 : i1 to i32
      %cond3A_235 = arith.constant 0 : i32
      %cond3A_236 = arith.cmpi ne, %convert_element_type3A_234, %cond3A_235 : i32
      scf.if %cond3A_236 {
        %add3A_356 = arith.constant 2 : i32
        %add3A_357 = arith.addi %add3A_222, %add3A_356 : i32
        %dma_start3A_358 = arith.constant 0 : i32
        %dma_start3A_359 = arith.constant 0 : i32
        %dma_start3A_360 = tpu.memref_slice %arg4[%add3A, %add3A_357, %dma_start3A_358, %dma_start3A_359] : memref<32x126x2x80xi32, #tpu.memory_space<hbm>> -> memref<1x1x2x80xi32, #tpu.memory_space<hbm>>
        %dma_start3A_361 = tpu.memref_squeeze %dma_start3A_360 : memref<1x1x2x80xi32, #tpu.memory_space<hbm>> -> memref<2x80xi32, #tpu.memory_space<hbm>>
        %dma_start3A_362 = arith.constant 0 : i32
        %dma_start3A_363 = arith.constant 0 : i32
        %dma_start3A_364 = tpu.memref_slice %arg4[%add3A, %add3A_357, %dma_start3A_362, %dma_start3A_363] : memref<32x126x2x80xi32, #tpu.memory_space<hbm>> -> memref<1x1x2x80xi32, #tpu.memory_space<hbm>>
        %dma_start3A_365 = tpu.memref_squeeze %dma_start3A_364 : memref<1x1x2x80xi32, #tpu.memory_space<hbm>> -> memref<2x80xi32, #tpu.memory_space<hbm>>
        tpu.enqueue_dma source(%dma_start3A_365 : memref<2x80xi32, #tpu.memory_space<hbm>>) target(%arg8 : memref<2x80xi32, #tpu.memory_space<vmem>>) target_semaphore(%arg16 : memref<!tpu.dma_semaphore, #tpu.memory_space<semaphore_mem>>)
      } else {
      }
      %dma_wait3A_237 = arith.constant 0 : i32
      %dma_wait3A_238 = arith.constant 0 : i32
      %dma_wait3A_239 = tpu.memref_slice %arg6[%dma_wait3A_237, %dma_wait3A_238] : memref<2x80xi32, #tpu.memory_space<vmem>> -> memref<1x80xi32, #tpu.memory_space<vmem>>
      %dma_wait3A_240 = tpu.memref_squeeze %dma_wait3A_239 : memref<1x80xi32, #tpu.memory_space<vmem>> -> memref<80xi32, #tpu.memory_space<vmem>>
      %dma_wait3A_241 = arith.constant 0 : i32
      %dma_wait3A_242 = arith.constant 0 : i32
      %dma_wait3A_243 = tpu.memref_slice %arg2[%dma_wait3A_241, %dma_wait3A_242] : memref<10240x128xf32, #tpu.memory_space<hbm>> -> memref<10240x128xf32, #tpu.memory_space<hbm>>
      tpu.wait_indirect_dma semaphore(%arg18 : memref<!tpu.dma_semaphore, #tpu.memory_space<semaphore_mem>>) src(%dma_wait3A_243 : memref<10240x128xf32, #tpu.memory_space<hbm>>) dst(%arg10 : memref<80x128xf32, #tpu.memory_space<vmem>>)
      %mul3A_244 = arith.constant 126 : i32
      %mul3A_245 = arith.muli %add3A, %mul3A_244 : i32
      %add3A_246 = arith.addi %mul3A_245, %add3A_222 : i32
      %mul3A_247 = arith.constant 80 : i32
      %mul3A_248 = arith.muli %add3A_246, %mul3A_247 : i32
      %multiple_of3A_249 = tpu.assume_multiple %mul3A_248, 80 : i32
      %dma_wait3A_250 = arith.constant 0 : i32
      %dma_wait3A_251 = tpu.memref_slice %arg3[%multiple_of3A_249, %dma_wait3A_250] : memref<322560x128xf32, #tpu.memory_space<hbm>> -> memref<80x128xf32, #tpu.memory_space<hbm>>
      %dma_wait3A_252 = arith.constant 0 : i32
      %dma_wait3A_253 = tpu.memref_slice %arg3[%multiple_of3A_249, %dma_wait3A_252] : memref<322560x128xf32, #tpu.memory_space<hbm>> -> memref<80x128xf32, #tpu.memory_space<hbm>>
      tpu.wait_dma2 semaphore(%arg20 : memref<!tpu.dma_semaphore, #tpu.memory_space<semaphore_mem>>) src(%dma_wait3A_253 : memref<80x128xf32, #tpu.memory_space<hbm>>) dst(%arg12 : memref<80x128xf32, #tpu.memory_space<vmem>>)
      %scan3A_254 = arith.constant 0 : i32
      %scan3A_255 = arith.constant 80 : i32
      %scan3A_256 = arith.addi %scan3A_254, %scan3A_255 : i32
      %scan3A_257 = arith.constant 1 : i32
      scf.for %scan3A_356 = %scan3A_254 to %scan3A_256 step %scan3A_257  : i32 {
        %mul3A_357 = arith.constant 1 : i32
        %mul3A_358 = arith.muli %scan3A_356, %mul3A_357 : i32
        %add3A_359 = arith.constant 0 : i32
        %add3A_360 = arith.addi %add3A_359, %mul3A_358 : i32
        %get3A = arith.index_cast %add3A_360 : i32 to index
        %get3A_361 = arith.constant 0 : index
        %get3A_362 = tpu.vector_load %arg10[%get3A, %get3A_361] {strides = array<i32>} : memref<80x128xf32, #tpu.memory_space<vmem>>, vector<1x16xf32>,
        %get3A_363 = vector.shape_cast %get3A_362 : vector<1x16xf32> to vector<16xf32>
        %get3A_364 = arith.index_cast %add3A_360 : i32 to index
        %get3A_365 = arith.constant 0 : index
        %get3A_366 = tpu.vector_load %arg12[%get3A_364, %get3A_365] {strides = array<i32>} : memref<80x128xf32, #tpu.memory_space<vmem>>, vector<1x16xf32>,
        %get3A_367 = vector.shape_cast %get3A_366 : vector<1x16xf32> to vector<16xf32>
        %mul3A_368 = arith.mulf %get3A_363, %get3A_367 : vector<16xf32>
        %swap3A = arith.index_cast %add3A_360 : i32 to index
        %swap3A_369 = arith.constant 0 : index
        %swap3A_370 = tpu.vector_load %arg10[%swap3A, %swap3A_369] {strides = array<i32>} : memref<80x128xf32, #tpu.memory_space<vmem>>, vector<1x16xf32>,
        %swap3A_371 = vector.shape_cast %swap3A_370 : vector<1x16xf32> to vector<16xf32>
        %swap3A_372 = vector.shape_cast %mul3A_368 : vector<16xf32> to vector<1x16xf32>
        tpu.vector_store %arg10[%swap3A, %swap3A_369], %swap3A_372 {strides = array<i32>} : memref<80x128xf32, #tpu.memory_space<vmem>>, vector<1x16xf32>,
        %get3A_373 = arith.index_cast %add3A_360 : i32 to index
        %get3A_374 = arith.constant 16 : index
        %get3A_375 = tpu.vector_load %arg10[%get3A_373, %get3A_374] {strides = array<i32>} : memref<80x128xf32, #tpu.memory_space<vmem>>, vector<1x16xf32>,
        %get3A_376 = vector.shape_cast %get3A_375 : vector<1x16xf32> to vector<16xf32>
        %get3A_377 = arith.index_cast %add3A_360 : i32 to index
        %get3A_378 = arith.constant 16 : index
        %get3A_379 = tpu.vector_load %arg12[%get3A_377, %get3A_378] {strides = array<i32>} : memref<80x128xf32, #tpu.memory_space<vmem>>, vector<1x16xf32>,
        %get3A_380 = vector.shape_cast %get3A_379 : vector<1x16xf32> to vector<16xf32>
        %mul3A_381 = arith.mulf %get3A_376, %get3A_380 : vector<16xf32>
        %swap3A_382 = arith.index_cast %add3A_360 : i32 to index
        %swap3A_383 = arith.constant 16 : index
        %swap3A_384 = tpu.vector_load %arg10[%swap3A_382, %swap3A_383] {strides = array<i32>} : memref<80x128xf32, #tpu.memory_space<vmem>>, vector<1x16xf32>,
        %swap3A_385 = vector.shape_cast %swap3A_384 : vector<1x16xf32> to vector<16xf32>
        %swap3A_386 = vector.shape_cast %mul3A_381 : vector<16xf32> to vector<1x16xf32>
        tpu.vector_store %arg10[%swap3A_382, %swap3A_383], %swap3A_386 {strides = array<i32>} : memref<80x128xf32, #tpu.memory_space<vmem>>, vector<1x16xf32>,
        %get3A_387 = arith.index_cast %add3A_360 : i32 to index
        %get3A_388 = arith.constant 32 : index
        %get3A_389 = tpu.vector_load %arg10[%get3A_387, %get3A_388] {strides = array<i32>} : memref<80x128xf32, #tpu.memory_space<vmem>>, vector<1x16xf32>,
        %get3A_390 = vector.shape_cast %get3A_389 : vector<1x16xf32> to vector<16xf32>
        %get3A_391 = arith.index_cast %add3A_360 : i32 to index
        %get3A_392 = arith.constant 32 : index
        %get3A_393 = tpu.vector_load %arg12[%get3A_391, %get3A_392] {strides = array<i32>} : memref<80x128xf32, #tpu.memory_space<vmem>>, vector<1x16xf32>,
        %get3A_394 = vector.shape_cast %get3A_393 : vector<1x16xf32> to vector<16xf32>
        %mul3A_395 = arith.mulf %get3A_390, %get3A_394 : vector<16xf32>
        %swap3A_396 = arith.index_cast %add3A_360 : i32 to index
        %swap3A_397 = arith.constant 32 : index
        %swap3A_398 = tpu.vector_load %arg10[%swap3A_396, %swap3A_397] {strides = array<i32>} : memref<80x128xf32, #tpu.memory_space<vmem>>, vector<1x16xf32>,
        %swap3A_399 = vector.shape_cast %swap3A_398 : vector<1x16xf32> to vector<16xf32>
        %swap3A_400 = vector.shape_cast %mul3A_395 : vector<16xf32> to vector<1x16xf32>
        tpu.vector_store %arg10[%swap3A_396, %swap3A_397], %swap3A_400 {strides = array<i32>} : memref<80x128xf32, #tpu.memory_space<vmem>>, vector<1x16xf32>,
        %get3A_401 = arith.index_cast %add3A_360 : i32 to index
        %get3A_402 = arith.constant 48 : index
        %get3A_403 = tpu.vector_load %arg10[%get3A_401, %get3A_402] {strides = array<i32>} : memref<80x128xf32, #tpu.memory_space<vmem>>, vector<1x16xf32>,
        %get3A_404 = vector.shape_cast %get3A_403 : vector<1x16xf32> to vector<16xf32>
        %get3A_405 = arith.index_cast %add3A_360 : i32 to index
        %get3A_406 = arith.constant 48 : index
        %get3A_407 = tpu.vector_load %arg12[%get3A_405, %get3A_406] {strides = array<i32>} : memref<80x128xf32, #tpu.memory_space<vmem>>, vector<1x16xf32>,
        %get3A_408 = vector.shape_cast %get3A_407 : vector<1x16xf32> to vector<16xf32>
        %mul3A_409 = arith.mulf %get3A_404, %get3A_408 : vector<16xf32>
        %swap3A_410 = arith.index_cast %add3A_360 : i32 to index
        %swap3A_411 = arith.constant 48 : index
        %swap3A_412 = tpu.vector_load %arg10[%swap3A_410, %swap3A_411] {strides = array<i32>} : memref<80x128xf32, #tpu.memory_space<vmem>>, vector<1x16xf32>,
        %swap3A_413 = vector.shape_cast %swap3A_412 : vector<1x16xf32> to vector<16xf32>
        %swap3A_414 = vector.shape_cast %mul3A_409 : vector<16xf32> to vector<1x16xf32>
        tpu.vector_store %arg10[%swap3A_410, %swap3A_411], %swap3A_414 {strides = array<i32>} : memref<80x128xf32, #tpu.memory_space<vmem>>, vector<1x16xf32>,
        %get3A_415 = arith.index_cast %add3A_360 : i32 to index
        %get3A_416 = arith.constant 64 : index
        %get3A_417 = tpu.vector_load %arg10[%get3A_415, %get3A_416] {strides = array<i32>} : memref<80x128xf32, #tpu.memory_space<vmem>>, vector<1x16xf32>,
        %get3A_418 = vector.shape_cast %get3A_417 : vector<1x16xf32> to vector<16xf32>
        %get3A_419 = arith.index_cast %add3A_360 : i32 to index
        %get3A_420 = arith.constant 64 : index
        %get3A_421 = tpu.vector_load %arg12[%get3A_419, %get3A_420] {strides = array<i32>} : memref<80x128xf32, #tpu.memory_space<vmem>>, vector<1x16xf32>,
        %get3A_422 = vector.shape_cast %get3A_421 : vector<1x16xf32> to vector<16xf32>
        %mul3A_423 = arith.mulf %get3A_418, %get3A_422 : vector<16xf32>
        %swap3A_424 = arith.index_cast %add3A_360 : i32 to index
        %swap3A_425 = arith.constant 64 : index
        %swap3A_426 = tpu.vector_load %arg10[%swap3A_424, %swap3A_425] {strides = array<i32>} : memref<80x128xf32, #tpu.memory_space<vmem>>, vector<1x16xf32>,
        %swap3A_427 = vector.shape_cast %swap3A_426 : vector<1x16xf32> to vector<16xf32>
        %swap3A_428 = vector.shape_cast %mul3A_423 : vector<16xf32> to vector<1x16xf32>
        tpu.vector_store %arg10[%swap3A_424, %swap3A_425], %swap3A_428 {strides = array<i32>} : memref<80x128xf32, #tpu.memory_space<vmem>>, vector<1x16xf32>,
        %get3A_429 = arith.index_cast %add3A_360 : i32 to index
        %get3A_430 = arith.constant 80 : index
        %get3A_431 = tpu.vector_load %arg10[%get3A_429, %get3A_430] {strides = array<i32>} : memref<80x128xf32, #tpu.memory_space<vmem>>, vector<1x16xf32>,
        %get3A_432 = vector.shape_cast %get3A_431 : vector<1x16xf32> to vector<16xf32>
        %get3A_433 = arith.index_cast %add3A_360 : i32 to index
        %get3A_434 = arith.constant 80 : index
        %get3A_435 = tpu.vector_load %arg12[%get3A_433, %get3A_434] {strides = array<i32>} : memref<80x128xf32, #tpu.memory_space<vmem>>, vector<1x16xf32>,
        %get3A_436 = vector.shape_cast %get3A_435 : vector<1x16xf32> to vector<16xf32>
        %mul3A_437 = arith.mulf %get3A_432, %get3A_436 : vector<16xf32>
        %swap3A_438 = arith.index_cast %add3A_360 : i32 to index
        %swap3A_439 = arith.constant 80 : index
        %swap3A_440 = tpu.vector_load %arg10[%swap3A_438, %swap3A_439] {strides = array<i32>} : memref<80x128xf32, #tpu.memory_space<vmem>>, vector<1x16xf32>,
        %swap3A_441 = vector.shape_cast %swap3A_440 : vector<1x16xf32> to vector<16xf32>
        %swap3A_442 = vector.shape_cast %mul3A_437 : vector<16xf32> to vector<1x16xf32>
        tpu.vector_store %arg10[%swap3A_438, %swap3A_439], %swap3A_442 {strides = array<i32>} : memref<80x128xf32, #tpu.memory_space<vmem>>, vector<1x16xf32>,
        %get3A_443 = arith.index_cast %add3A_360 : i32 to index
        %get3A_444 = arith.constant 96 : index
        %get3A_445 = tpu.vector_load %arg10[%get3A_443, %get3A_444] {strides = array<i32>} : memref<80x128xf32, #tpu.memory_space<vmem>>, vector<1x16xf32>,
        %get3A_446 = vector.shape_cast %get3A_445 : vector<1x16xf32> to vector<16xf32>
        %get3A_447 = arith.index_cast %add3A_360 : i32 to index
        %get3A_448 = arith.constant 96 : index
        %get3A_449 = tpu.vector_load %arg12[%get3A_447, %get3A_448] {strides = array<i32>} : memref<80x128xf32, #tpu.memory_space<vmem>>, vector<1x16xf32>,
        %get3A_450 = vector.shape_cast %get3A_449 : vector<1x16xf32> to vector<16xf32>
        %mul3A_451 = arith.mulf %get3A_446, %get3A_450 : vector<16xf32>
        %swap3A_452 = arith.index_cast %add3A_360 : i32 to index
        %swap3A_453 = arith.constant 96 : index
        %swap3A_454 = tpu.vector_load %arg10[%swap3A_452, %swap3A_453] {strides = array<i32>} : memref<80x128xf32, #tpu.memory_space<vmem>>, vector<1x16xf32>,
        %swap3A_455 = vector.shape_cast %swap3A_454 : vector<1x16xf32> to vector<16xf32>
        %swap3A_456 = vector.shape_cast %mul3A_451 : vector<16xf32> to vector<1x16xf32>
        tpu.vector_store %arg10[%swap3A_452, %swap3A_453], %swap3A_456 {strides = array<i32>} : memref<80x128xf32, #tpu.memory_space<vmem>>, vector<1x16xf32>,
        %get3A_457 = arith.index_cast %add3A_360 : i32 to index
        %get3A_458 = arith.constant 112 : index
        %get3A_459 = tpu.vector_load %arg10[%get3A_457, %get3A_458] {strides = array<i32>} : memref<80x128xf32, #tpu.memory_space<vmem>>, vector<1x16xf32>,
        %get3A_460 = vector.shape_cast %get3A_459 : vector<1x16xf32> to vector<16xf32>
        %get3A_461 = arith.index_cast %add3A_360 : i32 to index
        %get3A_462 = arith.constant 112 : index
        %get3A_463 = tpu.vector_load %arg12[%get3A_461, %get3A_462] {strides = array<i32>} : memref<80x128xf32, #tpu.memory_space<vmem>>, vector<1x16xf32>,
        %get3A_464 = vector.shape_cast %get3A_463 : vector<1x16xf32> to vector<16xf32>
        %mul3A_465 = arith.mulf %get3A_460, %get3A_464 : vector<16xf32>
        %swap3A_466 = arith.index_cast %add3A_360 : i32 to index
        %swap3A_467 = arith.constant 112 : index
        %swap3A_468 = tpu.vector_load %arg10[%swap3A_466, %swap3A_467] {strides = array<i32>} : memref<80x128xf32, #tpu.memory_space<vmem>>, vector<1x16xf32>,
        %swap3A_469 = vector.shape_cast %swap3A_468 : vector<1x16xf32> to vector<16xf32>
        %swap3A_470 = vector.shape_cast %mul3A_465 : vector<16xf32> to vector<1x16xf32>
        tpu.vector_store %arg10[%swap3A_466, %swap3A_467], %swap3A_470 {strides = array<i32>} : memref<80x128xf32, #tpu.memory_space<vmem>>, vector<1x16xf32>,
      }
      %scan3A_258 = arith.constant 80 : i32
      %dma_start3A_259 = arith.constant 1 : i32
      %dma_start3A_260 = arith.constant 0 : i32
      %dma_start3A_261 = tpu.memref_slice %arg6[%dma_start3A_259, %dma_start3A_260] : memref<2x80xi32, #tpu.memory_space<vmem>> -> memref<1x80xi32, #tpu.memory_space<vmem>>
      %dma_start3A_262 = tpu.memref_squeeze %dma_start3A_261 : memref<1x80xi32, #tpu.memory_space<vmem>> -> memref<80xi32, #tpu.memory_space<vmem>>
      %dma_start3A_263 = arith.constant 0 : i32
      %dma_start3A_264 = arith.constant 0 : i32
      %dma_start3A_265 = tpu.memref_slice %arg13[%dma_start3A_263, %dma_start3A_264] : memref<10240x128xf32, #tpu.memory_space<vmem_shared>> -> memref<10240x128xf32, #tpu.memory_space<vmem_shared>>
      tpu.enqueue_indirect_dma source(%arg10 : memref<80x128xf32, #tpu.memory_space<vmem>>) target(%dma_start3A_265 : memref<10240x128xf32, #tpu.memory_space<vmem_shared>>) offsets(%dma_start3A_262 : memref<80xi32, #tpu.memory_space<vmem>>) semaphore(%arg22 : memref<!tpu.dma_semaphore, #tpu.memory_space<semaphore_mem>>) {add = true}
      %add3A_266 = arith.constant 4 : i32
      %add3A_267 = arith.addi %add3A_88, %add3A_266 : i32
      %add3A_268 = arith.constant 1 : i32
      %add3A_269 = arith.addi %add3A_267, %add3A_268 : i32
      %lt3A_270 = arith.constant 126 : i32
      %lt3A_271 = arith.cmpi slt, %add3A_269, %lt3A_270 : i32
      %convert_element_type3A_272 = arith.extui %lt3A_271 : i1 to i32
      %cond3A_273 = arith.constant 0 : i32
      %cond3A_274 = arith.cmpi ne, %convert_element_type3A_272, %cond3A_273 : i32
      scf.if %cond3A_274 {
        %add3A_356 = arith.constant 1 : i32
        %add3A_357 = arith.addi %add3A_267, %add3A_356 : i32
        %dma_wait3A_358 = arith.constant 0 : i32
        %dma_wait3A_359 = arith.constant 0 : i32
        %dma_wait3A_360 = tpu.memref_slice %arg4[%add3A, %add3A_357, %dma_wait3A_358, %dma_wait3A_359] : memref<32x126x2x80xi32, #tpu.memory_space<hbm>> -> memref<1x1x2x80xi32, #tpu.memory_space<hbm>>
        %dma_wait3A_361 = tpu.memref_squeeze %dma_wait3A_360 : memref<1x1x2x80xi32, #tpu.memory_space<hbm>> -> memref<2x80xi32, #tpu.memory_space<hbm>>
        %dma_wait3A_362 = arith.constant 0 : i32
        %dma_wait3A_363 = arith.constant 0 : i32
        %dma_wait3A_364 = tpu.memref_slice %arg4[%add3A, %add3A_357, %dma_wait3A_362, %dma_wait3A_363] : memref<32x126x2x80xi32, #tpu.memory_space<hbm>> -> memref<1x1x2x80xi32, #tpu.memory_space<hbm>>
        %dma_wait3A_365 = tpu.memref_squeeze %dma_wait3A_364 : memref<1x1x2x80xi32, #tpu.memory_space<hbm>> -> memref<2x80xi32, #tpu.memory_space<hbm>>
        tpu.wait_dma2 semaphore(%arg16 : memref<!tpu.dma_semaphore, #tpu.memory_space<semaphore_mem>>) src(%dma_wait3A_365 : memref<2x80xi32, #tpu.memory_space<hbm>>) dst(%arg8 : memref<2x80xi32, #tpu.memory_space<vmem>>)
        %ge3A = arith.constant 1 : i32
        %ge3A_366 = arith.cmpi sge, %add3A_267, %ge3A : i32
        %convert_element_type3A_367 = arith.extui %ge3A_366 : i1 to i32
        %cond3A_368 = arith.constant 0 : i32
        %cond3A_369 = arith.cmpi ne, %convert_element_type3A_367, %cond3A_368 : i32
        scf.if %cond3A_369 {
          %dma_wait3A_389 = arith.constant 1 : i32
          %dma_wait3A_390 = arith.constant 0 : i32
          %dma_wait3A_391 = tpu.memref_slice %arg8[%dma_wait3A_389, %dma_wait3A_390] : memref<2x80xi32, #tpu.memory_space<vmem>> -> memref<1x80xi32, #tpu.memory_space<vmem>>
          %dma_wait3A_392 = tpu.memref_squeeze %dma_wait3A_391 : memref<1x80xi32, #tpu.memory_space<vmem>> -> memref<80xi32, #tpu.memory_space<vmem>>
          %dma_wait3A_393 = arith.constant 0 : i32
          %dma_wait3A_394 = arith.constant 0 : i32
          %dma_wait3A_395 = tpu.memref_slice %arg13[%dma_wait3A_393, %dma_wait3A_394] : memref<10240x128xf32, #tpu.memory_space<vmem_shared>> -> memref<10240x128xf32, #tpu.memory_space<vmem_shared>>
          tpu.wait_indirect_dma semaphore(%arg22 : memref<!tpu.dma_semaphore, #tpu.memory_space<semaphore_mem>>) src(%arg10 : memref<80x128xf32, #tpu.memory_space<vmem>>) dst(%dma_wait3A_395 : memref<10240x128xf32, #tpu.memory_space<vmem_shared>>)
        } else {
        }
        %add3A_370 = arith.constant 1 : i32
        %add3A_371 = arith.addi %add3A_267, %add3A_370 : i32
        %dma_start3A_372 = arith.constant 0 : i32
        %dma_start3A_373 = arith.constant 0 : i32
        %dma_start3A_374 = tpu.memref_slice %arg8[%dma_start3A_372, %dma_start3A_373] : memref<2x80xi32, #tpu.memory_space<vmem>> -> memref<1x80xi32, #tpu.memory_space<vmem>>
        %dma_start3A_375 = tpu.memref_squeeze %dma_start3A_374 : memref<1x80xi32, #tpu.memory_space<vmem>> -> memref<80xi32, #tpu.memory_space<vmem>>
        %dma_start3A_376 = arith.constant 0 : i32
        %dma_start3A_377 = arith.constant 0 : i32
        %dma_start3A_378 = tpu.memref_slice %arg2[%dma_start3A_376, %dma_start3A_377] : memref<10240x128xf32, #tpu.memory_space<hbm>> -> memref<10240x128xf32, #tpu.memory_space<hbm>>
        tpu.enqueue_indirect_dma source(%dma_start3A_378 : memref<10240x128xf32, #tpu.memory_space<hbm>>) target(%arg10 : memref<80x128xf32, #tpu.memory_space<vmem>>) offsets(%dma_start3A_375 : memref<80xi32, #tpu.memory_space<vmem>>) semaphore(%arg18 : memref<!tpu.dma_semaphore, #tpu.memory_space<semaphore_mem>>)
        %mul3A_379 = arith.constant 126 : i32
        %mul3A_380 = arith.muli %add3A, %mul3A_379 : i32
        %add3A_381 = arith.addi %mul3A_380, %add3A_371 : i32
        %mul3A_382 = arith.constant 80 : i32
        %mul3A_383 = arith.muli %add3A_381, %mul3A_382 : i32
        %multiple_of3A_384 = tpu.assume_multiple %mul3A_383, 80 : i32
        %dma_start3A_385 = arith.constant 0 : i32
        %dma_start3A_386 = tpu.memref_slice %arg3[%multiple_of3A_384, %dma_start3A_385] : memref<322560x128xf32, #tpu.memory_space<hbm>> -> memref<80x128xf32, #tpu.memory_space<hbm>>
        %dma_start3A_387 = arith.constant 0 : i32
        %dma_start3A_388 = tpu.memref_slice %arg3[%multiple_of3A_384, %dma_start3A_387] : memref<322560x128xf32, #tpu.memory_space<hbm>> -> memref<80x128xf32, #tpu.memory_space<hbm>>
        tpu.enqueue_dma source(%dma_start3A_388 : memref<80x128xf32, #tpu.memory_space<hbm>>) target(%arg12 : memref<80x128xf32, #tpu.memory_space<vmem>>) target_semaphore(%arg20 : memref<!tpu.dma_semaphore, #tpu.memory_space<semaphore_mem>>)
      } else {
      }
      %add3A_275 = arith.constant 2 : i32
      %add3A_276 = arith.addi %add3A_267, %add3A_275 : i32
      %lt3A_277 = arith.constant 126 : i32
      %lt3A_278 = arith.cmpi slt, %add3A_276, %lt3A_277 : i32
      %convert_element_type3A_279 = arith.extui %lt3A_278 : i1 to i32
      %cond3A_280 = arith.constant 0 : i32
      %cond3A_281 = arith.cmpi ne, %convert_element_type3A_279, %cond3A_280 : i32
      scf.if %cond3A_281 {
        %add3A_356 = arith.constant 2 : i32
        %add3A_357 = arith.addi %add3A_267, %add3A_356 : i32
        %dma_start3A_358 = arith.constant 0 : i32
        %dma_start3A_359 = arith.constant 0 : i32
        %dma_start3A_360 = tpu.memref_slice %arg4[%add3A, %add3A_357, %dma_start3A_358, %dma_start3A_359] : memref<32x126x2x80xi32, #tpu.memory_space<hbm>> -> memref<1x1x2x80xi32, #tpu.memory_space<hbm>>
        %dma_start3A_361 = tpu.memref_squeeze %dma_start3A_360 : memref<1x1x2x80xi32, #tpu.memory_space<hbm>> -> memref<2x80xi32, #tpu.memory_space<hbm>>
        %dma_start3A_362 = arith.constant 0 : i32
        %dma_start3A_363 = arith.constant 0 : i32
        %dma_start3A_364 = tpu.memref_slice %arg4[%add3A, %add3A_357, %dma_start3A_362, %dma_start3A_363] : memref<32x126x2x80xi32, #tpu.memory_space<hbm>> -> memref<1x1x2x80xi32, #tpu.memory_space<hbm>>
        %dma_start3A_365 = tpu.memref_squeeze %dma_start3A_364 : memref<1x1x2x80xi32, #tpu.memory_space<hbm>> -> memref<2x80xi32, #tpu.memory_space<hbm>>
        tpu.enqueue_dma source(%dma_start3A_365 : memref<2x80xi32, #tpu.memory_space<hbm>>) target(%arg6 : memref<2x80xi32, #tpu.memory_space<vmem>>) target_semaphore(%arg14 : memref<!tpu.dma_semaphore, #tpu.memory_space<semaphore_mem>>)
      } else {
      }
      %dma_wait3A_282 = arith.constant 0 : i32
      %dma_wait3A_283 = arith.constant 0 : i32
      %dma_wait3A_284 = tpu.memref_slice %arg7[%dma_wait3A_282, %dma_wait3A_283] : memref<2x80xi32, #tpu.memory_space<vmem>> -> memref<1x80xi32, #tpu.memory_space<vmem>>
      %dma_wait3A_285 = tpu.memref_squeeze %dma_wait3A_284 : memref<1x80xi32, #tpu.memory_space<vmem>> -> memref<80xi32, #tpu.memory_space<vmem>>
      %dma_wait3A_286 = arith.constant 0 : i32
      %dma_wait3A_287 = arith.constant 0 : i32
      %dma_wait3A_288 = tpu.memref_slice %arg2[%dma_wait3A_286, %dma_wait3A_287] : memref<10240x128xf32, #tpu.memory_space<hbm>> -> memref<10240x128xf32, #tpu.memory_space<hbm>>
      tpu.wait_indirect_dma semaphore(%arg17 : memref<!tpu.dma_semaphore, #tpu.memory_space<semaphore_mem>>) src(%dma_wait3A_288 : memref<10240x128xf32, #tpu.memory_space<hbm>>) dst(%arg9 : memref<80x128xf32, #tpu.memory_space<vmem>>)
      %mul3A_289 = arith.constant 126 : i32
      %mul3A_290 = arith.muli %add3A, %mul3A_289 : i32
      %add3A_291 = arith.addi %mul3A_290, %add3A_267 : i32
      %mul3A_292 = arith.constant 80 : i32
      %mul3A_293 = arith.muli %add3A_291, %mul3A_292 : i32
      %multiple_of3A_294 = tpu.assume_multiple %mul3A_293, 80 : i32
      %dma_wait3A_295 = arith.constant 0 : i32
      %dma_wait3A_296 = tpu.memref_slice %arg3[%multiple_of3A_294, %dma_wait3A_295] : memref<322560x128xf32, #tpu.memory_space<hbm>> -> memref<80x128xf32, #tpu.memory_space<hbm>>
      %dma_wait3A_297 = arith.constant 0 : i32
      %dma_wait3A_298 = tpu.memref_slice %arg3[%multiple_of3A_294, %dma_wait3A_297] : memref<322560x128xf32, #tpu.memory_space<hbm>> -> memref<80x128xf32, #tpu.memory_space<hbm>>
      tpu.wait_dma2 semaphore(%arg19 : memref<!tpu.dma_semaphore, #tpu.memory_space<semaphore_mem>>) src(%dma_wait3A_298 : memref<80x128xf32, #tpu.memory_space<hbm>>) dst(%arg11 : memref<80x128xf32, #tpu.memory_space<vmem>>)
      %scan3A_299 = arith.constant 0 : i32
      %scan3A_300 = arith.constant 80 : i32
      %scan3A_301 = arith.addi %scan3A_299, %scan3A_300 : i32
      %scan3A_302 = arith.constant 1 : i32
      scf.for %scan3A_356 = %scan3A_299 to %scan3A_301 step %scan3A_302  : i32 {
        %mul3A_357 = arith.constant 1 : i32
        %mul3A_358 = arith.muli %scan3A_356, %mul3A_357 : i32
        %add3A_359 = arith.constant 0 : i32
        %add3A_360 = arith.addi %add3A_359, %mul3A_358 : i32
        %get3A = arith.index_cast %add3A_360 : i32 to index
        %get3A_361 = arith.constant 0 : index
        %get3A_362 = tpu.vector_load %arg9[%get3A, %get3A_361] {strides = array<i32>} : memref<80x128xf32, #tpu.memory_space<vmem>>, vector<1x16xf32>,
        %get3A_363 = vector.shape_cast %get3A_362 : vector<1x16xf32> to vector<16xf32>
        %get3A_364 = arith.index_cast %add3A_360 : i32 to index
        %get3A_365 = arith.constant 0 : index
        %get3A_366 = tpu.vector_load %arg11[%get3A_364, %get3A_365] {strides = array<i32>} : memref<80x128xf32, #tpu.memory_space<vmem>>, vector<1x16xf32>,
        %get3A_367 = vector.shape_cast %get3A_366 : vector<1x16xf32> to vector<16xf32>
        %mul3A_368 = arith.mulf %get3A_363, %get3A_367 : vector<16xf32>
        %swap3A = arith.index_cast %add3A_360 : i32 to index
        %swap3A_369 = arith.constant 0 : index
        %swap3A_370 = tpu.vector_load %arg9[%swap3A, %swap3A_369] {strides = array<i32>} : memref<80x128xf32, #tpu.memory_space<vmem>>, vector<1x16xf32>,
        %swap3A_371 = vector.shape_cast %swap3A_370 : vector<1x16xf32> to vector<16xf32>
        %swap3A_372 = vector.shape_cast %mul3A_368 : vector<16xf32> to vector<1x16xf32>
        tpu.vector_store %arg9[%swap3A, %swap3A_369], %swap3A_372 {strides = array<i32>} : memref<80x128xf32, #tpu.memory_space<vmem>>, vector<1x16xf32>,
        %get3A_373 = arith.index_cast %add3A_360 : i32 to index
        %get3A_374 = arith.constant 16 : index
        %get3A_375 = tpu.vector_load %arg9[%get3A_373, %get3A_374] {strides = array<i32>} : memref<80x128xf32, #tpu.memory_space<vmem>>, vector<1x16xf32>,
        %get3A_376 = vector.shape_cast %get3A_375 : vector<1x16xf32> to vector<16xf32>
        %get3A_377 = arith.index_cast %add3A_360 : i32 to index
        %get3A_378 = arith.constant 16 : index
        %get3A_379 = tpu.vector_load %arg11[%get3A_377, %get3A_378] {strides = array<i32>} : memref<80x128xf32, #tpu.memory_space<vmem>>, vector<1x16xf32>,
        %get3A_380 = vector.shape_cast %get3A_379 : vector<1x16xf32> to vector<16xf32>
        %mul3A_381 = arith.mulf %get3A_376, %get3A_380 : vector<16xf32>
        %swap3A_382 = arith.index_cast %add3A_360 : i32 to index
        %swap3A_383 = arith.constant 16 : index
        %swap3A_384 = tpu.vector_load %arg9[%swap3A_382, %swap3A_383] {strides = array<i32>} : memref<80x128xf32, #tpu.memory_space<vmem>>, vector<1x16xf32>,
        %swap3A_385 = vector.shape_cast %swap3A_384 : vector<1x16xf32> to vector<16xf32>
        %swap3A_386 = vector.shape_cast %mul3A_381 : vector<16xf32> to vector<1x16xf32>
        tpu.vector_store %arg9[%swap3A_382, %swap3A_383], %swap3A_386 {strides = array<i32>} : memref<80x128xf32, #tpu.memory_space<vmem>>, vector<1x16xf32>,
        %get3A_387 = arith.index_cast %add3A_360 : i32 to index
        %get3A_388 = arith.constant 32 : index
        %get3A_389 = tpu.vector_load %arg9[%get3A_387, %get3A_388] {strides = array<i32>} : memref<80x128xf32, #tpu.memory_space<vmem>>, vector<1x16xf32>,
        %get3A_390 = vector.shape_cast %get3A_389 : vector<1x16xf32> to vector<16xf32>
        %get3A_391 = arith.index_cast %add3A_360 : i32 to index
        %get3A_392 = arith.constant 32 : index
        %get3A_393 = tpu.vector_load %arg11[%get3A_391, %get3A_392] {strides = array<i32>} : memref<80x128xf32, #tpu.memory_space<vmem>>, vector<1x16xf32>,
        %get3A_394 = vector.shape_cast %get3A_393 : vector<1x16xf32> to vector<16xf32>
        %mul3A_395 = arith.mulf %get3A_390, %get3A_394 : vector<16xf32>
        %swap3A_396 = arith.index_cast %add3A_360 : i32 to index
        %swap3A_397 = arith.constant 32 : index
        %swap3A_398 = tpu.vector_load %arg9[%swap3A_396, %swap3A_397] {strides = array<i32>} : memref<80x128xf32, #tpu.memory_space<vmem>>, vector<1x16xf32>,
        %swap3A_399 = vector.shape_cast %swap3A_398 : vector<1x16xf32> to vector<16xf32>
        %swap3A_400 = vector.shape_cast %mul3A_395 : vector<16xf32> to vector<1x16xf32>
        tpu.vector_store %arg9[%swap3A_396, %swap3A_397], %swap3A_400 {strides = array<i32>} : memref<80x128xf32, #tpu.memory_space<vmem>>, vector<1x16xf32>,
        %get3A_401 = arith.index_cast %add3A_360 : i32 to index
        %get3A_402 = arith.constant 48 : index
        %get3A_403 = tpu.vector_load %arg9[%get3A_401, %get3A_402] {strides = array<i32>} : memref<80x128xf32, #tpu.memory_space<vmem>>, vector<1x16xf32>,
        %get3A_404 = vector.shape_cast %get3A_403 : vector<1x16xf32> to vector<16xf32>
        %get3A_405 = arith.index_cast %add3A_360 : i32 to index
        %get3A_406 = arith.constant 48 : index
        %get3A_407 = tpu.vector_load %arg11[%get3A_405, %get3A_406] {strides = array<i32>} : memref<80x128xf32, #tpu.memory_space<vmem>>, vector<1x16xf32>,
        %get3A_408 = vector.shape_cast %get3A_407 : vector<1x16xf32> to vector<16xf32>
        %mul3A_409 = arith.mulf %get3A_404, %get3A_408 : vector<16xf32>
        %swap3A_410 = arith.index_cast %add3A_360 : i32 to index
        %swap3A_411 = arith.constant 48 : index
        %swap3A_412 = tpu.vector_load %arg9[%swap3A_410, %swap3A_411] {strides = array<i32>} : memref<80x128xf32, #tpu.memory_space<vmem>>, vector<1x16xf32>,
        %swap3A_413 = vector.shape_cast %swap3A_412 : vector<1x16xf32> to vector<16xf32>
        %swap3A_414 = vector.shape_cast %mul3A_409 : vector<16xf32> to vector<1x16xf32>
        tpu.vector_store %arg9[%swap3A_410, %swap3A_411], %swap3A_414 {strides = array<i32>} : memref<80x128xf32, #tpu.memory_space<vmem>>, vector<1x16xf32>,
        %get3A_415 = arith.index_cast %add3A_360 : i32 to index
        %get3A_416 = arith.constant 64 : index
        %get3A_417 = tpu.vector_load %arg9[%get3A_415, %get3A_416] {strides = array<i32>} : memref<80x128xf32, #tpu.memory_space<vmem>>, vector<1x16xf32>,
        %get3A_418 = vector.shape_cast %get3A_417 : vector<1x16xf32> to vector<16xf32>
        %get3A_419 = arith.index_cast %add3A_360 : i32 to index
        %get3A_420 = arith.constant 64 : index
        %get3A_421 = tpu.vector_load %arg11[%get3A_419, %get3A_420] {strides = array<i32>} : memref<80x128xf32, #tpu.memory_space<vmem>>, vector<1x16xf32>,
        %get3A_422 = vector.shape_cast %get3A_421 : vector<1x16xf32> to vector<16xf32>
        %mul3A_423 = arith.mulf %get3A_418, %get3A_422 : vector<16xf32>
        %swap3A_424 = arith.index_cast %add3A_360 : i32 to index
        %swap3A_425 = arith.constant 64 : index
        %swap3A_426 = tpu.vector_load %arg9[%swap3A_424, %swap3A_425] {strides = array<i32>} : memref<80x128xf32, #tpu.memory_space<vmem>>, vector<1x16xf32>,
        %swap3A_427 = vector.shape_cast %swap3A_426 : vector<1x16xf32> to vector<16xf32>
        %swap3A_428 = vector.shape_cast %mul3A_423 : vector<16xf32> to vector<1x16xf32>
        tpu.vector_store %arg9[%swap3A_424, %swap3A_425], %swap3A_428 {strides = array<i32>} : memref<80x128xf32, #tpu.memory_space<vmem>>, vector<1x16xf32>,
        %get3A_429 = arith.index_cast %add3A_360 : i32 to index
        %get3A_430 = arith.constant 80 : index
        %get3A_431 = tpu.vector_load %arg9[%get3A_429, %get3A_430] {strides = array<i32>} : memref<80x128xf32, #tpu.memory_space<vmem>>, vector<1x16xf32>,
        %get3A_432 = vector.shape_cast %get3A_431 : vector<1x16xf32> to vector<16xf32>
        %get3A_433 = arith.index_cast %add3A_360 : i32 to index
        %get3A_434 = arith.constant 80 : index
        %get3A_435 = tpu.vector_load %arg11[%get3A_433, %get3A_434] {strides = array<i32>} : memref<80x128xf32, #tpu.memory_space<vmem>>, vector<1x16xf32>,
        %get3A_436 = vector.shape_cast %get3A_435 : vector<1x16xf32> to vector<16xf32>
        %mul3A_437 = arith.mulf %get3A_432, %get3A_436 : vector<16xf32>
        %swap3A_438 = arith.index_cast %add3A_360 : i32 to index
        %swap3A_439 = arith.constant 80 : index
        %swap3A_440 = tpu.vector_load %arg9[%swap3A_438, %swap3A_439] {strides = array<i32>} : memref<80x128xf32, #tpu.memory_space<vmem>>, vector<1x16xf32>,
        %swap3A_441 = vector.shape_cast %swap3A_440 : vector<1x16xf32> to vector<16xf32>
        %swap3A_442 = vector.shape_cast %mul3A_437 : vector<16xf32> to vector<1x16xf32>
        tpu.vector_store %arg9[%swap3A_438, %swap3A_439], %swap3A_442 {strides = array<i32>} : memref<80x128xf32, #tpu.memory_space<vmem>>, vector<1x16xf32>,
        %get3A_443 = arith.index_cast %add3A_360 : i32 to index
        %get3A_444 = arith.constant 96 : index
        %get3A_445 = tpu.vector_load %arg9[%get3A_443, %get3A_444] {strides = array<i32>} : memref<80x128xf32, #tpu.memory_space<vmem>>, vector<1x16xf32>,
        %get3A_446 = vector.shape_cast %get3A_445 : vector<1x16xf32> to vector<16xf32>
        %get3A_447 = arith.index_cast %add3A_360 : i32 to index
        %get3A_448 = arith.constant 96 : index
        %get3A_449 = tpu.vector_load %arg11[%get3A_447, %get3A_448] {strides = array<i32>} : memref<80x128xf32, #tpu.memory_space<vmem>>, vector<1x16xf32>,
        %get3A_450 = vector.shape_cast %get3A_449 : vector<1x16xf32> to vector<16xf32>
        %mul3A_451 = arith.mulf %get3A_446, %get3A_450 : vector<16xf32>
        %swap3A_452 = arith.index_cast %add3A_360 : i32 to index
        %swap3A_453 = arith.constant 96 : index
        %swap3A_454 = tpu.vector_load %arg9[%swap3A_452, %swap3A_453] {strides = array<i32>} : memref<80x128xf32, #tpu.memory_space<vmem>>, vector<1x16xf32>,
        %swap3A_455 = vector.shape_cast %swap3A_454 : vector<1x16xf32> to vector<16xf32>
        %swap3A_456 = vector.shape_cast %mul3A_451 : vector<16xf32> to vector<1x16xf32>
        tpu.vector_store %arg9[%swap3A_452, %swap3A_453], %swap3A_456 {strides = array<i32>} : memref<80x128xf32, #tpu.memory_space<vmem>>, vector<1x16xf32>,
        %get3A_457 = arith.index_cast %add3A_360 : i32 to index
        %get3A_458 = arith.constant 112 : index
        %get3A_459 = tpu.vector_load %arg9[%get3A_457, %get3A_458] {strides = array<i32>} : memref<80x128xf32, #tpu.memory_space<vmem>>, vector<1x16xf32>,
        %get3A_460 = vector.shape_cast %get3A_459 : vector<1x16xf32> to vector<16xf32>
        %get3A_461 = arith.index_cast %add3A_360 : i32 to index
        %get3A_462 = arith.constant 112 : index
        %get3A_463 = tpu.vector_load %arg11[%get3A_461, %get3A_462] {strides = array<i32>} : memref<80x128xf32, #tpu.memory_space<vmem>>, vector<1x16xf32>,
        %get3A_464 = vector.shape_cast %get3A_463 : vector<1x16xf32> to vector<16xf32>
        %mul3A_465 = arith.mulf %get3A_460, %get3A_464 : vector<16xf32>
        %swap3A_466 = arith.index_cast %add3A_360 : i32 to index
        %swap3A_467 = arith.constant 112 : index
        %swap3A_468 = tpu.vector_load %arg9[%swap3A_466, %swap3A_467] {strides = array<i32>} : memref<80x128xf32, #tpu.memory_space<vmem>>, vector<1x16xf32>,
        %swap3A_469 = vector.shape_cast %swap3A_468 : vector<1x16xf32> to vector<16xf32>
        %swap3A_470 = vector.shape_cast %mul3A_465 : vector<16xf32> to vector<1x16xf32>
        tpu.vector_store %arg9[%swap3A_466, %swap3A_467], %swap3A_470 {strides = array<i32>} : memref<80x128xf32, #tpu.memory_space<vmem>>, vector<1x16xf32>,
      }
      %scan3A_303 = arith.constant 80 : i32
      %dma_start3A_304 = arith.constant 1 : i32
      %dma_start3A_305 = arith.constant 0 : i32
      %dma_start3A_306 = tpu.memref_slice %arg7[%dma_start3A_304, %dma_start3A_305] : memref<2x80xi32, #tpu.memory_space<vmem>> -> memref<1x80xi32, #tpu.memory_space<vmem>>
      %dma_start3A_307 = tpu.memref_squeeze %dma_start3A_306 : memref<1x80xi32, #tpu.memory_space<vmem>> -> memref<80xi32, #tpu.memory_space<vmem>>
      %dma_start3A_308 = arith.constant 0 : i32
      %dma_start3A_309 = arith.constant 0 : i32
      %dma_start3A_310 = tpu.memref_slice %arg13[%dma_start3A_308, %dma_start3A_309] : memref<10240x128xf32, #tpu.memory_space<vmem_shared>> -> memref<10240x128xf32, #tpu.memory_space<vmem_shared>>
      tpu.enqueue_indirect_dma source(%arg9 : memref<80x128xf32, #tpu.memory_space<vmem>>) target(%dma_start3A_310 : memref<10240x128xf32, #tpu.memory_space<vmem_shared>>) offsets(%dma_start3A_307 : memref<80xi32, #tpu.memory_space<vmem>>) semaphore(%arg21 : memref<!tpu.dma_semaphore, #tpu.memory_space<semaphore_mem>>) {add = true}
      %add3A_311 = arith.constant 5 : i32
      %add3A_312 = arith.addi %add3A_88, %add3A_311 : i32
      %add3A_313 = arith.constant 1 : i32
      %add3A_314 = arith.addi %add3A_312, %add3A_313 : i32
      %lt3A_315 = arith.constant 126 : i32
      %lt3A_316 = arith.cmpi slt, %add3A_314, %lt3A_315 : i32
      %convert_element_type3A_317 = arith.extui %lt3A_316 : i1 to i32
      %cond3A_318 = arith.constant 0 : i32
      %cond3A_319 = arith.cmpi ne, %convert_element_type3A_317, %cond3A_318 : i32
      scf.if %cond3A_319 {
        %add3A_356 = arith.constant 1 : i32
        %add3A_357 = arith.addi %add3A_312, %add3A_356 : i32
        %dma_wait3A_358 = arith.constant 0 : i32
        %dma_wait3A_359 = arith.constant 0 : i32
        %dma_wait3A_360 = tpu.memref_slice %arg4[%add3A, %add3A_357, %dma_wait3A_358, %dma_wait3A_359] : memref<32x126x2x80xi32, #tpu.memory_space<hbm>> -> memref<1x1x2x80xi32, #tpu.memory_space<hbm>>
        %dma_wait3A_361 = tpu.memref_squeeze %dma_wait3A_360 : memref<1x1x2x80xi32, #tpu.memory_space<hbm>> -> memref<2x80xi32, #tpu.memory_space<hbm>>
        %dma_wait3A_362 = arith.constant 0 : i32
        %dma_wait3A_363 = arith.constant 0 : i32
        %dma_wait3A_364 = tpu.memref_slice %arg4[%add3A, %add3A_357, %dma_wait3A_362, %dma_wait3A_363] : memref<32x126x2x80xi32, #tpu.memory_space<hbm>> -> memref<1x1x2x80xi32, #tpu.memory_space<hbm>>
        %dma_wait3A_365 = tpu.memref_squeeze %dma_wait3A_364 : memref<1x1x2x80xi32, #tpu.memory_space<hbm>> -> memref<2x80xi32, #tpu.memory_space<hbm>>
        tpu.wait_dma2 semaphore(%arg14 : memref<!tpu.dma_semaphore, #tpu.memory_space<semaphore_mem>>) src(%dma_wait3A_365 : memref<2x80xi32, #tpu.memory_space<hbm>>) dst(%arg6 : memref<2x80xi32, #tpu.memory_space<vmem>>)
        %ge3A = arith.constant 1 : i32
        %ge3A_366 = arith.cmpi sge, %add3A_312, %ge3A : i32
        %convert_element_type3A_367 = arith.extui %ge3A_366 : i1 to i32
        %cond3A_368 = arith.constant 0 : i32
        %cond3A_369 = arith.cmpi ne, %convert_element_type3A_367, %cond3A_368 : i32
        scf.if %cond3A_369 {
          %dma_wait3A_389 = arith.constant 1 : i32
          %dma_wait3A_390 = arith.constant 0 : i32
          %dma_wait3A_391 = tpu.memref_slice %arg6[%dma_wait3A_389, %dma_wait3A_390] : memref<2x80xi32, #tpu.memory_space<vmem>> -> memref<1x80xi32, #tpu.memory_space<vmem>>
          %dma_wait3A_392 = tpu.memref_squeeze %dma_wait3A_391 : memref<1x80xi32, #tpu.memory_space<vmem>> -> memref<80xi32, #tpu.memory_space<vmem>>
          %dma_wait3A_393 = arith.constant 0 : i32
          %dma_wait3A_394 = arith.constant 0 : i32
          %dma_wait3A_395 = tpu.memref_slice %arg13[%dma_wait3A_393, %dma_wait3A_394] : memref<10240x128xf32, #tpu.memory_space<vmem_shared>> -> memref<10240x128xf32, #tpu.memory_space<vmem_shared>>
          tpu.wait_indirect_dma semaphore(%arg21 : memref<!tpu.dma_semaphore, #tpu.memory_space<semaphore_mem>>) src(%arg9 : memref<80x128xf32, #tpu.memory_space<vmem>>) dst(%dma_wait3A_395 : memref<10240x128xf32, #tpu.memory_space<vmem_shared>>)
        } else {
        }
        %add3A_370 = arith.constant 1 : i32
        %add3A_371 = arith.addi %add3A_312, %add3A_370 : i32
        %dma_start3A_372 = arith.constant 0 : i32
        %dma_start3A_373 = arith.constant 0 : i32
        %dma_start3A_374 = tpu.memref_slice %arg6[%dma_start3A_372, %dma_start3A_373] : memref<2x80xi32, #tpu.memory_space<vmem>> -> memref<1x80xi32, #tpu.memory_space<vmem>>
        %dma_start3A_375 = tpu.memref_squeeze %dma_start3A_374 : memref<1x80xi32, #tpu.memory_space<vmem>> -> memref<80xi32, #tpu.memory_space<vmem>>
        %dma_start3A_376 = arith.constant 0 : i32
        %dma_start3A_377 = arith.constant 0 : i32
        %dma_start3A_378 = tpu.memref_slice %arg2[%dma_start3A_376, %dma_start3A_377] : memref<10240x128xf32, #tpu.memory_space<hbm>> -> memref<10240x128xf32, #tpu.memory_space<hbm>>
        tpu.enqueue_indirect_dma source(%dma_start3A_378 : memref<10240x128xf32, #tpu.memory_space<hbm>>) target(%arg9 : memref<80x128xf32, #tpu.memory_space<vmem>>) offsets(%dma_start3A_375 : memref<80xi32, #tpu.memory_space<vmem>>) semaphore(%arg17 : memref<!tpu.dma_semaphore, #tpu.memory_space<semaphore_mem>>)
        %mul3A_379 = arith.constant 126 : i32
        %mul3A_380 = arith.muli %add3A, %mul3A_379 : i32
        %add3A_381 = arith.addi %mul3A_380, %add3A_371 : i32
        %mul3A_382 = arith.constant 80 : i32
        %mul3A_383 = arith.muli %add3A_381, %mul3A_382 : i32
        %multiple_of3A_384 = tpu.assume_multiple %mul3A_383, 80 : i32
        %dma_start3A_385 = arith.constant 0 : i32
        %dma_start3A_386 = tpu.memref_slice %arg3[%multiple_of3A_384, %dma_start3A_385] : memref<322560x128xf32, #tpu.memory_space<hbm>> -> memref<80x128xf32, #tpu.memory_space<hbm>>
        %dma_start3A_387 = arith.constant 0 : i32
        %dma_start3A_388 = tpu.memref_slice %arg3[%multiple_of3A_384, %dma_start3A_387] : memref<322560x128xf32, #tpu.memory_space<hbm>> -> memref<80x128xf32, #tpu.memory_space<hbm>>
        tpu.enqueue_dma source(%dma_start3A_388 : memref<80x128xf32, #tpu.memory_space<hbm>>) target(%arg11 : memref<80x128xf32, #tpu.memory_space<vmem>>) target_semaphore(%arg19 : memref<!tpu.dma_semaphore, #tpu.memory_space<semaphore_mem>>)
      } else {
      }
      %add3A_320 = arith.constant 2 : i32
      %add3A_321 = arith.addi %add3A_312, %add3A_320 : i32
      %lt3A_322 = arith.constant 126 : i32
      %lt3A_323 = arith.cmpi slt, %add3A_321, %lt3A_322 : i32
      %convert_element_type3A_324 = arith.extui %lt3A_323 : i1 to i32
      %cond3A_325 = arith.constant 0 : i32
      %cond3A_326 = arith.cmpi ne, %convert_element_type3A_324, %cond3A_325 : i32
      scf.if %cond3A_326 {
        %add3A_356 = arith.constant 2 : i32
        %add3A_357 = arith.addi %add3A_312, %add3A_356 : i32
        %dma_start3A_358 = arith.constant 0 : i32
        %dma_start3A_359 = arith.constant 0 : i32
        %dma_start3A_360 = tpu.memref_slice %arg4[%add3A, %add3A_357, %dma_start3A_358, %dma_start3A_359] : memref<32x126x2x80xi32, #tpu.memory_space<hbm>> -> memref<1x1x2x80xi32, #tpu.memory_space<hbm>>
        %dma_start3A_361 = tpu.memref_squeeze %dma_start3A_360 : memref<1x1x2x80xi32, #tpu.memory_space<hbm>> -> memref<2x80xi32, #tpu.memory_space<hbm>>
        %dma_start3A_362 = arith.constant 0 : i32
        %dma_start3A_363 = arith.constant 0 : i32
        %dma_start3A_364 = tpu.memref_slice %arg4[%add3A, %add3A_357, %dma_start3A_362, %dma_start3A_363] : memref<32x126x2x80xi32, #tpu.memory_space<hbm>> -> memref<1x1x2x80xi32, #tpu.memory_space<hbm>>
        %dma_start3A_365 = tpu.memref_squeeze %dma_start3A_364 : memref<1x1x2x80xi32, #tpu.memory_space<hbm>> -> memref<2x80xi32, #tpu.memory_space<hbm>>
        tpu.enqueue_dma source(%dma_start3A_365 : memref<2x80xi32, #tpu.memory_space<hbm>>) target(%arg7 : memref<2x80xi32, #tpu.memory_space<vmem>>) target_semaphore(%arg15 : memref<!tpu.dma_semaphore, #tpu.memory_space<semaphore_mem>>)
      } else {
      }
      %dma_wait3A_327 = arith.constant 0 : i32
      %dma_wait3A_328 = arith.constant 0 : i32
      %dma_wait3A_329 = tpu.memref_slice %arg8[%dma_wait3A_327, %dma_wait3A_328] : memref<2x80xi32, #tpu.memory_space<vmem>> -> memref<1x80xi32, #tpu.memory_space<vmem>>
      %dma_wait3A_330 = tpu.memref_squeeze %dma_wait3A_329 : memref<1x80xi32, #tpu.memory_space<vmem>> -> memref<80xi32, #tpu.memory_space<vmem>>
      %dma_wait3A_331 = arith.constant 0 : i32
      %dma_wait3A_332 = arith.constant 0 : i32
      %dma_wait3A_333 = tpu.memref_slice %arg2[%dma_wait3A_331, %dma_wait3A_332] : memref<10240x128xf32, #tpu.memory_space<hbm>> -> memref<10240x128xf32, #tpu.memory_space<hbm>>
      tpu.wait_indirect_dma semaphore(%arg18 : memref<!tpu.dma_semaphore, #tpu.memory_space<semaphore_mem>>) src(%dma_wait3A_333 : memref<10240x128xf32, #tpu.memory_space<hbm>>) dst(%arg10 : memref<80x128xf32, #tpu.memory_space<vmem>>)
      %mul3A_334 = arith.constant 126 : i32
      %mul3A_335 = arith.muli %add3A, %mul3A_334 : i32
      %add3A_336 = arith.addi %mul3A_335, %add3A_312 : i32
      %mul3A_337 = arith.constant 80 : i32
      %mul3A_338 = arith.muli %add3A_336, %mul3A_337 : i32
      %multiple_of3A_339 = tpu.assume_multiple %mul3A_338, 80 : i32
      %dma_wait3A_340 = arith.constant 0 : i32
      %dma_wait3A_341 = tpu.memref_slice %arg3[%multiple_of3A_339, %dma_wait3A_340] : memref<322560x128xf32, #tpu.memory_space<hbm>> -> memref<80x128xf32, #tpu.memory_space<hbm>>
      %dma_wait3A_342 = arith.constant 0 : i32
      %dma_wait3A_343 = tpu.memref_slice %arg3[%multiple_of3A_339, %dma_wait3A_342] : memref<322560x128xf32, #tpu.memory_space<hbm>> -> memref<80x128xf32, #tpu.memory_space<hbm>>
      tpu.wait_dma2 semaphore(%arg20 : memref<!tpu.dma_semaphore, #tpu.memory_space<semaphore_mem>>) src(%dma_wait3A_343 : memref<80x128xf32, #tpu.memory_space<hbm>>) dst(%arg12 : memref<80x128xf32, #tpu.memory_space<vmem>>)
      %scan3A_344 = arith.constant 0 : i32
      %scan3A_345 = arith.constant 80 : i32
      %scan3A_346 = arith.addi %scan3A_344, %scan3A_345 : i32
      %scan3A_347 = arith.constant 1 : i32
      scf.for %scan3A_356 = %scan3A_344 to %scan3A_346 step %scan3A_347  : i32 {
        %mul3A_357 = arith.constant 1 : i32
        %mul3A_358 = arith.muli %scan3A_356, %mul3A_357 : i32
        %add3A_359 = arith.constant 0 : i32
        %add3A_360 = arith.addi %add3A_359, %mul3A_358 : i32
        %get3A = arith.index_cast %add3A_360 : i32 to index
        %get3A_361 = arith.constant 0 : index
        %get3A_362 = tpu.vector_load %arg10[%get3A, %get3A_361] {strides = array<i32>} : memref<80x128xf32, #tpu.memory_space<vmem>>, vector<1x16xf32>,
        %get3A_363 = vector.shape_cast %get3A_362 : vector<1x16xf32> to vector<16xf32>
        %get3A_364 = arith.index_cast %add3A_360 : i32 to index
        %get3A_365 = arith.constant 0 : index
        %get3A_366 = tpu.vector_load %arg12[%get3A_364, %get3A_365] {strides = array<i32>} : memref<80x128xf32, #tpu.memory_space<vmem>>, vector<1x16xf32>,
        %get3A_367 = vector.shape_cast %get3A_366 : vector<1x16xf32> to vector<16xf32>
        %mul3A_368 = arith.mulf %get3A_363, %get3A_367 : vector<16xf32>
        %swap3A = arith.index_cast %add3A_360 : i32 to index
        %swap3A_369 = arith.constant 0 : index
        %swap3A_370 = tpu.vector_load %arg10[%swap3A, %swap3A_369] {strides = array<i32>} : memref<80x128xf32, #tpu.memory_space<vmem>>, vector<1x16xf32>,
        %swap3A_371 = vector.shape_cast %swap3A_370 : vector<1x16xf32> to vector<16xf32>
        %swap3A_372 = vector.shape_cast %mul3A_368 : vector<16xf32> to vector<1x16xf32>
        tpu.vector_store %arg10[%swap3A, %swap3A_369], %swap3A_372 {strides = array<i32>} : memref<80x128xf32, #tpu.memory_space<vmem>>, vector<1x16xf32>,
        %get3A_373 = arith.index_cast %add3A_360 : i32 to index
        %get3A_374 = arith.constant 16 : index
        %get3A_375 = tpu.vector_load %arg10[%get3A_373, %get3A_374] {strides = array<i32>} : memref<80x128xf32, #tpu.memory_space<vmem>>, vector<1x16xf32>,
        %get3A_376 = vector.shape_cast %get3A_375 : vector<1x16xf32> to vector<16xf32>
        %get3A_377 = arith.index_cast %add3A_360 : i32 to index
        %get3A_378 = arith.constant 16 : index
        %get3A_379 = tpu.vector_load %arg12[%get3A_377, %get3A_378] {strides = array<i32>} : memref<80x128xf32, #tpu.memory_space<vmem>>, vector<1x16xf32>,
        %get3A_380 = vector.shape_cast %get3A_379 : vector<1x16xf32> to vector<16xf32>
        %mul3A_381 = arith.mulf %get3A_376, %get3A_380 : vector<16xf32>
        %swap3A_382 = arith.index_cast %add3A_360 : i32 to index
        %swap3A_383 = arith.constant 16 : index
        %swap3A_384 = tpu.vector_load %arg10[%swap3A_382, %swap3A_383] {strides = array<i32>} : memref<80x128xf32, #tpu.memory_space<vmem>>, vector<1x16xf32>,
        %swap3A_385 = vector.shape_cast %swap3A_384 : vector<1x16xf32> to vector<16xf32>
        %swap3A_386 = vector.shape_cast %mul3A_381 : vector<16xf32> to vector<1x16xf32>
        tpu.vector_store %arg10[%swap3A_382, %swap3A_383], %swap3A_386 {strides = array<i32>} : memref<80x128xf32, #tpu.memory_space<vmem>>, vector<1x16xf32>,
        %get3A_387 = arith.index_cast %add3A_360 : i32 to index
        %get3A_388 = arith.constant 32 : index
        %get3A_389 = tpu.vector_load %arg10[%get3A_387, %get3A_388] {strides = array<i32>} : memref<80x128xf32, #tpu.memory_space<vmem>>, vector<1x16xf32>,
        %get3A_390 = vector.shape_cast %get3A_389 : vector<1x16xf32> to vector<16xf32>
        %get3A_391 = arith.index_cast %add3A_360 : i32 to index
        %get3A_392 = arith.constant 32 : index
        %get3A_393 = tpu.vector_load %arg12[%get3A_391, %get3A_392] {strides = array<i32>} : memref<80x128xf32, #tpu.memory_space<vmem>>, vector<1x16xf32>,
        %get3A_394 = vector.shape_cast %get3A_393 : vector<1x16xf32> to vector<16xf32>
        %mul3A_395 = arith.mulf %get3A_390, %get3A_394 : vector<16xf32>
        %swap3A_396 = arith.index_cast %add3A_360 : i32 to index
        %swap3A_397 = arith.constant 32 : index
        %swap3A_398 = tpu.vector_load %arg10[%swap3A_396, %swap3A_397] {strides = array<i32>} : memref<80x128xf32, #tpu.memory_space<vmem>>, vector<1x16xf32>,
        %swap3A_399 = vector.shape_cast %swap3A_398 : vector<1x16xf32> to vector<16xf32>
        %swap3A_400 = vector.shape_cast %mul3A_395 : vector<16xf32> to vector<1x16xf32>
        tpu.vector_store %arg10[%swap3A_396, %swap3A_397], %swap3A_400 {strides = array<i32>} : memref<80x128xf32, #tpu.memory_space<vmem>>, vector<1x16xf32>,
        %get3A_401 = arith.index_cast %add3A_360 : i32 to index
        %get3A_402 = arith.constant 48 : index
        %get3A_403 = tpu.vector_load %arg10[%get3A_401, %get3A_402] {strides = array<i32>} : memref<80x128xf32, #tpu.memory_space<vmem>>, vector<1x16xf32>,
        %get3A_404 = vector.shape_cast %get3A_403 : vector<1x16xf32> to vector<16xf32>
        %get3A_405 = arith.index_cast %add3A_360 : i32 to index
        %get3A_406 = arith.constant 48 : index
        %get3A_407 = tpu.vector_load %arg12[%get3A_405, %get3A_406] {strides = array<i32>} : memref<80x128xf32, #tpu.memory_space<vmem>>, vector<1x16xf32>,
        %get3A_408 = vector.shape_cast %get3A_407 : vector<1x16xf32> to vector<16xf32>
        %mul3A_409 = arith.mulf %get3A_404, %get3A_408 : vector<16xf32>
        %swap3A_410 = arith.index_cast %add3A_360 : i32 to index
        %swap3A_411 = arith.constant 48 : index
        %swap3A_412 = tpu.vector_load %arg10[%swap3A_410, %swap3A_411] {strides = array<i32>} : memref<80x128xf32, #tpu.memory_space<vmem>>, vector<1x16xf32>,
        %swap3A_413 = vector.shape_cast %swap3A_412 : vector<1x16xf32> to vector<16xf32>
        %swap3A_414 = vector.shape_cast %mul3A_409 : vector<16xf32> to vector<1x16xf32>
        tpu.vector_store %arg10[%swap3A_410, %swap3A_411], %swap3A_414 {strides = array<i32>} : memref<80x128xf32, #tpu.memory_space<vmem>>, vector<1x16xf32>,
        %get3A_415 = arith.index_cast %add3A_360 : i32 to index
        %get3A_416 = arith.constant 64 : index
        %get3A_417 = tpu.vector_load %arg10[%get3A_415, %get3A_416] {strides = array<i32>} : memref<80x128xf32, #tpu.memory_space<vmem>>, vector<1x16xf32>,
        %get3A_418 = vector.shape_cast %get3A_417 : vector<1x16xf32> to vector<16xf32>
        %get3A_419 = arith.index_cast %add3A_360 : i32 to index
        %get3A_420 = arith.constant 64 : index
        %get3A_421 = tpu.vector_load %arg12[%get3A_419, %get3A_420] {strides = array<i32>} : memref<80x128xf32, #tpu.memory_space<vmem>>, vector<1x16xf32>,
        %get3A_422 = vector.shape_cast %get3A_421 : vector<1x16xf32> to vector<16xf32>
        %mul3A_423 = arith.mulf %get3A_418, %get3A_422 : vector<16xf32>
        %swap3A_424 = arith.index_cast %add3A_360 : i32 to index
        %swap3A_425 = arith.constant 64 : index
        %swap3A_426 = tpu.vector_load %arg10[%swap3A_424, %swap3A_425] {strides = array<i32>} : memref<80x128xf32, #tpu.memory_space<vmem>>, vector<1x16xf32>,
        %swap3A_427 = vector.shape_cast %swap3A_426 : vector<1x16xf32> to vector<16xf32>
        %swap3A_428 = vector.shape_cast %mul3A_423 : vector<16xf32> to vector<1x16xf32>
        tpu.vector_store %arg10[%swap3A_424, %swap3A_425], %swap3A_428 {strides = array<i32>} : memref<80x128xf32, #tpu.memory_space<vmem>>, vector<1x16xf32>,
        %get3A_429 = arith.index_cast %add3A_360 : i32 to index
        %get3A_430 = arith.constant 80 : index
        %get3A_431 = tpu.vector_load %arg10[%get3A_429, %get3A_430] {strides = array<i32>} : memref<80x128xf32, #tpu.memory_space<vmem>>, vector<1x16xf32>,
        %get3A_432 = vector.shape_cast %get3A_431 : vector<1x16xf32> to vector<16xf32>
        %get3A_433 = arith.index_cast %add3A_360 : i32 to index
        %get3A_434 = arith.constant 80 : index
        %get3A_435 = tpu.vector_load %arg12[%get3A_433, %get3A_434] {strides = array<i32>} : memref<80x128xf32, #tpu.memory_space<vmem>>, vector<1x16xf32>,
        %get3A_436 = vector.shape_cast %get3A_435 : vector<1x16xf32> to vector<16xf32>
        %mul3A_437 = arith.mulf %get3A_432, %get3A_436 : vector<16xf32>
        %swap3A_438 = arith.index_cast %add3A_360 : i32 to index
        %swap3A_439 = arith.constant 80 : index
        %swap3A_440 = tpu.vector_load %arg10[%swap3A_438, %swap3A_439] {strides = array<i32>} : memref<80x128xf32, #tpu.memory_space<vmem>>, vector<1x16xf32>,
        %swap3A_441 = vector.shape_cast %swap3A_440 : vector<1x16xf32> to vector<16xf32>
        %swap3A_442 = vector.shape_cast %mul3A_437 : vector<16xf32> to vector<1x16xf32>
        tpu.vector_store %arg10[%swap3A_438, %swap3A_439], %swap3A_442 {strides = array<i32>} : memref<80x128xf32, #tpu.memory_space<vmem>>, vector<1x16xf32>,
        %get3A_443 = arith.index_cast %add3A_360 : i32 to index
        %get3A_444 = arith.constant 96 : index
        %get3A_445 = tpu.vector_load %arg10[%get3A_443, %get3A_444] {strides = array<i32>} : memref<80x128xf32, #tpu.memory_space<vmem>>, vector<1x16xf32>,
        %get3A_446 = vector.shape_cast %get3A_445 : vector<1x16xf32> to vector<16xf32>
        %get3A_447 = arith.index_cast %add3A_360 : i32 to index
        %get3A_448 = arith.constant 96 : index
        %get3A_449 = tpu.vector_load %arg12[%get3A_447, %get3A_448] {strides = array<i32>} : memref<80x128xf32, #tpu.memory_space<vmem>>, vector<1x16xf32>,
        %get3A_450 = vector.shape_cast %get3A_449 : vector<1x16xf32> to vector<16xf32>
        %mul3A_451 = arith.mulf %get3A_446, %get3A_450 : vector<16xf32>
        %swap3A_452 = arith.index_cast %add3A_360 : i32 to index
        %swap3A_453 = arith.constant 96 : index
        %swap3A_454 = tpu.vector_load %arg10[%swap3A_452, %swap3A_453] {strides = array<i32>} : memref<80x128xf32, #tpu.memory_space<vmem>>, vector<1x16xf32>,
        %swap3A_455 = vector.shape_cast %swap3A_454 : vector<1x16xf32> to vector<16xf32>
        %swap3A_456 = vector.shape_cast %mul3A_451 : vector<16xf32> to vector<1x16xf32>
        tpu.vector_store %arg10[%swap3A_452, %swap3A_453], %swap3A_456 {strides = array<i32>} : memref<80x128xf32, #tpu.memory_space<vmem>>, vector<1x16xf32>,
        %get3A_457 = arith.index_cast %add3A_360 : i32 to index
        %get3A_458 = arith.constant 112 : index
        %get3A_459 = tpu.vector_load %arg10[%get3A_457, %get3A_458] {strides = array<i32>} : memref<80x128xf32, #tpu.memory_space<vmem>>, vector<1x16xf32>,
        %get3A_460 = vector.shape_cast %get3A_459 : vector<1x16xf32> to vector<16xf32>
        %get3A_461 = arith.index_cast %add3A_360 : i32 to index
        %get3A_462 = arith.constant 112 : index
        %get3A_463 = tpu.vector_load %arg12[%get3A_461, %get3A_462] {strides = array<i32>} : memref<80x128xf32, #tpu.memory_space<vmem>>, vector<1x16xf32>,
        %get3A_464 = vector.shape_cast %get3A_463 : vector<1x16xf32> to vector<16xf32>
        %mul3A_465 = arith.mulf %get3A_460, %get3A_464 : vector<16xf32>
        %swap3A_466 = arith.index_cast %add3A_360 : i32 to index
        %swap3A_467 = arith.constant 112 : index
        %swap3A_468 = tpu.vector_load %arg10[%swap3A_466, %swap3A_467] {strides = array<i32>} : memref<80x128xf32, #tpu.memory_space<vmem>>, vector<1x16xf32>,
        %swap3A_469 = vector.shape_cast %swap3A_468 : vector<1x16xf32> to vector<16xf32>
        %swap3A_470 = vector.shape_cast %mul3A_465 : vector<16xf32> to vector<1x16xf32>
        tpu.vector_store %arg10[%swap3A_466, %swap3A_467], %swap3A_470 {strides = array<i32>} : memref<80x128xf32, #tpu.memory_space<vmem>>, vector<1x16xf32>,
      }
      %scan3A_348 = arith.constant 80 : i32
      %dma_start3A_349 = arith.constant 1 : i32
      %dma_start3A_350 = arith.constant 0 : i32
      %dma_start3A_351 = tpu.memref_slice %arg8[%dma_start3A_349, %dma_start3A_350] : memref<2x80xi32, #tpu.memory_space<vmem>> -> memref<1x80xi32, #tpu.memory_space<vmem>>
      %dma_start3A_352 = tpu.memref_squeeze %dma_start3A_351 : memref<1x80xi32, #tpu.memory_space<vmem>> -> memref<80xi32, #tpu.memory_space<vmem>>
      %dma_start3A_353 = arith.constant 0 : i32
      %dma_start3A_354 = arith.constant 0 : i32
      %dma_start3A_355 = tpu.memref_slice %arg13[%dma_start3A_353, %dma_start3A_354] : memref<10240x128xf32, #tpu.memory_space<vmem_shared>> -> memref<10240x128xf32, #tpu.memory_space<vmem_shared>>
      tpu.enqueue_indirect_dma source(%arg10 : memref<80x128xf32, #tpu.memory_space<vmem>>) target(%dma_start3A_355 : memref<10240x128xf32, #tpu.memory_space<vmem_shared>>) offsets(%dma_start3A_352 : memref<80xi32, #tpu.memory_space<vmem>>) semaphore(%arg22 : memref<!tpu.dma_semaphore, #tpu.memory_space<semaphore_mem>>) {add = true}
    }
    %scan3A_67 = arith.constant 21 : i32
    %dma_wait3A = arith.constant 1 : i32
    %dma_wait3A_68 = arith.constant 0 : i32
    %dma_wait3A_69 = tpu.memref_slice %arg6[%dma_wait3A, %dma_wait3A_68] : memref<2x80xi32, #tpu.memory_space<vmem>> -> memref<1x80xi32, #tpu.memory_space<vmem>>
    %dma_wait3A_70 = tpu.memref_squeeze %dma_wait3A_69 : memref<1x80xi32, #tpu.memory_space<vmem>> -> memref<80xi32, #tpu.memory_space<vmem>>
    %dma_wait3A_71 = arith.constant 0 : i32
    %dma_wait3A_72 = arith.constant 0 : i32
    %dma_wait3A_73 = tpu.memref_slice %arg13[%dma_wait3A_71, %dma_wait3A_72] : memref<10240x128xf32, #tpu.memory_space<vmem_shared>> -> memref<10240x128xf32, #tpu.memory_space<vmem_shared>>
    tpu.wait_indirect_dma semaphore(%arg21 : memref<!tpu.dma_semaphore, #tpu.memory_space<semaphore_mem>>) src(%arg9 : memref<80x128xf32, #tpu.memory_space<vmem>>) dst(%dma_wait3A_73 : memref<10240x128xf32, #tpu.memory_space<vmem_shared>>)
    %dma_wait3A_74 = arith.constant 1 : i32
    %dma_wait3A_75 = arith.constant 0 : i32
    %dma_wait3A_76 = tpu.memref_slice %arg6[%dma_wait3A_74, %dma_wait3A_75] : memref<2x80xi32, #tpu.memory_space<vmem>> -> memref<1x80xi32, #tpu.memory_space<vmem>>
    %dma_wait3A_77 = tpu.memref_squeeze %dma_wait3A_76 : memref<1x80xi32, #tpu.memory_space<vmem>> -> memref<80xi32, #tpu.memory_space<vmem>>
    %dma_wait3A_78 = arith.constant 0 : i32
    %dma_wait3A_79 = arith.constant 0 : i32
    %dma_wait3A_80 = tpu.memref_slice %arg13[%dma_wait3A_78, %dma_wait3A_79] : memref<10240x128xf32, #tpu.memory_space<vmem_shared>> -> memref<10240x128xf32, #tpu.memory_space<vmem_shared>>
    tpu.wait_indirect_dma semaphore(%arg22 : memref<!tpu.dma_semaphore, #tpu.memory_space<semaphore_mem>>) src(%arg10 : memref<80x128xf32, #tpu.memory_space<vmem>>) dst(%dma_wait3A_80 : memref<10240x128xf32, #tpu.memory_space<vmem_shared>>)
    %barrier3A_81 = arith.constant 0 : index
    tpu.barrier barrier_id(%barrier3A_81)
    %mul3A_82 = arith.constant 640 : i32
    %mul3A_83 = arith.muli %arg1, %mul3A_82 : i32
    "tpu.region"() ({
      %run_scoped3A_84 = tpu.sem_alloc : memref<!tpu.dma_semaphore, #tpu.memory_space<semaphore_mem>>
      %dma_start3A_85 = arith.constant 0 : i32
      %dma_start3A_86 = tpu.memref_slice %arg5[%arg0, %mul3A_83, %dma_start3A_85] : memref<2x10240x128xf32, #tpu.memory_space<hbm>> -> memref<1x640x128xf32, #tpu.memory_space<hbm>>
      %dma_start3A_87 = tpu.memref_squeeze %dma_start3A_86 : memref<1x640x128xf32, #tpu.memory_space<hbm>> -> memref<640x128xf32, #tpu.memory_space<hbm>>
      %dma_start3A_88 = arith.constant 0 : i32
      %dma_start3A_89 = tpu.memref_slice %arg13[%mul3A_83, %dma_start3A_88] : memref<10240x128xf32, #tpu.memory_space<vmem_shared>> -> memref<640x128xf32, #tpu.memory_space<vmem_shared>>
      tpu.enqueue_dma source(%dma_start3A_89 : memref<640x128xf32, #tpu.memory_space<vmem_shared>>) target(%dma_start3A_87 : memref<640x128xf32, #tpu.memory_space<hbm>>) target_semaphore(%run_scoped3A_84 : memref<!tpu.dma_semaphore, #tpu.memory_space<semaphore_mem>>)
      %dma_wait3A_90 = arith.constant 0 : i32
      %dma_wait3A_91 = tpu.memref_slice %arg5[%arg0, %mul3A_83, %dma_wait3A_90] : memref<2x10240x128xf32, #tpu.memory_space<hbm>> -> memref<1x640x128xf32, #tpu.memory_space<hbm>>
      %dma_wait3A_92 = tpu.memref_squeeze %dma_wait3A_91 : memref<1x640x128xf32, #tpu.memory_space<hbm>> -> memref<640x128xf32, #tpu.memory_space<hbm>>
      %dma_wait3A_93 = arith.constant 0 : i32
      %dma_wait3A_94 = tpu.memref_slice %arg13[%mul3A_83, %dma_wait3A_93] : memref<10240x128xf32, #tpu.memory_space<vmem_shared>> -> memref<640x128xf32, #tpu.memory_space<vmem_shared>>
      tpu.wait_dma2 semaphore(%run_scoped3A_84 : memref<!tpu.dma_semaphore, #tpu.memory_space<semaphore_mem>>) src(%dma_wait3A_94 : memref<640x128xf32, #tpu.memory_space<vmem_shared>>) dst(%dma_wait3A_92 : memref<640x128xf32, #tpu.memory_space<hbm>>)
      tpu.yield
    }) : () -> ()
    return
  }
}

module attributes {stable_mosaic.version = 14 : i64} {
  func.func @_node_fctp_body(%arg0: i32, %arg1: memref<1000x128xf32, #tpu.memory_space<vmem>>, %arg2: memref<1000x8xf32, #tpu.memory_space<vmem>>, %arg3: memref<8x128x128xf32, #tpu.memory_space<vmem>>, %arg4: memref<8x128x128xf32, #tpu.memory_space<vmem>>, %arg5: memref<1000x128xf32, #tpu.memory_space<vmem>>, %arg6: memref<1000x128xf32, #tpu.memory_space<vmem>>) attributes {dimension_semantics = [#tpu.dimension_semantics<arbitrary>], iteration_bounds = array<i64: 10>, scalar_prefetch = 0 : i64, scratch_operands = 0 : i64, tpu.core_type = #tpu.core_type<tc>, window_params = [{transform_indices = @transform_0, window_bounds = array<i64: 1000, 128>}, {transform_indices = @transform_1, window_bounds = array<i64: 1000, 8>}, {pipeline_mode = #tpu.pipeline_mode<synchronous>, transform_indices = @transform_2, window_bounds = array<i64: 8, 128, 128>}, {pipeline_mode = #tpu.pipeline_mode<synchronous>, transform_indices = @transform_3, window_bounds = array<i64: 8, 128, 128>}, {transform_indices = @transform_4, window_bounds = array<i64: 1000, 128>}, {transform_indices = @transform_5, window_bounds = array<i64: 1000, 128>}]} {
    %get3A = arith.constant 0 : index
    %get3A_0 = arith.constant 0 : index
    %get3A_1 = vector.load %arg1[%get3A, %get3A_0] : memref<1000x128xf32, #tpu.memory_space<vmem>>, vector<1000x128xf32>
    %get3A_2 = arith.constant 0 : index
    %get3A_3 = arith.constant 0 : index
    %get3A_4 = vector.load %arg2[%get3A_2, %get3A_3] : memref<1000x8xf32, #tpu.memory_space<vmem>>, vector<1000x8xf32>
    %broadcast_in_dim3A = arith.constant 0.000000e+00 : f32
    %broadcast_in_dim3A_5 = vector.broadcast %broadcast_in_dim3A : f32 to vector<1000x128xf32>
    %broadcast_in_dim3A_6 = arith.constant 0.000000e+00 : f32
    %broadcast_in_dim3A_7 = vector.broadcast %broadcast_in_dim3A_6 : f32 to vector<1000x128xf32>
    %slice3A = vector.extract_strided_slice %get3A_4 {offsets = [0, 0], sizes = [1000, 1], strides = [1, 1]} : vector<1000x8xf32> to vector<1000x1xf32>
    %get3A_8 = arith.constant 0 : index
    %get3A_9 = arith.constant 0 : index
    %get3A_10 = arith.constant 0 : index
    %get3A_11 = vector.load %arg3[%get3A_8, %get3A_9, %get3A_10] : memref<8x128x128xf32, #tpu.memory_space<vmem>>, vector<1x128x128xf32>
    %get3A_12 = vector.shape_cast %get3A_11 : vector<1x128x128xf32> to vector<128x128xf32>
    %dot_general3A = arith.constant dense<0.000000e+00> : vector<1000x128xf32>
    %dot_general3A_13 = tpu.matmul %get3A_1, %get3A_12, %dot_general3A {dimension_numbers = #tpu.dot_dimension_numbers<[1], [0], [0], [1], [0, 0, 1, 1], [], []>, transpose_lhs_hint = false} : vector<1000x128xf32>, vector<128x128xf32>, vector<1000x128xf32> -> vector<1000x128xf32>
    %mul3A = vector.broadcast %slice3A : vector<1000x1xf32> to vector<1000x128xf32>
    %mul3A_14 = arith.mulf %mul3A, %dot_general3A_13 : vector<1000x128xf32>
    %add3A = arith.addf %broadcast_in_dim3A_5, %mul3A_14 : vector<1000x128xf32>
    %get3A_15 = arith.constant 0 : index
    %get3A_16 = arith.constant 0 : index
    %get3A_17 = arith.constant 0 : index
    %get3A_18 = vector.load %arg4[%get3A_15, %get3A_16, %get3A_17] : memref<8x128x128xf32, #tpu.memory_space<vmem>>, vector<1x128x128xf32>
    %get3A_19 = vector.shape_cast %get3A_18 : vector<1x128x128xf32> to vector<128x128xf32>
    %dot_general3A_20 = arith.constant dense<0.000000e+00> : vector<1000x128xf32>
    %dot_general3A_21 = tpu.matmul %get3A_1, %get3A_19, %dot_general3A_20 {dimension_numbers = #tpu.dot_dimension_numbers<[1], [0], [0], [1], [0, 0, 1, 1], [], []>, transpose_lhs_hint = false} : vector<1000x128xf32>, vector<128x128xf32>, vector<1000x128xf32> -> vector<1000x128xf32>
    %mul3A_22 = vector.broadcast %slice3A : vector<1000x1xf32> to vector<1000x128xf32>
    %mul3A_23 = arith.mulf %mul3A_22, %dot_general3A_21 : vector<1000x128xf32>
    %add3A_24 = arith.addf %broadcast_in_dim3A_7, %mul3A_23 : vector<1000x128xf32>
    %slice3A_25 = vector.extract_strided_slice %get3A_4 {offsets = [0, 1], sizes = [1000, 1], strides = [1, 1]} : vector<1000x8xf32> to vector<1000x1xf32>
    %get3A_26 = arith.constant 1 : index
    %get3A_27 = arith.constant 0 : index
    %get3A_28 = arith.constant 0 : index
    %get3A_29 = vector.load %arg3[%get3A_26, %get3A_27, %get3A_28] : memref<8x128x128xf32, #tpu.memory_space<vmem>>, vector<1x128x128xf32>
    %get3A_30 = vector.shape_cast %get3A_29 : vector<1x128x128xf32> to vector<128x128xf32>
    %dot_general3A_31 = arith.constant dense<0.000000e+00> : vector<1000x128xf32>
    %dot_general3A_32 = tpu.matmul %get3A_1, %get3A_30, %dot_general3A_31 {dimension_numbers = #tpu.dot_dimension_numbers<[1], [0], [0], [1], [0, 0, 1, 1], [], []>, transpose_lhs_hint = false} : vector<1000x128xf32>, vector<128x128xf32>, vector<1000x128xf32> -> vector<1000x128xf32>
    %mul3A_33 = vector.broadcast %slice3A_25 : vector<1000x1xf32> to vector<1000x128xf32>
    %mul3A_34 = arith.mulf %mul3A_33, %dot_general3A_32 : vector<1000x128xf32>
    %add3A_35 = arith.addf %add3A, %mul3A_34 : vector<1000x128xf32>
    %get3A_36 = arith.constant 1 : index
    %get3A_37 = arith.constant 0 : index
    %get3A_38 = arith.constant 0 : index
    %get3A_39 = vector.load %arg4[%get3A_36, %get3A_37, %get3A_38] : memref<8x128x128xf32, #tpu.memory_space<vmem>>, vector<1x128x128xf32>
    %get3A_40 = vector.shape_cast %get3A_39 : vector<1x128x128xf32> to vector<128x128xf32>
    %dot_general3A_41 = arith.constant dense<0.000000e+00> : vector<1000x128xf32>
    %dot_general3A_42 = tpu.matmul %get3A_1, %get3A_40, %dot_general3A_41 {dimension_numbers = #tpu.dot_dimension_numbers<[1], [0], [0], [1], [0, 0, 1, 1], [], []>, transpose_lhs_hint = false} : vector<1000x128xf32>, vector<128x128xf32>, vector<1000x128xf32> -> vector<1000x128xf32>
    %mul3A_43 = vector.broadcast %slice3A_25 : vector<1000x1xf32> to vector<1000x128xf32>
    %mul3A_44 = arith.mulf %mul3A_43, %dot_general3A_42 : vector<1000x128xf32>
    %add3A_45 = arith.addf %add3A_24, %mul3A_44 : vector<1000x128xf32>
    %slice3A_46 = vector.extract_strided_slice %get3A_4 {offsets = [0, 2], sizes = [1000, 1], strides = [1, 1]} : vector<1000x8xf32> to vector<1000x1xf32>
    %get3A_47 = arith.constant 2 : index
    %get3A_48 = arith.constant 0 : index
    %get3A_49 = arith.constant 0 : index
    %get3A_50 = vector.load %arg3[%get3A_47, %get3A_48, %get3A_49] : memref<8x128x128xf32, #tpu.memory_space<vmem>>, vector<1x128x128xf32>
    %get3A_51 = vector.shape_cast %get3A_50 : vector<1x128x128xf32> to vector<128x128xf32>
    %dot_general3A_52 = arith.constant dense<0.000000e+00> : vector<1000x128xf32>
    %dot_general3A_53 = tpu.matmul %get3A_1, %get3A_51, %dot_general3A_52 {dimension_numbers = #tpu.dot_dimension_numbers<[1], [0], [0], [1], [0, 0, 1, 1], [], []>, transpose_lhs_hint = false} : vector<1000x128xf32>, vector<128x128xf32>, vector<1000x128xf32> -> vector<1000x128xf32>
    %mul3A_54 = vector.broadcast %slice3A_46 : vector<1000x1xf32> to vector<1000x128xf32>
    %mul3A_55 = arith.mulf %mul3A_54, %dot_general3A_53 : vector<1000x128xf32>
    %add3A_56 = arith.addf %add3A_35, %mul3A_55 : vector<1000x128xf32>
    %get3A_57 = arith.constant 2 : index
    %get3A_58 = arith.constant 0 : index
    %get3A_59 = arith.constant 0 : index
    %get3A_60 = vector.load %arg4[%get3A_57, %get3A_58, %get3A_59] : memref<8x128x128xf32, #tpu.memory_space<vmem>>, vector<1x128x128xf32>
    %get3A_61 = vector.shape_cast %get3A_60 : vector<1x128x128xf32> to vector<128x128xf32>
    %dot_general3A_62 = arith.constant dense<0.000000e+00> : vector<1000x128xf32>
    %dot_general3A_63 = tpu.matmul %get3A_1, %get3A_61, %dot_general3A_62 {dimension_numbers = #tpu.dot_dimension_numbers<[1], [0], [0], [1], [0, 0, 1, 1], [], []>, transpose_lhs_hint = false} : vector<1000x128xf32>, vector<128x128xf32>, vector<1000x128xf32> -> vector<1000x128xf32>
    %mul3A_64 = vector.broadcast %slice3A_46 : vector<1000x1xf32> to vector<1000x128xf32>
    %mul3A_65 = arith.mulf %mul3A_64, %dot_general3A_63 : vector<1000x128xf32>
    %add3A_66 = arith.addf %add3A_45, %mul3A_65 : vector<1000x128xf32>
    %slice3A_67 = vector.extract_strided_slice %get3A_4 {offsets = [0, 3], sizes = [1000, 1], strides = [1, 1]} : vector<1000x8xf32> to vector<1000x1xf32>
    %get3A_68 = arith.constant 3 : index
    %get3A_69 = arith.constant 0 : index
    %get3A_70 = arith.constant 0 : index
    %get3A_71 = vector.load %arg3[%get3A_68, %get3A_69, %get3A_70] : memref<8x128x128xf32, #tpu.memory_space<vmem>>, vector<1x128x128xf32>
    %get3A_72 = vector.shape_cast %get3A_71 : vector<1x128x128xf32> to vector<128x128xf32>
    %dot_general3A_73 = arith.constant dense<0.000000e+00> : vector<1000x128xf32>
    %dot_general3A_74 = tpu.matmul %get3A_1, %get3A_72, %dot_general3A_73 {dimension_numbers = #tpu.dot_dimension_numbers<[1], [0], [0], [1], [0, 0, 1, 1], [], []>, transpose_lhs_hint = false} : vector<1000x128xf32>, vector<128x128xf32>, vector<1000x128xf32> -> vector<1000x128xf32>
    %mul3A_75 = vector.broadcast %slice3A_67 : vector<1000x1xf32> to vector<1000x128xf32>
    %mul3A_76 = arith.mulf %mul3A_75, %dot_general3A_74 : vector<1000x128xf32>
    %add3A_77 = arith.addf %add3A_56, %mul3A_76 : vector<1000x128xf32>
    %get3A_78 = arith.constant 3 : index
    %get3A_79 = arith.constant 0 : index
    %get3A_80 = arith.constant 0 : index
    %get3A_81 = vector.load %arg4[%get3A_78, %get3A_79, %get3A_80] : memref<8x128x128xf32, #tpu.memory_space<vmem>>, vector<1x128x128xf32>
    %get3A_82 = vector.shape_cast %get3A_81 : vector<1x128x128xf32> to vector<128x128xf32>
    %dot_general3A_83 = arith.constant dense<0.000000e+00> : vector<1000x128xf32>
    %dot_general3A_84 = tpu.matmul %get3A_1, %get3A_82, %dot_general3A_83 {dimension_numbers = #tpu.dot_dimension_numbers<[1], [0], [0], [1], [0, 0, 1, 1], [], []>, transpose_lhs_hint = false} : vector<1000x128xf32>, vector<128x128xf32>, vector<1000x128xf32> -> vector<1000x128xf32>
    %mul3A_85 = vector.broadcast %slice3A_67 : vector<1000x1xf32> to vector<1000x128xf32>
    %mul3A_86 = arith.mulf %mul3A_85, %dot_general3A_84 : vector<1000x128xf32>
    %add3A_87 = arith.addf %add3A_66, %mul3A_86 : vector<1000x128xf32>
    %slice3A_88 = vector.extract_strided_slice %get3A_4 {offsets = [0, 4], sizes = [1000, 1], strides = [1, 1]} : vector<1000x8xf32> to vector<1000x1xf32>
    %get3A_89 = arith.constant 4 : index
    %get3A_90 = arith.constant 0 : index
    %get3A_91 = arith.constant 0 : index
    %get3A_92 = vector.load %arg3[%get3A_89, %get3A_90, %get3A_91] : memref<8x128x128xf32, #tpu.memory_space<vmem>>, vector<1x128x128xf32>
    %get3A_93 = vector.shape_cast %get3A_92 : vector<1x128x128xf32> to vector<128x128xf32>
    %dot_general3A_94 = arith.constant dense<0.000000e+00> : vector<1000x128xf32>
    %dot_general3A_95 = tpu.matmul %get3A_1, %get3A_93, %dot_general3A_94 {dimension_numbers = #tpu.dot_dimension_numbers<[1], [0], [0], [1], [0, 0, 1, 1], [], []>, transpose_lhs_hint = false} : vector<1000x128xf32>, vector<128x128xf32>, vector<1000x128xf32> -> vector<1000x128xf32>
    %mul3A_96 = vector.broadcast %slice3A_88 : vector<1000x1xf32> to vector<1000x128xf32>
    %mul3A_97 = arith.mulf %mul3A_96, %dot_general3A_95 : vector<1000x128xf32>
    %add3A_98 = arith.addf %add3A_77, %mul3A_97 : vector<1000x128xf32>
    %get3A_99 = arith.constant 4 : index
    %get3A_100 = arith.constant 0 : index
    %get3A_101 = arith.constant 0 : index
    %get3A_102 = vector.load %arg4[%get3A_99, %get3A_100, %get3A_101] : memref<8x128x128xf32, #tpu.memory_space<vmem>>, vector<1x128x128xf32>
    %get3A_103 = vector.shape_cast %get3A_102 : vector<1x128x128xf32> to vector<128x128xf32>
    %dot_general3A_104 = arith.constant dense<0.000000e+00> : vector<1000x128xf32>
    %dot_general3A_105 = tpu.matmul %get3A_1, %get3A_103, %dot_general3A_104 {dimension_numbers = #tpu.dot_dimension_numbers<[1], [0], [0], [1], [0, 0, 1, 1], [], []>, transpose_lhs_hint = false} : vector<1000x128xf32>, vector<128x128xf32>, vector<1000x128xf32> -> vector<1000x128xf32>
    %mul3A_106 = vector.broadcast %slice3A_88 : vector<1000x1xf32> to vector<1000x128xf32>
    %mul3A_107 = arith.mulf %mul3A_106, %dot_general3A_105 : vector<1000x128xf32>
    %add3A_108 = arith.addf %add3A_87, %mul3A_107 : vector<1000x128xf32>
    %slice3A_109 = vector.extract_strided_slice %get3A_4 {offsets = [0, 5], sizes = [1000, 1], strides = [1, 1]} : vector<1000x8xf32> to vector<1000x1xf32>
    %get3A_110 = arith.constant 5 : index
    %get3A_111 = arith.constant 0 : index
    %get3A_112 = arith.constant 0 : index
    %get3A_113 = vector.load %arg3[%get3A_110, %get3A_111, %get3A_112] : memref<8x128x128xf32, #tpu.memory_space<vmem>>, vector<1x128x128xf32>
    %get3A_114 = vector.shape_cast %get3A_113 : vector<1x128x128xf32> to vector<128x128xf32>
    %dot_general3A_115 = arith.constant dense<0.000000e+00> : vector<1000x128xf32>
    %dot_general3A_116 = tpu.matmul %get3A_1, %get3A_114, %dot_general3A_115 {dimension_numbers = #tpu.dot_dimension_numbers<[1], [0], [0], [1], [0, 0, 1, 1], [], []>, transpose_lhs_hint = false} : vector<1000x128xf32>, vector<128x128xf32>, vector<1000x128xf32> -> vector<1000x128xf32>
    %mul3A_117 = vector.broadcast %slice3A_109 : vector<1000x1xf32> to vector<1000x128xf32>
    %mul3A_118 = arith.mulf %mul3A_117, %dot_general3A_116 : vector<1000x128xf32>
    %add3A_119 = arith.addf %add3A_98, %mul3A_118 : vector<1000x128xf32>
    %get3A_120 = arith.constant 5 : index
    %get3A_121 = arith.constant 0 : index
    %get3A_122 = arith.constant 0 : index
    %get3A_123 = vector.load %arg4[%get3A_120, %get3A_121, %get3A_122] : memref<8x128x128xf32, #tpu.memory_space<vmem>>, vector<1x128x128xf32>
    %get3A_124 = vector.shape_cast %get3A_123 : vector<1x128x128xf32> to vector<128x128xf32>
    %dot_general3A_125 = arith.constant dense<0.000000e+00> : vector<1000x128xf32>
    %dot_general3A_126 = tpu.matmul %get3A_1, %get3A_124, %dot_general3A_125 {dimension_numbers = #tpu.dot_dimension_numbers<[1], [0], [0], [1], [0, 0, 1, 1], [], []>, transpose_lhs_hint = false} : vector<1000x128xf32>, vector<128x128xf32>, vector<1000x128xf32> -> vector<1000x128xf32>
    %mul3A_127 = vector.broadcast %slice3A_109 : vector<1000x1xf32> to vector<1000x128xf32>
    %mul3A_128 = arith.mulf %mul3A_127, %dot_general3A_126 : vector<1000x128xf32>
    %add3A_129 = arith.addf %add3A_108, %mul3A_128 : vector<1000x128xf32>
    %slice3A_130 = vector.extract_strided_slice %get3A_4 {offsets = [0, 6], sizes = [1000, 1], strides = [1, 1]} : vector<1000x8xf32> to vector<1000x1xf32>
    %get3A_131 = arith.constant 6 : index
    %get3A_132 = arith.constant 0 : index
    %get3A_133 = arith.constant 0 : index
    %get3A_134 = vector.load %arg3[%get3A_131, %get3A_132, %get3A_133] : memref<8x128x128xf32, #tpu.memory_space<vmem>>, vector<1x128x128xf32>
    %get3A_135 = vector.shape_cast %get3A_134 : vector<1x128x128xf32> to vector<128x128xf32>
    %dot_general3A_136 = arith.constant dense<0.000000e+00> : vector<1000x128xf32>
    %dot_general3A_137 = tpu.matmul %get3A_1, %get3A_135, %dot_general3A_136 {dimension_numbers = #tpu.dot_dimension_numbers<[1], [0], [0], [1], [0, 0, 1, 1], [], []>, transpose_lhs_hint = false} : vector<1000x128xf32>, vector<128x128xf32>, vector<1000x128xf32> -> vector<1000x128xf32>
    %mul3A_138 = vector.broadcast %slice3A_130 : vector<1000x1xf32> to vector<1000x128xf32>
    %mul3A_139 = arith.mulf %mul3A_138, %dot_general3A_137 : vector<1000x128xf32>
    %add3A_140 = arith.addf %add3A_119, %mul3A_139 : vector<1000x128xf32>
    %get3A_141 = arith.constant 6 : index
    %get3A_142 = arith.constant 0 : index
    %get3A_143 = arith.constant 0 : index
    %get3A_144 = vector.load %arg4[%get3A_141, %get3A_142, %get3A_143] : memref<8x128x128xf32, #tpu.memory_space<vmem>>, vector<1x128x128xf32>
    %get3A_145 = vector.shape_cast %get3A_144 : vector<1x128x128xf32> to vector<128x128xf32>
    %dot_general3A_146 = arith.constant dense<0.000000e+00> : vector<1000x128xf32>
    %dot_general3A_147 = tpu.matmul %get3A_1, %get3A_145, %dot_general3A_146 {dimension_numbers = #tpu.dot_dimension_numbers<[1], [0], [0], [1], [0, 0, 1, 1], [], []>, transpose_lhs_hint = false} : vector<1000x128xf32>, vector<128x128xf32>, vector<1000x128xf32> -> vector<1000x128xf32>
    %mul3A_148 = vector.broadcast %slice3A_130 : vector<1000x1xf32> to vector<1000x128xf32>
    %mul3A_149 = arith.mulf %mul3A_148, %dot_general3A_147 : vector<1000x128xf32>
    %add3A_150 = arith.addf %add3A_129, %mul3A_149 : vector<1000x128xf32>
    %slice3A_151 = vector.extract_strided_slice %get3A_4 {offsets = [0, 7], sizes = [1000, 1], strides = [1, 1]} : vector<1000x8xf32> to vector<1000x1xf32>
    %get3A_152 = arith.constant 7 : index
    %get3A_153 = arith.constant 0 : index
    %get3A_154 = arith.constant 0 : index
    %get3A_155 = vector.load %arg3[%get3A_152, %get3A_153, %get3A_154] : memref<8x128x128xf32, #tpu.memory_space<vmem>>, vector<1x128x128xf32>
    %get3A_156 = vector.shape_cast %get3A_155 : vector<1x128x128xf32> to vector<128x128xf32>
    %dot_general3A_157 = arith.constant dense<0.000000e+00> : vector<1000x128xf32>
    %dot_general3A_158 = tpu.matmul %get3A_1, %get3A_156, %dot_general3A_157 {dimension_numbers = #tpu.dot_dimension_numbers<[1], [0], [0], [1], [0, 0, 1, 1], [], []>, transpose_lhs_hint = false} : vector<1000x128xf32>, vector<128x128xf32>, vector<1000x128xf32> -> vector<1000x128xf32>
    %mul3A_159 = vector.broadcast %slice3A_151 : vector<1000x1xf32> to vector<1000x128xf32>
    %mul3A_160 = arith.mulf %mul3A_159, %dot_general3A_158 : vector<1000x128xf32>
    %add3A_161 = arith.addf %add3A_140, %mul3A_160 : vector<1000x128xf32>
    %get3A_162 = arith.constant 7 : index
    %get3A_163 = arith.constant 0 : index
    %get3A_164 = arith.constant 0 : index
    %get3A_165 = vector.load %arg4[%get3A_162, %get3A_163, %get3A_164] : memref<8x128x128xf32, #tpu.memory_space<vmem>>, vector<1x128x128xf32>
    %get3A_166 = vector.shape_cast %get3A_165 : vector<1x128x128xf32> to vector<128x128xf32>
    %dot_general3A_167 = arith.constant dense<0.000000e+00> : vector<1000x128xf32>
    %dot_general3A_168 = tpu.matmul %get3A_1, %get3A_166, %dot_general3A_167 {dimension_numbers = #tpu.dot_dimension_numbers<[1], [0], [0], [1], [0, 0, 1, 1], [], []>, transpose_lhs_hint = false} : vector<1000x128xf32>, vector<128x128xf32>, vector<1000x128xf32> -> vector<1000x128xf32>
    %mul3A_169 = vector.broadcast %slice3A_151 : vector<1000x1xf32> to vector<1000x128xf32>
    %mul3A_170 = arith.mulf %mul3A_169, %dot_general3A_168 : vector<1000x128xf32>
    %add3A_171 = arith.addf %add3A_150, %mul3A_170 : vector<1000x128xf32>
    %mul3A_172 = arith.constant 3.125000e-02 : f32
    %mul3A_173 = vector.broadcast %mul3A_172 : f32 to vector<1000x128xf32>
    %mul3A_174 = arith.mulf %add3A_161, %mul3A_173 : vector<1000x128xf32>
    %swap3A = arith.constant 0 : index
    %swap3A_175 = arith.constant 0 : index
    %swap3A_176 = vector.load %arg5[%swap3A, %swap3A_175] : memref<1000x128xf32, #tpu.memory_space<vmem>>, vector<1000x128xf32>
    tpu.vector_store %arg5[%swap3A, %swap3A_175], %mul3A_174 {strides = array<i32>} : memref<1000x128xf32, #tpu.memory_space<vmem>>, vector<1000x128xf32>,
    %mul3A_177 = arith.constant 3.125000e-02 : f32
    %mul3A_178 = vector.broadcast %mul3A_177 : f32 to vector<1000x128xf32>
    %mul3A_179 = arith.mulf %add3A_171, %mul3A_178 : vector<1000x128xf32>
    %swap3A_180 = arith.constant 0 : index
    %swap3A_181 = arith.constant 0 : index
    %swap3A_182 = vector.load %arg6[%swap3A_180, %swap3A_181] : memref<1000x128xf32, #tpu.memory_space<vmem>>, vector<1000x128xf32>
    tpu.vector_store %arg6[%swap3A_180, %swap3A_181], %mul3A_179 {strides = array<i32>} : memref<1000x128xf32, #tpu.memory_space<vmem>>, vector<1000x128xf32>,
    return
  }
  func.func @transform_0(%arg0: i32) -> (i32, i32) {
    %c0_i32 = arith.constant 0 : i32
    %c0_i32_0 = arith.constant 0 : i32
    return %arg0, %c0_i32 : i32, i32
  }
  func.func @transform_1(%arg0: i32) -> (i32, i32) {
    %c0_i32 = arith.constant 0 : i32
    %c0_i32_0 = arith.constant 0 : i32
    return %arg0, %c0_i32 : i32, i32
  }
  func.func @transform_2(%arg0: i32) -> (i32, i32, i32) {
    %c0_i32 = arith.constant 0 : i32
    %c0_i32_0 = arith.constant 0 : i32
    %c0_i32_1 = arith.constant 0 : i32
    %c0_i32_2 = arith.constant 0 : i32
    return %c0_i32, %c0_i32_0, %c0_i32_1 : i32, i32, i32
  }
  func.func @transform_3(%arg0: i32) -> (i32, i32, i32) {
    %c0_i32 = arith.constant 0 : i32
    %c0_i32_0 = arith.constant 0 : i32
    %c0_i32_1 = arith.constant 0 : i32
    %c0_i32_2 = arith.constant 0 : i32
    return %c0_i32, %c0_i32_0, %c0_i32_1 : i32, i32, i32
  }
  func.func @transform_4(%arg0: i32) -> (i32, i32) {
    %c0_i32 = arith.constant 0 : i32
    %c0_i32_0 = arith.constant 0 : i32
    return %arg0, %c0_i32 : i32, i32
  }
  func.func @transform_5(%arg0: i32) -> (i32, i32) {
    %c0_i32 = arith.constant 0 : i32
    %c0_i32_0 = arith.constant 0 : i32
    return %arg0, %c0_i32 : i32, i32
  }
}

module attributes {stable_mosaic.version = 14 : i64} {
  func.func @_edge_mlp_body(%arg0: i32, %arg1: memref<5120x16xf32, #tpu.memory_space<vmem>>, %arg2: memref<5120x1xf32, #tpu.memory_space<vmem>>, %arg3: memref<16x64xf32, #tpu.memory_space<vmem>>, %arg4: memref<64x128xf32, #tpu.memory_space<vmem>>, %arg5: memref<5120x128xf32, #tpu.memory_space<vmem>>) attributes {dimension_semantics = [#tpu.dimension_semantics<arbitrary>], iteration_bounds = array<i64: 63>, scalar_prefetch = 0 : i64, scratch_operands = 0 : i64, tpu.core_type = #tpu.core_type<tc>, window_params = [{transform_indices = @transform_0, window_bounds = array<i64: 5120, 16>}, {transform_indices = @transform_1, window_bounds = array<i64: 5120, 1>}, {pipeline_mode = #tpu.pipeline_mode<synchronous>, transform_indices = @transform_2, window_bounds = array<i64: 16, 64>}, {pipeline_mode = #tpu.pipeline_mode<synchronous>, transform_indices = @transform_3, window_bounds = array<i64: 64, 128>}, {transform_indices = @transform_4, window_bounds = array<i64: 5120, 128>}]} {
    %get3A = arith.constant 0 : index
    %get3A_0 = arith.constant 0 : index
    %get3A_1 = vector.load %arg1[%get3A, %get3A_0] : memref<5120x16xf32, #tpu.memory_space<vmem>>, vector<5120x16xf32>
    %get3A_2 = arith.constant 0 : index
    %get3A_3 = arith.constant 0 : index
    %get3A_4 = vector.load %arg3[%get3A_2, %get3A_3] : memref<16x64xf32, #tpu.memory_space<vmem>>, vector<16x64xf32>
    %dot_general3A = arith.constant dense<0.000000e+00> : vector<5120x64xf32>
    %dot_general3A_5 = tpu.matmul %get3A_1, %get3A_4, %dot_general3A {dimension_numbers = #tpu.dot_dimension_numbers<[1], [0], [0], [1], [0, 0, 1, 1], [], []>, transpose_lhs_hint = false} : vector<5120x16xf32>, vector<16x64xf32>, vector<5120x64xf32> -> vector<5120x64xf32>
    %mul3A = arith.constant 2.500000e-01 : f32
    %mul3A_6 = vector.broadcast %mul3A : f32 to vector<5120x64xf32>
    %mul3A_7 = arith.mulf %dot_general3A_5, %mul3A_6 : vector<5120x64xf32>
    %logistic3A = arith.negf %mul3A_7 : vector<5120x64xf32>
    %logistic3A_8 = math.exp %logistic3A : vector<5120x64xf32>
    %logistic3A_9 = arith.constant 1.000000e+00 : f32
    %logistic3A_10 = vector.broadcast %logistic3A_9 : f32 to vector<5120x64xf32>
    %logistic3A_11 = arith.addf %logistic3A_10, %logistic3A_8 : vector<5120x64xf32>
    %logistic3A_12 = arith.divf %logistic3A_10, %logistic3A_11 : vector<5120x64xf32>
    %mul3A_13 = arith.mulf %mul3A_7, %logistic3A_12 : vector<5120x64xf32>
    %get3A_14 = arith.constant 0 : index
    %get3A_15 = arith.constant 0 : index
    %get3A_16 = vector.load %arg4[%get3A_14, %get3A_15] : memref<64x128xf32, #tpu.memory_space<vmem>>, vector<64x128xf32>
    %dot_general3A_17 = arith.constant dense<0.000000e+00> : vector<5120x128xf32>
    %dot_general3A_18 = tpu.matmul %mul3A_13, %get3A_16, %dot_general3A_17 {dimension_numbers = #tpu.dot_dimension_numbers<[1], [0], [0], [1], [0, 0, 1, 1], [], []>, transpose_lhs_hint = false} : vector<5120x64xf32>, vector<64x128xf32>, vector<5120x128xf32> -> vector<5120x128xf32>
    %mul3A_19 = arith.constant 5120 : i32
    %mul3A_20 = arith.muli %arg0, %mul3A_19 : i32
    %iota3A = tpu.iota {dimensions = array<i32: 0>} : vector<5120x1xi32>
    %add3A = vector.broadcast %mul3A_20 : i32 to vector<5120x1xi32>
    %add3A_21 = arith.addi %add3A, %iota3A : vector<5120x1xi32>
    %lt3A = arith.constant 320000 : i32
    %lt3A_22 = vector.broadcast %lt3A : i32 to vector<5120x1xi32>
    %lt3A_23 = arith.cmpi slt, %add3A_21, %lt3A_22 : vector<5120x1xi32>
    %mul3A_24 = arith.constant 1.250000e-01 : f32
    %mul3A_25 = vector.broadcast %mul3A_24 : f32 to vector<5120x128xf32>
    %mul3A_26 = arith.mulf %dot_general3A_18, %mul3A_25 : vector<5120x128xf32>
    %get3A_27 = arith.constant 0 : index
    %get3A_28 = arith.constant 0 : index
    %get3A_29 = vector.load %arg2[%get3A_27, %get3A_28] : memref<5120x1xf32, #tpu.memory_space<vmem>>, vector<5120x1xf32>
    %mul3A_30 = vector.broadcast %get3A_29 : vector<5120x1xf32> to vector<5120x128xf32>
    %mul3A_31 = arith.mulf %mul3A_26, %mul3A_30 : vector<5120x128xf32>
    %jit3A = arith.constant 0.000000e+00 : f32
    %broadcast_in_dim3A = vector.shape_cast %lt3A_23 : vector<5120x1xi1> to vector<5120x1xi1>
    %broadcast_in_dim3A_32 = vector.broadcast %broadcast_in_dim3A : vector<5120x1xi1> to vector<5120x128xi1>
    %broadcast_in_dim3A_33 = vector.broadcast %jit3A : f32 to vector<5120x128xf32>
    %select_n3A = arith.select %broadcast_in_dim3A_32, %mul3A_31, %broadcast_in_dim3A_33 : vector<5120x128xi1>, vector<5120x128xf32>
    %swap3A = arith.constant 0 : index
    %swap3A_34 = arith.constant 0 : index
    %swap3A_35 = vector.load %arg5[%swap3A, %swap3A_34] : memref<5120x128xf32, #tpu.memory_space<vmem>>, vector<5120x128xf32>
    tpu.vector_store %arg5[%swap3A, %swap3A_34], %select_n3A {strides = array<i32>} : memref<5120x128xf32, #tpu.memory_space<vmem>>, vector<5120x128xf32>,
    return
  }
  func.func @transform_0(%arg0: i32) -> (i32, i32) {
    %c0_i32 = arith.constant 0 : i32
    %c0_i32_0 = arith.constant 0 : i32
    return %arg0, %c0_i32 : i32, i32
  }
  func.func @transform_1(%arg0: i32) -> (i32, i32) {
    %c0_i32 = arith.constant 0 : i32
    %c0_i32_0 = arith.constant 0 : i32
    return %arg0, %c0_i32 : i32, i32
  }
  func.func @transform_2(%arg0: i32) -> (i32, i32) {
    %c0_i32 = arith.constant 0 : i32
    %c0_i32_0 = arith.constant 0 : i32
    %c0_i32_1 = arith.constant 0 : i32
    return %c0_i32, %c0_i32_0 : i32, i32
  }
  func.func @transform_3(%arg0: i32) -> (i32, i32) {
    %c0_i32 = arith.constant 0 : i32
    %c0_i32_0 = arith.constant 0 : i32
    %c0_i32_1 = arith.constant 0 : i32
    return %c0_i32, %c0_i32_0 : i32, i32
  }
  func.func @transform_4(%arg0: i32) -> (i32, i32) {
    %c0_i32 = arith.constant 0 : i32
    %c0_i32_0 = arith.constant 0 : i32
    return %arg0, %c0_i32 : i32, i32
  }
}

module attributes {stable_mosaic.version = 14 : i64} {
  func.func @_final_body(%arg0: i32, %arg1: memref<2x1000x128xf32, #tpu.memory_space<vmem>>, %arg2: memref<1000x8xf32, #tpu.memory_space<vmem>>, %arg3: memref<1000x128xf32, #tpu.memory_space<vmem>>, %arg4: memref<8x128x128xf32, #tpu.memory_space<vmem>>, %arg5: memref<128x8xf32, #tpu.memory_space<vmem>>, %arg6: memref<1000x128xf32, #tpu.memory_space<vmem>>) attributes {dimension_semantics = [#tpu.dimension_semantics<arbitrary>], iteration_bounds = array<i64: 10>, scalar_prefetch = 0 : i64, scratch_operands = 0 : i64, tpu.core_type = #tpu.core_type<tc>, window_params = [{transform_indices = @transform_0, window_bounds = array<i64: 2, 1000, 128>}, {transform_indices = @transform_1, window_bounds = array<i64: 1000, 8>}, {transform_indices = @transform_2, window_bounds = array<i64: 1000, 128>}, {pipeline_mode = #tpu.pipeline_mode<synchronous>, transform_indices = @transform_3, window_bounds = array<i64: 8, 128, 128>}, {pipeline_mode = #tpu.pipeline_mode<synchronous>, transform_indices = @transform_4, window_bounds = array<i64: 128, 8>}, {transform_indices = @transform_5, window_bounds = array<i64: 1000, 128>}]} {
    %get3A = arith.constant 0 : index
    %get3A_0 = arith.constant 0 : index
    %get3A_1 = arith.constant 0 : index
    %get3A_2 = vector.load %arg1[%get3A, %get3A_0, %get3A_1] : memref<2x1000x128xf32, #tpu.memory_space<vmem>>, vector<1x1000x128xf32>
    %get3A_3 = vector.shape_cast %get3A_2 : vector<1x1000x128xf32> to vector<1000x128xf32>
    %get3A_4 = arith.constant 1 : index
    %get3A_5 = arith.constant 0 : index
    %get3A_6 = arith.constant 0 : index
    %get3A_7 = vector.load %arg1[%get3A_4, %get3A_5, %get3A_6] : memref<2x1000x128xf32, #tpu.memory_space<vmem>>, vector<1x1000x128xf32>
    %get3A_8 = vector.shape_cast %get3A_7 : vector<1x1000x128xf32> to vector<1000x128xf32>
    %add3A = arith.addf %get3A_3, %get3A_8 : vector<1000x128xf32>
    %mul3A = arith.constant 0.176776692 : f32
    %mul3A_9 = vector.broadcast %mul3A : f32 to vector<1000x128xf32>
    %mul3A_10 = arith.mulf %add3A, %mul3A_9 : vector<1000x128xf32>
    %get3A_11 = arith.constant 0 : index
    %get3A_12 = arith.constant 0 : index
    %get3A_13 = vector.load %arg2[%get3A_11, %get3A_12] : memref<1000x8xf32, #tpu.memory_space<vmem>>, vector<1000x8xf32>
    %broadcast_in_dim3A = arith.constant 0.000000e+00 : f32
    %broadcast_in_dim3A_14 = vector.broadcast %broadcast_in_dim3A : f32 to vector<1000x128xf32>
    %slice3A = vector.extract_strided_slice %get3A_13 {offsets = [0, 0], sizes = [1000, 1], strides = [1, 1]} : vector<1000x8xf32> to vector<1000x1xf32>
    %get3A_15 = arith.constant 0 : index
    %get3A_16 = arith.constant 0 : index
    %get3A_17 = arith.constant 0 : index
    %get3A_18 = vector.load %arg4[%get3A_15, %get3A_16, %get3A_17] : memref<8x128x128xf32, #tpu.memory_space<vmem>>, vector<1x128x128xf32>
    %get3A_19 = vector.shape_cast %get3A_18 : vector<1x128x128xf32> to vector<128x128xf32>
    %dot_general3A = arith.constant dense<0.000000e+00> : vector<1000x128xf32>
    %dot_general3A_20 = tpu.matmul %mul3A_10, %get3A_19, %dot_general3A {dimension_numbers = #tpu.dot_dimension_numbers<[1], [0], [0], [1], [0, 0, 1, 1], [], []>, transpose_lhs_hint = false} : vector<1000x128xf32>, vector<128x128xf32>, vector<1000x128xf32> -> vector<1000x128xf32>
    %mul3A_21 = vector.broadcast %slice3A : vector<1000x1xf32> to vector<1000x128xf32>
    %mul3A_22 = arith.mulf %mul3A_21, %dot_general3A_20 : vector<1000x128xf32>
    %add3A_23 = arith.addf %broadcast_in_dim3A_14, %mul3A_22 : vector<1000x128xf32>
    %slice3A_24 = vector.extract_strided_slice %get3A_13 {offsets = [0, 1], sizes = [1000, 1], strides = [1, 1]} : vector<1000x8xf32> to vector<1000x1xf32>
    %get3A_25 = arith.constant 1 : index
    %get3A_26 = arith.constant 0 : index
    %get3A_27 = arith.constant 0 : index
    %get3A_28 = vector.load %arg4[%get3A_25, %get3A_26, %get3A_27] : memref<8x128x128xf32, #tpu.memory_space<vmem>>, vector<1x128x128xf32>
    %get3A_29 = vector.shape_cast %get3A_28 : vector<1x128x128xf32> to vector<128x128xf32>
    %dot_general3A_30 = arith.constant dense<0.000000e+00> : vector<1000x128xf32>
    %dot_general3A_31 = tpu.matmul %mul3A_10, %get3A_29, %dot_general3A_30 {dimension_numbers = #tpu.dot_dimension_numbers<[1], [0], [0], [1], [0, 0, 1, 1], [], []>, transpose_lhs_hint = false} : vector<1000x128xf32>, vector<128x128xf32>, vector<1000x128xf32> -> vector<1000x128xf32>
    %mul3A_32 = vector.broadcast %slice3A_24 : vector<1000x1xf32> to vector<1000x128xf32>
    %mul3A_33 = arith.mulf %mul3A_32, %dot_general3A_31 : vector<1000x128xf32>
    %add3A_34 = arith.addf %add3A_23, %mul3A_33 : vector<1000x128xf32>
    %slice3A_35 = vector.extract_strided_slice %get3A_13 {offsets = [0, 2], sizes = [1000, 1], strides = [1, 1]} : vector<1000x8xf32> to vector<1000x1xf32>
    %get3A_36 = arith.constant 2 : index
    %get3A_37 = arith.constant 0 : index
    %get3A_38 = arith.constant 0 : index
    %get3A_39 = vector.load %arg4[%get3A_36, %get3A_37, %get3A_38] : memref<8x128x128xf32, #tpu.memory_space<vmem>>, vector<1x128x128xf32>
    %get3A_40 = vector.shape_cast %get3A_39 : vector<1x128x128xf32> to vector<128x128xf32>
    %dot_general3A_41 = arith.constant dense<0.000000e+00> : vector<1000x128xf32>
    %dot_general3A_42 = tpu.matmul %mul3A_10, %get3A_40, %dot_general3A_41 {dimension_numbers = #tpu.dot_dimension_numbers<[1], [0], [0], [1], [0, 0, 1, 1], [], []>, transpose_lhs_hint = false} : vector<1000x128xf32>, vector<128x128xf32>, vector<1000x128xf32> -> vector<1000x128xf32>
    %mul3A_43 = vector.broadcast %slice3A_35 : vector<1000x1xf32> to vector<1000x128xf32>
    %mul3A_44 = arith.mulf %mul3A_43, %dot_general3A_42 : vector<1000x128xf32>
    %add3A_45 = arith.addf %add3A_34, %mul3A_44 : vector<1000x128xf32>
    %slice3A_46 = vector.extract_strided_slice %get3A_13 {offsets = [0, 3], sizes = [1000, 1], strides = [1, 1]} : vector<1000x8xf32> to vector<1000x1xf32>
    %get3A_47 = arith.constant 3 : index
    %get3A_48 = arith.constant 0 : index
    %get3A_49 = arith.constant 0 : index
    %get3A_50 = vector.load %arg4[%get3A_47, %get3A_48, %get3A_49] : memref<8x128x128xf32, #tpu.memory_space<vmem>>, vector<1x128x128xf32>
    %get3A_51 = vector.shape_cast %get3A_50 : vector<1x128x128xf32> to vector<128x128xf32>
    %dot_general3A_52 = arith.constant dense<0.000000e+00> : vector<1000x128xf32>
    %dot_general3A_53 = tpu.matmul %mul3A_10, %get3A_51, %dot_general3A_52 {dimension_numbers = #tpu.dot_dimension_numbers<[1], [0], [0], [1], [0, 0, 1, 1], [], []>, transpose_lhs_hint = false} : vector<1000x128xf32>, vector<128x128xf32>, vector<1000x128xf32> -> vector<1000x128xf32>
    %mul3A_54 = vector.broadcast %slice3A_46 : vector<1000x1xf32> to vector<1000x128xf32>
    %mul3A_55 = arith.mulf %mul3A_54, %dot_general3A_53 : vector<1000x128xf32>
    %add3A_56 = arith.addf %add3A_45, %mul3A_55 : vector<1000x128xf32>
    %slice3A_57 = vector.extract_strided_slice %get3A_13 {offsets = [0, 4], sizes = [1000, 1], strides = [1, 1]} : vector<1000x8xf32> to vector<1000x1xf32>
    %get3A_58 = arith.constant 4 : index
    %get3A_59 = arith.constant 0 : index
    %get3A_60 = arith.constant 0 : index
    %get3A_61 = vector.load %arg4[%get3A_58, %get3A_59, %get3A_60] : memref<8x128x128xf32, #tpu.memory_space<vmem>>, vector<1x128x128xf32>
    %get3A_62 = vector.shape_cast %get3A_61 : vector<1x128x128xf32> to vector<128x128xf32>
    %dot_general3A_63 = arith.constant dense<0.000000e+00> : vector<1000x128xf32>
    %dot_general3A_64 = tpu.matmul %mul3A_10, %get3A_62, %dot_general3A_63 {dimension_numbers = #tpu.dot_dimension_numbers<[1], [0], [0], [1], [0, 0, 1, 1], [], []>, transpose_lhs_hint = false} : vector<1000x128xf32>, vector<128x128xf32>, vector<1000x128xf32> -> vector<1000x128xf32>
    %mul3A_65 = vector.broadcast %slice3A_57 : vector<1000x1xf32> to vector<1000x128xf32>
    %mul3A_66 = arith.mulf %mul3A_65, %dot_general3A_64 : vector<1000x128xf32>
    %add3A_67 = arith.addf %add3A_56, %mul3A_66 : vector<1000x128xf32>
    %slice3A_68 = vector.extract_strided_slice %get3A_13 {offsets = [0, 5], sizes = [1000, 1], strides = [1, 1]} : vector<1000x8xf32> to vector<1000x1xf32>
    %get3A_69 = arith.constant 5 : index
    %get3A_70 = arith.constant 0 : index
    %get3A_71 = arith.constant 0 : index
    %get3A_72 = vector.load %arg4[%get3A_69, %get3A_70, %get3A_71] : memref<8x128x128xf32, #tpu.memory_space<vmem>>, vector<1x128x128xf32>
    %get3A_73 = vector.shape_cast %get3A_72 : vector<1x128x128xf32> to vector<128x128xf32>
    %dot_general3A_74 = arith.constant dense<0.000000e+00> : vector<1000x128xf32>
    %dot_general3A_75 = tpu.matmul %mul3A_10, %get3A_73, %dot_general3A_74 {dimension_numbers = #tpu.dot_dimension_numbers<[1], [0], [0], [1], [0, 0, 1, 1], [], []>, transpose_lhs_hint = false} : vector<1000x128xf32>, vector<128x128xf32>, vector<1000x128xf32> -> vector<1000x128xf32>
    %mul3A_76 = vector.broadcast %slice3A_68 : vector<1000x1xf32> to vector<1000x128xf32>
    %mul3A_77 = arith.mulf %mul3A_76, %dot_general3A_75 : vector<1000x128xf32>
    %add3A_78 = arith.addf %add3A_67, %mul3A_77 : vector<1000x128xf32>
    %slice3A_79 = vector.extract_strided_slice %get3A_13 {offsets = [0, 6], sizes = [1000, 1], strides = [1, 1]} : vector<1000x8xf32> to vector<1000x1xf32>
    %get3A_80 = arith.constant 6 : index
    %get3A_81 = arith.constant 0 : index
    %get3A_82 = arith.constant 0 : index
    %get3A_83 = vector.load %arg4[%get3A_80, %get3A_81, %get3A_82] : memref<8x128x128xf32, #tpu.memory_space<vmem>>, vector<1x128x128xf32>
    %get3A_84 = vector.shape_cast %get3A_83 : vector<1x128x128xf32> to vector<128x128xf32>
    %dot_general3A_85 = arith.constant dense<0.000000e+00> : vector<1000x128xf32>
    %dot_general3A_86 = tpu.matmul %mul3A_10, %get3A_84, %dot_general3A_85 {dimension_numbers = #tpu.dot_dimension_numbers<[1], [0], [0], [1], [0, 0, 1, 1], [], []>, transpose_lhs_hint = false} : vector<1000x128xf32>, vector<128x128xf32>, vector<1000x128xf32> -> vector<1000x128xf32>
    %mul3A_87 = vector.broadcast %slice3A_79 : vector<1000x1xf32> to vector<1000x128xf32>
    %mul3A_88 = arith.mulf %mul3A_87, %dot_general3A_86 : vector<1000x128xf32>
    %add3A_89 = arith.addf %add3A_78, %mul3A_88 : vector<1000x128xf32>
    %slice3A_90 = vector.extract_strided_slice %get3A_13 {offsets = [0, 7], sizes = [1000, 1], strides = [1, 1]} : vector<1000x8xf32> to vector<1000x1xf32>
    %get3A_91 = arith.constant 7 : index
    %get3A_92 = arith.constant 0 : index
    %get3A_93 = arith.constant 0 : index
    %get3A_94 = vector.load %arg4[%get3A_91, %get3A_92, %get3A_93] : memref<8x128x128xf32, #tpu.memory_space<vmem>>, vector<1x128x128xf32>
    %get3A_95 = vector.shape_cast %get3A_94 : vector<1x128x128xf32> to vector<128x128xf32>
    %dot_general3A_96 = arith.constant dense<0.000000e+00> : vector<1000x128xf32>
    %dot_general3A_97 = tpu.matmul %mul3A_10, %get3A_95, %dot_general3A_96 {dimension_numbers = #tpu.dot_dimension_numbers<[1], [0], [0], [1], [0, 0, 1, 1], [], []>, transpose_lhs_hint = false} : vector<1000x128xf32>, vector<128x128xf32>, vector<1000x128xf32> -> vector<1000x128xf32>
    %mul3A_98 = vector.broadcast %slice3A_90 : vector<1000x1xf32> to vector<1000x128xf32>
    %mul3A_99 = arith.mulf %mul3A_98, %dot_general3A_97 : vector<1000x128xf32>
    %add3A_100 = arith.addf %add3A_89, %mul3A_99 : vector<1000x128xf32>
    %mul3A_101 = arith.constant 3.125000e-02 : f32
    %mul3A_102 = vector.broadcast %mul3A_101 : f32 to vector<1000x128xf32>
    %mul3A_103 = arith.mulf %add3A_100, %mul3A_102 : vector<1000x128xf32>
    %get3A_104 = arith.constant 0 : index
    %get3A_105 = arith.constant 0 : index
    %get3A_106 = vector.load %arg5[%get3A_104, %get3A_105] : memref<128x8xf32, #tpu.memory_space<vmem>>, vector<128x8xf32>
    %dot_general3A_107 = arith.constant dense<0.000000e+00> : vector<1000x8xf32>
    %dot_general3A_108 = tpu.matmul %mul3A_10, %get3A_106, %dot_general3A_107 {dimension_numbers = #tpu.dot_dimension_numbers<[1], [0], [0], [1], [0, 0, 1, 1], [], []>, transpose_lhs_hint = false} : vector<1000x128xf32>, vector<128x8xf32>, vector<1000x8xf32> -> vector<1000x8xf32>
    %mul3A_109 = arith.mulf %dot_general3A_108, %get3A_13 : vector<1000x8xf32>
    %reduce_sum3A = arith.constant dense<0.000000e+00> : vector<1000xf32>
    %reduce_sum3A_110 = vector.multi_reduction <add>, %mul3A_109, %reduce_sum3A [1] : vector<1000x8xf32> to vector<1000xf32>
    %broadcast_in_dim3A_111 = vector.shape_cast %reduce_sum3A_110 : vector<1000xf32> to vector<1000x1xf32>
    %mul3A_112 = arith.constant 3.125000e-02 : f32
    %mul3A_113 = vector.broadcast %mul3A_112 : f32 to vector<1000x1xf32>
    %mul3A_114 = arith.mulf %broadcast_in_dim3A_111, %mul3A_113 : vector<1000x1xf32>
    %get3A_115 = arith.constant 0 : index
    %get3A_116 = arith.constant 0 : index
    %get3A_117 = vector.load %arg3[%get3A_115, %get3A_116] : memref<1000x128xf32, #tpu.memory_space<vmem>>, vector<1000x128xf32>
    %mul3A_118 = vector.broadcast %mul3A_114 : vector<1000x1xf32> to vector<1000x128xf32>
    %mul3A_119 = arith.mulf %mul3A_118, %mul3A_103 : vector<1000x128xf32>
    %add3A_120 = arith.addf %get3A_117, %mul3A_119 : vector<1000x128xf32>
    %swap3A = arith.constant 0 : index
    %swap3A_121 = arith.constant 0 : index
    %swap3A_122 = vector.load %arg6[%swap3A, %swap3A_121] : memref<1000x128xf32, #tpu.memory_space<vmem>>, vector<1000x128xf32>
    tpu.vector_store %arg6[%swap3A, %swap3A_121], %add3A_120 {strides = array<i32>} : memref<1000x128xf32, #tpu.memory_space<vmem>>, vector<1000x128xf32>,
    return
  }
  func.func @transform_0(%arg0: i32) -> (i32, i32, i32) {
    %c0_i32 = arith.constant 0 : i32
    %c0_i32_0 = arith.constant 0 : i32
    %c0_i32_1 = arith.constant 0 : i32
    return %c0_i32, %arg0, %c0_i32_0 : i32, i32, i32
  }
  func.func @transform_1(%arg0: i32) -> (i32, i32) {
    %c0_i32 = arith.constant 0 : i32
    %c0_i32_0 = arith.constant 0 : i32
    return %arg0, %c0_i32 : i32, i32
  }
  func.func @transform_2(%arg0: i32) -> (i32, i32) {
    %c0_i32 = arith.constant 0 : i32
    %c0_i32_0 = arith.constant 0 : i32
    return %arg0, %c0_i32 : i32, i32
  }
  func.func @transform_3(%arg0: i32) -> (i32, i32, i32) {
    %c0_i32 = arith.constant 0 : i32
    %c0_i32_0 = arith.constant 0 : i32
    %c0_i32_1 = arith.constant 0 : i32
    %c0_i32_2 = arith.constant 0 : i32
    return %c0_i32, %c0_i32_0, %c0_i32_1 : i32, i32, i32
  }
  func.func @transform_4(%arg0: i32) -> (i32, i32) {
    %c0_i32 = arith.constant 0 : i32
    %c0_i32_0 = arith.constant 0 : i32
    %c0_i32_1 = arith.constant 0 : i32
    return %c0_i32, %c0_i32_0 : i32, i32
  }
  func.func @transform_5(%arg0: i32) -> (i32, i32) {
    %c0_i32 = arith.constant 0 : i32
    %c0_i32_0 = arith.constant 0 : i32
    return %arg0, %c0_i32 : i32, i32
  }
}

</mosaic_0001>

<sc_bundles>
// kernel: kernel.6.cloned.1.call-start
scs
__scs_entry_jumppad:
0x0: {  	(pc) =	sbr.rel $0x88, $3  }
0x1: {  	(tag) =	ssettag $0x0;
	lr =	simm.s32 $0x1  }
0x2: {  	[smem:$0x3F96] =	sst lr;
	_ =	strace $0xD0000000  }
0x3: {  	_ = 	snop  }
0x4: {  	_ = 	snop  }
0x5: {  	_ = 	snop  }
0x6: {  	_ = 	snop  }
0x7: {  	_ = 	snop  }
__scs_overlays_trampoline_lowered:
0x8: {  	[smem:$0x3FA5] =	sst s0  }
0x9: {  	[smem:$0x3FA6] =	sst s1  }
0xa: {  	[smem:$0x3FA7] =	sst s2  }
0xb: {  	[smem:$0x3FA8] =	sst s3  }
0xc: {  	[smem:$0x3FA9] =	sst s4  }
0xd: {  	[smem:$0x3FAA] =	sst s5  }
0xe: {  	[smem:$0x3FAB] =	sst s6  }
0xf: {  	[smem:$0x3FAC] =	sst s7  }
0x10: {  	[smem:$0x3FAD] =	sst s8  }
0x11: {  	[smem:$0x3FAE] =	sst s9;
	s0 =	simm.s32 @!p0 $0x0  }
0x12: {  	s1 =	sld [smem:$0x3F94];
	s0 =	simm.s32 @p0 $0x1  }
0x13: {  	[smem:$0x3FAF] =	sst s0;
	s0 =	simm.s32 @!p1 $0x0  }
0x14: {  	s2 =	sld [smem:$0x3F93];
	s0 =	simm.s32 @p1 $0x1  }
0x15: {  	[smem:$0x3FB0] =	sst s0;
	s0 =	simm.s32 @!p2 $0x0  }
0x16: {  	s3 =	sld [smem:$0x3FDB];
	s0 =	simm.s32 @p2 $0x1  }
0x17: {  	s4 =	simm.s32 $0x1BF5;
	[smem:$0x3FB2] =	sst s0  }
0x18: {  	s0 =	sld [smem:$0x3F95];
	_ =	swait.ge [sflag:s4], $0x0  }
0x19: {  	s7 =	sld [smem:$0x3F96]  }
0x1a: {  	s8 =	sadd.s32 $0xFFFFE003, lr  }
0x1b: {  	s9 =	sadd.s32 $0xFFFFFEF7, lr;
	s5 =	simm.s32 $0xFFFFFFFF;
	p2 =	slt.u32 s8, $0xFFFFF086  }
0x1c: {  	p1 =	slt.u32 s9, $0xF7A;
	s5 =	simm.s32 @!p2 $0x0  }
0x1d: {  	s5 =	simm.s32 @p1 $0x1;
	p0 =	seq.s32 s7, s2  }
0x1e: {  	s7 =	smul.u32 @!p0 $0xF7A, s2;
	p2 =	seq.s32 @!p0 s5, $0x0  }
0x1f: {  	s9 =	smul.u32 $0xF7A, s1;
	s8 =	simm.s32 @!p0 $0x1BF5;
	p2 =	por !p2, p0  }
0x20: {  	[sflag:s8] =	ssyncset.s32 @!p0 $0xFFFFF086;
	s6 =	sadd.s32 @!p0 s3, s7;
	s7 =	simm.s32 @!p0 $0x108  }
0x21: {  	s3 =	sadd.s32 s3, s9;
	s6 =	sadd.s32 @!p0 $0x88, s6;
	s7 =	simm.s32 @p2 $0x1082  }
0x22: {  	[simem:s7], [sflag:s8] =	dma.local @!p0 [hbm:s6], $0xF7A  }
0x23: {  	s9 =	sor.u32 $0xD0000000, s2;
	s6 =	simm.s32 $0x108;
	_ =	swait.ge @!p0 [sflag:s8], $0x0  }
0x24: {  	s3 =	sadd.s32 $0x88, s3;
	s6 =	simm.s32 @!p1 $0x1082;
	[sflag:s4] =	ssyncset.s32 $0xFFFFF086  }
0x25: {  	[simem:s6], [sflag:s4] =	dma.local [hbm:s3], $0xF7A  }
0x26: {  	[smem:$0x3F96] =	sst s1;
	(tag) =	ssettag s2;
	_ =	strace s9  }
0x27: {  	s1 =	sld [smem:$0x3FA6]  }
0x28: {  	s2 =	sld [smem:$0x3FA7]  }
0x29: {  	s4 =	sld [smem:$0x3FA9]  }
0x2a: {  	p0 =	seq.s32 s5, $0x0;
	s5 =	sld [smem:$0x3FAA]  }
0x2b: {  	s6 =	sld [smem:$0x3FAB]  }
0x2c: {  	s7 =	sld [smem:$0x3FAC]  }
0x2d: {  	s3 =	simm.s32 $0x108;
	s8 =	sld [smem:$0x3FAD]  }
0x2e: {  	s3 =	simm.s32 @!p0 $0x1082;
	s9 =	sld [smem:$0x3FAE]  }
0x2f: {  	lr =	sadd.s32 s0, s3;
	s0 =	sld [smem:$0x3FA5]  }
0x30: {  	s3 =	sld [smem:$0x3FA8]  }
0x31: {  	[smem:$0x3FB1] =	sst s10  }
0x32: {  	s10 =	sld [smem:$0x3FAF];
	_ =	sdelay $0x3  }
0x33: {  	p0 =	seq.s32 s10, $0x1;
	s10 =	sld [smem:$0x3FB1];
	_ =	sdelay $0x3  }
0x34: {  	[smem:$0x3FB1] =	sst s10  }
0x35: {  	s10 =	sld [smem:$0x3FB0];
	_ =	sdelay $0x3  }
0x36: {  	p1 =	seq.s32 s10, $0x1;
	s10 =	sld [smem:$0x3FB1];
	_ =	sdelay $0x3  }
0x37: {  	[smem:$0x3FB1] =	sst s10  }
0x38: {  	s10 =	sld [smem:$0x3FB2]  }
0x39: {  	_ = 	snop;
	(pc) =	sbr.ind lr, $3  }
0x3a: {  	_ = 	snop  }
0x3b: {  	_ = 	snop  }
0x3c: {  	p2 =	seq.s32 s10, $0x1;
	s10 =	sld [smem:$0x3FB1]  }
0x3d: {  	_ =	shalt  }
0x3e: {  	_ =	shalt  }
0x3f: {  	_ =	shalt  }
0x40: {  	_ =	shalt  }
0x41: {  	_ =	shalt  }
0x42: {  	_ =	shalt  }
0x43: {  	_ =	shalt  }
0x44: {  	_ =	shalt  }
0x45: {  	_ =	shalt  }
0x46: {  	_ =	shalt  }
0x47: {  	_ =	shalt  }
0x48: {  	_ =	shalt  }
0x49: {  	_ =	shalt  }
0x4a: {  	_ =	shalt  }
0x4b: {  	_ =	shalt  }
0x4c: {  	_ =	shalt  }
0x4d: {  	_ =	shalt  }
0x4e: {  	_ =	shalt  }
0x4f: {  	_ =	shalt  }
0x50: {  	_ =	shalt  }
0x51: {  	_ =	shalt  }
0x52: {  	_ =	shalt  }
0x53: {  	_ =	shalt  }
0x54: {  	_ =	shalt  }
0x55: {  	_ =	shalt  }
0x56: {  	_ =	shalt  }
0x57: {  	_ =	shalt  }
0x58: {  	_ =	shalt  }
0x59: {  	_ =	shalt  }
0x5a: {  	_ =	shalt  }
0x5b: {  	_ =	shalt  }
0x5c: {  	_ =	shalt  }
0x5d: {  	_ =	shalt  }
0x5e: {  	_ =	shalt  }
0x5f: {  	_ =	shalt  }
0x60: {  	_ =	shalt  }
0x61: {  	_ =	shalt  }
0x62: {  	_ =	shalt  }
0x63: {  	_ =	shalt  }
0x64: {  	_ =	shalt  }
0x65: {  	_ =	shalt  }
0x66: {  	_ =	shalt  }
0x67: {  	_ =	shalt  }
0x68: {  	_ =	shalt  }
0x69: {  	_ =	shalt  }
0x6a: {  	_ =	shalt  }
0x6b: {  	_ =	shalt  }
0x6c: {  	_ =	shalt  }
0x6d: {  	_ =	shalt  }
0x6e: {  	_ =	shalt  }
0x6f: {  	_ =	shalt  }
0x70: {  	_ =	shalt  }
0x71: {  	_ =	shalt  }
0x72: {  	_ =	shalt  }
0x73: {  	_ =	shalt  }
0x74: {  	_ =	shalt  }
0x75: {  	_ =	shalt  }
0x76: {  	_ =	shalt  }
0x77: {  	_ =	shalt  }
0x78: {  	_ =	shalt  }
0x79: {  	_ =	shalt  }
0x7a: {  	_ =	shalt  }
0x7b: {  	_ =	shalt  }
0x7c: {  	_ =	shalt  }
0x7d: {  	_ =	shalt  }
0x7e: {  	_ =	shalt  }
0x7f: {  	_ =	shalt  }
0x80: {  	_ =	shalt  }
0x81: {  	_ =	shalt  }
0x82: {  	_ =	shalt  }
0x83: {  	_ =	shalt  }
0x84: {  	_ =	shalt  }
0x85: {  	_ =	shalt  }
0x86: {  	_ =	shalt  }
0x87: {  	_ =	shalt  }
.Lfunc_end0:
.L_simem_size_0:
called_computation_lowered:
.L_overlay_start_0:
0x88: {  	s2 =	sld [smem:$0x3FD9]  }
0x89: {  	s3 =	sld [smem:$0x3FFE];
	_ =	sdelay $0x1  }
0x8a: {  	s1 =	srdreg.scid  }
0x8b: {  	s0 =	sand.u32 $0x1, s1  }
0x8c: {  	s16 =	sshll.u32 s0, $0xA;
	s2 =	sadd.s32 s3, s2  }
0x8d: {  	s2 =	sadd.s32 s2, s16  }
0x8e: {  	[smem:$0x3FBD] =	sst s2  }
0x8f: {  	_ = 	snop  }
0x90: {  	(tm) =	ssettm $0x1  }
0x91: {  	s17 =	sld [smem:$0x3FFB];
	_ =	sdelay $0x3  }
0x92: {  	_ =	strace s17  }
0x93: {  	s2 =	sld [smem:$0x3FFC];
	_ =	sdelay $0x3  }
0x94: {  	_ =	strace s2  }
0x95: {  	s2 =	sld [smem:$0x3FFD];
	_ =	sdelay $0x3  }
0x96: {  	_ =	strace s2  }
0x97: {  	_ =	strace $0x8FFFFFFF  }
0x98: {  	s18 =	sld [smem:$0x3FDB];
	_ =	sdelay $0x1  }
0x99: {  	s19 =	simm.s32 $_scs_section_size  }
0x9a: {  	s4 =	simm.s32 $_size__tile_overlayer_lowered;
	s5 =	simm.s32 $_tile_overlayer_lowered  }
0x9b: {  	s22 =	simm.s32 $0x1BFF;
	s21 =	sshll.u32 s5, $0x1;
	s2 =	sadd.s32 s19, s18  }
0x9c: {  	s6 =	simm.s32 $0x0;
	s20 =	sshll.u32 s4, $0x1;
	s4 =	sadd.s32 s21, s2  }
0x9d: {  	[timem:s6], [sflag:s22] =	dma.local [hbm:s4], s20  }
0x9e: {  	_ =	swait.ge [sflag:s22], s20  }
0x9f: {  	s3 =	ssub.s32 $0x0, s20;
	[sflag:s22] =	ssyncset.done $0x0  }
0xa0: {  	[sflag:s22] =	ssyncadd.s32 s3;
	_ =	sdelay $0x1  }
0xa1: {  	s23 =	simm.s32 $0x1B8B  }
0xa2: {  	_ =	swait.ge [sflag:s23], $0x1  }
0xa3: {  	[sflag:s23] =	ssyncset.done $0x0  }
0xa4: {  	s25 =	simm.s32 $0x1B8E;
	s24 =	sld [smem:$0x3FFE];
	[sflag:s23] =	ssyncadd.s32 $0xFFFFFFFF  }
0xa5: {  	s26 =	simm.s32 $execute0_lowered;
	[smem:$0x3FD2] =	sst s25  }
0xa6: {  	s4 =	sshll.u32 s26, $0x1;
	_ =	strace $0x80000046;
	[dreg:$0x1] =	wrdreg $0xFFFFFFFF  }
0xa7: {  	s28 =	simm.s32 $_size_execute0_lowered;
	s2 =	sadd.s32 s2, s4;
	[dreg:$0x0] =	wrdreg $0x0  }
0xa8: {  	s4 =	sshll.u32 s28, $0x1;
	[dreg:$0x2] =	wrdreg s2  }
0xa9: {  	[dreg:$0x3] =	wrdreg s4  }
0xaa: {  	[dreg:$0x4] =	wrdreg $0xC0  }
0xab: {  	_ =	task [dreg:s6], $0x5FFFF  }
0xac: {  	[dreg:$0x1] =	wrdreg $0xFFFFFFFF  }
0xad: {  	[dreg:$0x0] =	wrdreg $0x60  }
0xae: {  	[dreg:$0x2] =	wrdreg s24  }
0xaf: {  	[dreg:$0x3] =	wrdreg $0xA3000  }
0xb0: {  	[dreg:$0x4] =	wrdreg $0x9  }
0xb1: {  	_ =	task.clear_ibuf [dreg:s6], $0x5FFFF;
	_ =	strace $0x90000046  }
0xb2: {  	s29 =	simm.s32 $0x9;
	_ =	strace $0x80000048  }
0xb3: {  	_ =	swait.ge [sflag:s29], $0x1  }
0xb4: {  	[sflag:s29] =	ssyncadd.s32 $0xFFFFFFFF  }
0xb5: {  	_ =	strace $0x90000048  }
0xb6: {  	_ =	sfence  }
0xb7: {  	s30 =	sld [smem:$0x0];
	_ =	sdelay $0x2  }
0xb8: {  	s31 =	sshll.u32 s1, $0xD;
	s1 =	sshrl.u32 s1, $0x2  }
0xb9: {  	s3 =	sand.u32 $0x4000, s31;
	s1 =	sadd.s32 s1, s30  }
0xba: {  	s0 =	sor.u32 s3, s0;
	s1 =	sshll.u32 s1, $0x11  }
0xbb: {  	s0 =	sor.u32 s1, s0  }
0xbc: {  	s0 =	sadd.s32 $0x8F2B, s0  }
0xbd: {  	[sflag:s0] =	ssyncadd.remote.s32 $0x1  }
0xbe: {  	_ =	sfence.sel $0xFFFF  }
0xbf: {  	[dreg:$0x0] =	wrdreg $0xFFFFFFFF;
	(pc) =	sbr.abs _section_cstart, $3  }
0xc0: {  	[dreg:$0x1] =	wrdreg $0xFFFFFFFF  }
0xc1: {  	_ =	task.clear_ibuf [dreg:s6], $0x2FFFF;
	_ =	strace $0x9FFFFFFF  }
0xc2: {  	(tm) =	ssettm $0x7FFFFFFF  }
0xc3: {  	_ =	shalt  }
tec
execute0_lowered:
.L_overlay_start_1:
0x0: {  	(tag) =	ssettag $0x1  }
0x1: {  	s0 =	rddreg [dreg:$0x0];
	s1 =	srdreg.scid  }
0x2: {  	s2 =	rddreg [dreg:$0x1];
	s9 =	stileid.u32;
	s4 =	simm.s32 $0x0  }
0x3: {  	s28 =	simm.s32 $0x50;
	s29 =	simm.s32 $0x5300;
	s30 =	simm.s32 $0x2  }
0x4: {  	s31 =	simm.s32 $0x2B00;
	s1 =	sand.u32 $0x1, s1;
	s5 =	smul.u32 $0x14000, s9  }
0x5: {  	[smem:$0x7FF] =	sst s4;
	s4 =	sadd.s32 $0x9E5C00, s0;
	s7 =	smul.u32 $0x50000, s9  }
0x6: {  	s12 =	simm.s32 $0x3;
	s6 =	sadd.s32 $0x9C6400, s0;
	s3 =	smul.u32 $0x140000, s1  }
0x7: {  	_ =	strace $0x80000047;
	s13 =	ssub.s32 $0x2, s1;
	s1 =	sshll.u32 s1, $0x4  }
0x8: {  	s8 =	sshrl.u32 s13, $0x1;
	s7 =	sshrl.u32 s7, $0x2;
	s1 =	sor.u32 s9, s1  }
0x9: {  	s9 =	simm.s32 $0x6;
	s3 =	sadd.s32 s5, s3;
	s11 =	sadd.s32 s7, s2  }
0xa: {  	s5 =	sadd.s32 $0xA34E00, s0;
	s7 =	sadd.s32 $0x2800, s11;
	[dreg:$0x3] =	wrdreg s11  }
0xb: {  	s10 =	smul.u32 $0x7E00, s1;
	s14 =	sadd.s32 $0x5000, s11;
	[dreg:$0x4] =	wrdreg s7  }
0xc: {  	s17 =	smul.u32 $0x27600, s1;
	s15 =	sadd.s32 $0x7800, s11;
	[dreg:$0x5] =	wrdreg s14  }
0xd: {  	s3 =	sshrl.u32 s3, $0x3;
	s16 =	sadd.s32 $0xA000, s11;
	[dreg:$0x6] =	wrdreg s15  }
0xe: {  	s18 =	sadd.s32 $0xC800, s11;
	s20 =	sadd.s32 $0xF000, s11;
	[dreg:$0x7] =	wrdreg s16  }
0xf: {  	s21 =	sadd.s32 $0x11800, s11;
	s0 =	sadd.s32 s3, s0;
	[dreg:$0x8] =	wrdreg s18  }
0x10: {  	s3 =	ssub.s32 s13, s8;
	s19 =	sshrl.u32 s10, $0x3;
	[dreg:$0x9] =	wrdreg s20  }
0x11: {  	s14 =	smul.u32 $0x7E, s1;
	[dreg:$0xa] =	wrdreg s21;
	s23 =	sadd.s32 s5, s17  }
0x12: {  	s25 =	sadd.s32 $0x700, s10;
	s17 =	simm.s32 $0xA;
	s8 =	simm.s32 $0x4  }
0x13: {  	s13 =	simm.s32 $0x8;
	s15 =	simm.s32 $0x5;
	s16 =	simm.s32 $0x7  }
0x14: {  	s18 =	simm.s32 $0x180;
	s7 =	simm.s32 $0x0;
	[dreg:$0xd] =	wrdreg s23  }
0x15: {  	s22 =	sadd.s32 s6, s19;
	[dreg:$0xf] =	wrdreg s25;
	s0 =	sadd.s32 $0x2400, s0  }
0x16: {  	s26 =	smax.u32 s3, $0x1;
	s19 =	simm.s32 $0x1;
	[dreg:$0xb] =	wrdreg s22  }
0x17: {  	s23 =	simm.s32 $0x280;
	s1 =	sadd.s32 $0x20, s22;
	[dreg:$0x10] =	wrdreg s0  }
0x18: {  	s24 =	sor.u32 $0x1, s14;
	[dreg:$0x11] =	wrdreg s26;
	s26 =	simm.s32 $0x100  }
0x19: {  	s0 =	simm.s32 $0x7B00;
	s22 =	simm.s32 $0x9;
	[dreg:$0xc] =	wrdreg s1  }
0x1a: {  	v0 =	vimm.f32 $0.0e+00;
	[dreg:$0xe] =	wrdreg s24;
	s24 =	simm.s32 $0x300;
	s1 =	simm.s32 $0x200  }
.LBB2_1:
0x1b: {  	[dreg:$0x12] =	wrdreg s7;
	s3 =	simm.s32 $0x0;
	s7 =	simm.s32 $0x200  }
.LBB2_2:
0x1c: {  	p0 =	sne.s32 s7, $0x9E00;
	[tilespmem:s3+$0x370] =	vst v0  }
0x1d: {  	[tilespmem:s3+$0x300] =	vst v0  }
0x1e: {  	[tilespmem:s3+$0x310] =	vst v0  }
.Ltmp0:
0x1f: {  	[tilespmem:s3+$0x320] =	vst v0;
	(pc) =	sbr.rel @p0 .LBB2_2-.Ltmp0, $4  }
0x20: {  	[tilespmem:s3+$0x330] =	vst v0  }
0x21: {  	[tilespmem:s3+$0x340] =	vst v0  }
0x22: {  	[tilespmem:s3+$0x350] =	vst v0  }
0x23: {  	[tilespmem:s3+$0x360] =	vst v0;
	s3 =	sshra.s32 s7, $0x2;
	s7 =	sadd.s32 $0x200, s7  }
0x24: {  	[tilespmem:s3+$0x370] =	vst v0  }
0x25: {  	[tilespmem:s3+$0x300] =	vst v0  }
0x26: {  	[tilespmem:s3+$0x310] =	vst v0  }
0x27: {  	[tilespmem:s3+$0x320] =	vst v0  }
0x28: {  	[tilespmem:s3+$0x330] =	vst v0  }
0x29: {  	[tilespmem:s3+$0x340] =	vst v0  }
0x2a: {  	[tilespmem:s3+$0x350] =	vst v0  }
0x2b: {  	[tilespmem:s3+$0x360] =	vst v0  }
0x2c: {  	[spmem:s11] =	stream.linear.scatter [tilespmem:s24], [sflag:$0xA], $0x2800, $0x38;
	[tilespmem:$0x1E300] =	vst v63  }
0x2d: {  	_ =	swait.ge [sflag:s17], $0x2800  }
0x2e: {  	[sflag:s17] =	ssyncset.done $0x0  }
0x2f: {  	s7 =	rddreg [dreg:$0x4];
	[sflag:s17] =	ssyncadd.s32 $0xFFFFD800  }
0x30: {  	[spmem:s7] =	stream.linear.scatter [tilespmem:s24], [sflag:$0xA], $0x2800, $0x38;
	[tilespmem:$0x1E300] =	vst v63  }
0x31: {  	_ =	swait.ge [sflag:s17], $0x2800  }
0x32: {  	[sflag:s17] =	ssyncset.done $0x0  }
0x33: {  	s11 =	rddreg [dreg:$0x5];
	[sflag:s17] =	ssyncadd.s32 $0xFFFFD800  }
0x34: {  	[spmem:s11] =	stream.linear.scatter [tilespmem:s24], [sflag:$0xA], $0x2800, $0x38;
	[tilespmem:$0x1E300] =	vst v63  }
0x35: {  	_ =	swait.ge [sflag:s17], $0x2800  }
0x36: {  	[sflag:s17] =	ssyncset.done $0x0  }
0x37: {  	s20 =	rddreg [dreg:$0x6];
	[sflag:s17] =	ssyncadd.s32 $0xFFFFD800  }
0x38: {  	[spmem:s20] =	stream.linear.scatter [tilespmem:s24], [sflag:$0xA], $0x2800, $0x38;
	[tilespmem:$0x1E300] =	vst v63  }
0x39: {  	_ =	swait.ge [sflag:s17], $0x2800  }
0x3a: {  	[sflag:s17] =	ssyncset.done $0x0  }
0x3b: {  	s21 =	rddreg [dreg:$0x7];
	[sflag:s17] =	ssyncadd.s32 $0xFFFFD800  }
0x3c: {  	[spmem:s21] =	stream.linear.scatter [tilespmem:s24], [sflag:$0xA], $0x2800, $0x38;
	[tilespmem:$0x1E300] =	vst v63  }
0x3d: {  	_ =	swait.ge [sflag:s17], $0x2800  }
0x3e: {  	[sflag:s17] =	ssyncset.done $0x0  }
0x3f: {  	s25 =	rddreg [dreg:$0x8];
	[sflag:s17] =	ssyncadd.s32 $0xFFFFD800  }
0x40: {  	[spmem:s25] =	stream.linear.scatter [tilespmem:s24], [sflag:$0xA], $0x2800, $0x38;
	[tilespmem:$0x1E300] =	vst v63  }
0x41: {  	_ =	swait.ge [sflag:s17], $0x2800  }
0x42: {  	[sflag:s17] =	ssyncset.done $0x0  }
0x43: {  	s7 =	rddreg [dreg:$0x9];
	[sflag:s17] =	ssyncadd.s32 $0xFFFFD800  }
0x44: {  	[spmem:s7] =	stream.linear.scatter [tilespmem:s24], [sflag:$0xA], $0x2800, $0x38;
	[tilespmem:$0x1E300] =	vst v63  }
0x45: {  	_ =	swait.ge [sflag:s17], $0x2800  }
0x46: {  	[sflag:s17] =	ssyncset.done $0x0  }
0x47: {  	s11 =	rddreg [dreg:$0xa];
	[sflag:s17] =	ssyncadd.s32 $0xFFFFD800  }
0x48: {  	[spmem:s11] =	stream.linear.scatter [tilespmem:s24], [sflag:$0xA], $0x2800, $0x38;
	[tilespmem:$0x1E300] =	vst v63  }
0x49: {  	_ =	swait.ge [sflag:s17], $0x2800  }
0x4a: {  	[sflag:s17] =	ssyncset.done $0x0  }
0x4b: {  	[sflag:s17] =	ssyncadd.s32 $0xFFFFD800  }
0x4c: {  	[bflag:$0x0] =	sbarrier.arrive $0xFFFF  }
0x4d: {  	s7 =	simm.s32 $0x0;
	s20 =	rddreg [dreg:$0xb]  }
0x4e: {  	[tilespmem:s7], [sflag:$0xA] =	stream.linear.gather [hbm4b:s20+s7], $0x100, $0x38;
	[tilespmem:$0x1E300] =	vst v63  }
0x4f: {  	_ =	swait.ge [sflag:s17], $0x100  }
0x50: {  	[sflag:s17] =	ssyncset.done $0x0  }
0x51: {  	s21 =	rddreg [dreg:$0xc];
	[sflag:s17] =	ssyncadd.s32 $0xFFFFFF00  }
0x52: {  	[tilespmem:s26], [sflag:$0x2] =	stream.linear.gather [hbm4b:s21+s7], $0x100, $0x38;
	[tilespmem:$0x1E300] =	vst v63  }
0x53: {  	_ = 	snop  }
0x54: {  	[tilespmem:s24], [sflag:$0x4] =	stream.indirect.gather [hbm4b:s4+s28], $0x80, s7, s28, $0xb8;
	[tilespmem:$0x1E300] =	vst v63  }
0x55: {  	s25 =	rddreg [dreg:$0xd];
	s17 =	simm.s32 $0x0  }
0x56: {  	[tilespmem:s29], [sflag:$0x6] =	stream.linear.gather [hbm4b:s25+s7], $0x2800, $0x38;
	[tilespmem:$0x1E300] =	vst v63  }
.LBB2_4:
0x57: {  	_ =	swait.ge [sflag:s30], $0x100  }
0x58: {  	p0 =	seq.s32 s17, $0x0;
	[sflag:s30] =	ssyncset.done $0x0  }
0x59: {  	s3 =	simm.s32 @!p0 $0x9;
	[sflag:s30] =	ssyncadd.s32 $0xFFFFFF00  }
0x5a: {  	s25 =	smul.u32 $0x6, s17;
	_ =	swait.ge @!p0 [sflag:s3], $0x2800  }
0x5b: {  	s11 =	rddreg [dreg:$0xe]  }
0x5c: {  	[sflag:s3] =	ssyncset.done @!p0 $0x0;
	s20 =	sadd.s32 s25, s11  }
0x5d: {  	[sflag:s3] =	ssyncadd.s32 @!p0 $0xFFFFD800;
	s20 =	smul.u32 $0x500, s20  }
0x5e: {  	[tilespmem:s31], [sflag:$0x5] =	stream.indirect.gather [hbm4b:s4+s28], $0x80, s26, s28, $0xb8;
	[tilespmem:$0x1E300] =	vst v63  }
0x5f: {  	s3 =	sadd.s32 s5, s20  }
0x60: {  	[tilespmem:s0], [sflag:$0x7] =	stream.linear.gather [hbm4b:s3+s7], $0x2800, $0x38;
	[tilespmem:$0x1E300] =	vst v63  }
0x61: {  	s3 =	sadd.s32 $0x2, s25  }
0x62: {  	s21 =	sshll.u32 s3, $0x8  }
0x63: {  	s20 =	sadd.s32 s10, s21  }
0x64: {  	s20 =	sshrl.u32 s20, $0x3  }
0x65: {  	s20 =	sadd.s32 s6, s20  }
0x66: {  	[tilespmem:s1], [sflag:$0x3] =	stream.linear.gather [hbm4b:s20+s7], $0x100, $0x38;
	[tilespmem:$0x1E300] =	vst v63  }
0x67: {  	_ =	swait.ge [sflag:s8], $0x2800  }
0x68: {  	[sflag:s8] =	ssyncset.done $0x0  }
0x69: {  	[sflag:s8] =	ssyncadd.s32 $0xFFFFD800  }
0x6a: {  	_ =	swait.ge [sflag:s9], $0x2800  }
0x6b: {  	[sflag:s9] =	ssyncset.done $0x0  }
0x6c: {  	s20 =	simm.s32 $0x0;
	[sflag:s9] =	ssyncadd.s32 $0xFFFFD800  }
0x6d: {  	v8 =	vld [tilespmem:s20+$0x5300]  }
0x6e: {  	v12 =	vld [tilespmem:s20+$0x5310]  }
0x6f: {  	v6 =	vld [tilespmem:s20+$0x5320]  }
0x70: {  	v5 =	vld [tilespmem:s20+$0x5330]  }
0x71: {  	v4 =	vld [tilespmem:s20+$0x5340]  }
0x72: {  	v3 =	vld [tilespmem:s20+$0x5350]  }
0x73: {  	v2 =	vld [tilespmem:s20+$0x5360]  }
0x74: {  	v1 =	vld [tilespmem:s20+$0x5370]  }
0x75: {  	v13 =	vld [tilespmem:s20+$0x300]  }
0x76: {  	v14 =	vld [tilespmem:s20+$0x310]  }
0x77: {  	v11 =	vld [tilespmem:s20+$0x320]  }
0x78: {  	v10 =	vld [tilespmem:s20+$0x330]  }
0x79: {  	v9 =	vld [tilespmem:s20+$0x340]  }
0x7a: {  	v7 =	vld [tilespmem:s20+$0x350];
	v13 =	vmul.f32 v8, v13  }
0x7b: {  	s21 =	simm.s32 $0x200;
	v12 =	vmul.f32 v12, v14;
	v8 =	vld [tilespmem:s20+$0x360]  }
.LBB2_5:
0x7c: {  	s11 =	sshra.s32 s21, $0x2;
	p0 =	sne.s32 s21, $0x9E00;
	[tilespmem:s20+$0x300] =	vst v13;
	v6 =	vmul.f32 v6, v11;
	v11 =	vld [tilespmem:s20+$0x370]  }
0x7d: {  	v13 =	vld [tilespmem:s11+$0x5300];
	[tilespmem:s20+$0x310] =	vst v12;
	v5 =	vmul.f32 v5, v10  }
0x7e: {  	v12 =	vld [tilespmem:s11+$0x5310];
	[tilespmem:s20+$0x320] =	vst v6;
	v4 =	vmul.f32 v4, v9  }
0x7f: {  	v6 =	vld [tilespmem:s11+$0x5320];
	[tilespmem:s20+$0x330] =	vst v5;
	v3 =	vmul.f32 v3, v7  }
0x80: {  	v5 =	vld [tilespmem:s11+$0x5330];
	[tilespmem:s20+$0x340] =	vst v4;
	v2 =	vmul.f32 v2, v8  }
0x81: {  	v4 =	vld [tilespmem:s11+$0x5340];
	[tilespmem:s20+$0x350] =	vst v3;
	v1 =	vmul.f32 v1, v11  }
0x82: {  	v3 =	vld [tilespmem:s11+$0x5350];
	[tilespmem:s20+$0x360] =	vst v2  }
0x83: {  	v2 =	vld [tilespmem:s11+$0x5360];
	[tilespmem:s20+$0x370] =	vst v1;
	s20 =	smov.u32 s11  }
0x84: {  	v1 =	vld [tilespmem:s20+$0x5370]  }
0x85: {  	v7 =	vld [tilespmem:s20+$0x300]  }
0x86: {  	v8 =	vld [tilespmem:s20+$0x310]  }
.Ltmp1:
0x87: {  	v11 =	vld [tilespmem:s20+$0x320];
	(pc) =	sbr.rel @p0 .LBB2_5-.Ltmp1, $4  }
0x88: {  	v10 =	vld [tilespmem:s20+$0x330]  }
0x89: {  	v9 =	vld [tilespmem:s20+$0x340]  }
0x8a: {  	v13 =	vmul.f32 v13, v7;
	v7 =	vld [tilespmem:s20+$0x350]  }
0x8b: {  	s21 =	sadd.s32 $0x200, s21;
	v12 =	vmul.f32 v12, v8;
	v8 =	vld [tilespmem:s20+$0x360]  }
0x8c: {  	[tilespmem:s20+$0x300] =	vst v13;
	v6 =	vmul.f32 v6, v11;
	v11 =	vld [tilespmem:s20+$0x370]  }
0x8d: {  	[tilespmem:s20+$0x310] =	vst v12;
	v5 =	vmul.f32 v5, v10  }
0x8e: {  	[tilespmem:s20+$0x320] =	vst v6;
	v4 =	vmul.f32 v4, v9  }
0x8f: {  	[tilespmem:s20+$0x330] =	vst v5;
	v3 =	vmul.f32 v3, v7  }
0x90: {  	[tilespmem:s20+$0x340] =	vst v4;
	v2 =	vmul.f32 v2, v8  }
0x91: {  	[tilespmem:s20+$0x350] =	vst v3;
	v1 =	vmul.f32 v1, v11  }
0x92: {  	[tilespmem:s20+$0x360] =	vst v2  }
0x93: {  	s11 =	simm.s32 $0x80;
	[tilespmem:s20+$0x370] =	vst v1  }
0x94: {  	[spmem:s2] =	stream.indirect.scatter.add.f32 [tilespmem:s24], [sflag:$0x8], $0x80, s11, s28, $0xb8;
	[tilespmem:$0x1E300] =	vst v63  }
0x95: {  	_ =	swait.ge [sflag:s12], $0x100  }
0x96: {  	[sflag:s12] =	ssyncset.done $0x0  }
0x97: {  	[sflag:s12] =	ssyncadd.s32 $0xFFFFFF00  }
0x98: {  	_ =	swait.ge [sflag:s13], $0x2800  }
0x99: {  	s3 =	sadd.s32 s14, s3;
	[sflag:s13] =	ssyncset.done $0x0  }
0x9a: {  	s3 =	smul.u32 $0x500, s3;
	[sflag:s13] =	ssyncadd.s32 $0xFFFFD800  }
0x9b: {  	[tilespmem:s24], [sflag:$0x4] =	stream.indirect.gather [hbm4b:s4+s28], $0x80, s1, s28, $0xb8;
	[tilespmem:$0x1E300] =	vst v63  }
0x9c: {  	s3 =	sadd.s32 s5, s3;
	s11 =	simm.s32 $0x0  }
0x9d: {  	[tilespmem:s29], [sflag:$0x6] =	stream.linear.gather [hbm4b:s3+s11], $0x2800, $0x38;
	[tilespmem:$0x1E300] =	vst v63  }
0x9e: {  	s3 =	sadd.s32 $0x3, s25  }
0x9f: {  	s21 =	sshll.u32 s3, $0x8  }
0xa0: {  	s20 =	sadd.s32 s10, s21  }
0xa1: {  	s20 =	sshrl.u32 s20, $0x3  }
0xa2: {  	s20 =	sadd.s32 s6, s20  }
0xa3: {  	[tilespmem:s11], [sflag:$0x1] =	stream.linear.gather [hbm4b:s20+s11], $0x100, $0x38;
	[tilespmem:$0x1E300] =	vst v63  }
0xa4: {  	_ =	swait.ge [sflag:s15], $0x2800  }
0xa5: {  	[sflag:s15] =	ssyncset.done $0x0  }
0xa6: {  	[sflag:s15] =	ssyncadd.s32 $0xFFFFD800  }
0xa7: {  	_ =	swait.ge [sflag:s16], $0x2800  }
0xa8: {  	[sflag:s16] =	ssyncset.done $0x0  }
0xa9: {  	s20 =	simm.s32 $0x0;
	[sflag:s16] =	ssyncadd.s32 $0xFFFFD800  }
0xaa: {  	v8 =	vld [tilespmem:s20+$0x7B00]  }
0xab: {  	v12 =	vld [tilespmem:s20+$0x7B10]  }
0xac: {  	v6 =	vld [tilespmem:s20+$0x7B20]  }
0xad: {  	v5 =	vld [tilespmem:s20+$0x7B30]  }
0xae: {  	v4 =	vld [tilespmem:s20+$0x7B40]  }
0xaf: {  	v3 =	vld [tilespmem:s20+$0x7B50]  }
0xb0: {  	v2 =	vld [tilespmem:s20+$0x7B60]  }
0xb1: {  	v1 =	vld [tilespmem:s20+$0x7B70]  }
0xb2: {  	v13 =	vld [tilespmem:s20+$0x2B00]  }
0xb3: {  	v14 =	vld [tilespmem:s20+$0x2B10]  }
0xb4: {  	v11 =	vld [tilespmem:s20+$0x2B20]  }
0xb5: {  	v10 =	vld [tilespmem:s20+$0x2B30]  }
0xb6: {  	v9 =	vld [tilespmem:s20+$0x2B40]  }
0xb7: {  	v7 =	vld [tilespmem:s20+$0x2B50];
	v13 =	vmul.f32 v8, v13  }
0xb8: {  	s21 =	simm.s32 $0x200;
	v12 =	vmul.f32 v12, v14;
	v8 =	vld [tilespmem:s20+$0x2B60]  }
.LBB2_7:
0xb9: {  	s11 =	sshra.s32 s21, $0x2;
	p0 =	sne.s32 s21, $0x9E00;
	[tilespmem:s20+$0x2B00] =	vst v13;
	v6 =	vmul.f32 v6, v11;
	v11 =	vld [tilespmem:s20+$0x2B70]  }
0xba: {  	v13 =	vld [tilespmem:s11+$0x7B00];
	[tilespmem:s20+$0x2B10] =	vst v12;
	v5 =	vmul.f32 v5, v10  }
0xbb: {  	v12 =	vld [tilespmem:s11+$0x7B10];
	[tilespmem:s20+$0x2B20] =	vst v6;
	v4 =	vmul.f32 v4, v9  }
0xbc: {  	v6 =	vld [tilespmem:s11+$0x7B20];
	[tilespmem:s20+$0x2B30] =	vst v5;
	v3 =	vmul.f32 v3, v7  }
0xbd: {  	v5 =	vld [tilespmem:s11+$0x7B30];
	[tilespmem:s20+$0x2B40] =	vst v4;
	v2 =	vmul.f32 v2, v8  }
0xbe: {  	v4 =	vld [tilespmem:s11+$0x7B40];
	[tilespmem:s20+$0x2B50] =	vst v3;
	v1 =	vmul.f32 v1, v11  }
0xbf: {  	v3 =	vld [tilespmem:s11+$0x7B50];
	[tilespmem:s20+$0x2B60] =	vst v2  }
0xc0: {  	v2 =	vld [tilespmem:s11+$0x7B60];
	[tilespmem:s20+$0x2B70] =	vst v1;
	s20 =	smov.u32 s11  }
0xc1: {  	v1 =	vld [tilespmem:s20+$0x7B70]  }
0xc2: {  	v7 =	vld [tilespmem:s20+$0x2B00]  }
0xc3: {  	v8 =	vld [tilespmem:s20+$0x2B10]  }
.Ltmp2:
0xc4: {  	v11 =	vld [tilespmem:s20+$0x2B20];
	(pc) =	sbr.rel @p0 .LBB2_7-.Ltmp2, $4  }
0xc5: {  	v10 =	vld [tilespmem:s20+$0x2B30]  }
0xc6: {  	v9 =	vld [tilespmem:s20+$0x2B40]  }
0xc7: {  	v13 =	vmul.f32 v13, v7;
	v7 =	vld [tilespmem:s20+$0x2B50]  }
0xc8: {  	s21 =	sadd.s32 $0x200, s21;
	v12 =	vmul.f32 v12, v8;
	v8 =	vld [tilespmem:s20+$0x2B60]  }
0xc9: {  	[tilespmem:s20+$0x2B00] =	vst v13;
	v6 =	vmul.f32 v6, v11;
	v11 =	vld [tilespmem:s20+$0x2B70]  }
0xca: {  	[tilespmem:s20+$0x2B10] =	vst v12;
	v5 =	vmul.f32 v5, v10  }
0xcb: {  	[tilespmem:s20+$0x2B20] =	vst v6;
	v4 =	vmul.f32 v4, v9  }
0xcc: {  	[tilespmem:s20+$0x2B30] =	vst v5;
	v3 =	vmul.f32 v3, v7  }
0xcd: {  	[tilespmem:s20+$0x2B40] =	vst v4;
	v2 =	vmul.f32 v2, v8  }
0xce: {  	[tilespmem:s20+$0x2B50] =	vst v3;
	v1 =	vmul.f32 v1, v11  }
0xcf: {  	[tilespmem:s20+$0x2B60] =	vst v2  }
0xd0: {  	[tilespmem:s20+$0x2B70] =	vst v1  }
0xd1: {  	[spmem:s2] =	stream.indirect.scatter.add.f32 [tilespmem:s31], [sflag:$0x9], $0x80, s18, s28, $0xb8;
	[tilespmem:$0x1E300] =	vst v63  }
0xd2: {  	_ =	swait.ge [sflag:s19], $0x100  }
0xd3: {  	[sflag:s19] =	ssyncset.done $0x0  }
0xd4: {  	[sflag:s19] =	ssyncadd.s32 $0xFFFFFF00  }
0xd5: {  	_ =	swait.ge [sflag:s22], $0x2800  }
0xd6: {  	s3 =	sadd.s32 s14, s3;
	[sflag:s22] =	ssyncset.done $0x0  }
0xd7: {  	s11 =	simm.s32 $0x0;
	s3 =	smul.u32 $0x500, s3;
	[sflag:s22] =	ssyncadd.s32 $0xFFFFD800  }
0xd8: {  	[tilespmem:s31], [sflag:$0x5] =	stream.indirect.gather [hbm4b:s4+s28], $0x80, s11, s28, $0xb8;
	[tilespmem:$0x1E300] =	vst v63  }
0xd9: {  	s3 =	sadd.s32 s5, s3  }
0xda: {  	[tilespmem:s0], [sflag:$0x7] =	stream.linear.gather [hbm4b:s3+s11], $0x2800, $0x38;
	[tilespmem:$0x1E300] =	vst v63  }
0xdb: {  	s3 =	sadd.s32 $0x4, s25  }
0xdc: {  	s21 =	sshll.u32 s3, $0x8  }
0xdd: {  	s20 =	sadd.s32 s10, s21  }
0xde: {  	s20 =	sshrl.u32 s20, $0x3  }
0xdf: {  	s20 =	sadd.s32 s6, s20  }
0xe0: {  	[tilespmem:s26], [sflag:$0x2] =	stream.linear.gather [hbm4b:s20+s11], $0x100, $0x38;
	[tilespmem:$0x1E300] =	vst v63  }
0xe1: {  	_ =	swait.ge [sflag:s8], $0x2800  }
0xe2: {  	[sflag:s8] =	ssyncset.done $0x0  }
0xe3: {  	[sflag:s8] =	ssyncadd.s32 $0xFFFFD800  }
0xe4: {  	_ =	swait.ge [sflag:s9], $0x2800  }
0xe5: {  	[sflag:s9] =	ssyncset.done $0x0  }
0xe6: {  	s20 =	simm.s32 $0x0;
	[sflag:s9] =	ssyncadd.s32 $0xFFFFD800  }
0xe7: {  	v8 =	vld [tilespmem:s20+$0x5300]  }
0xe8: {  	v12 =	vld [tilespmem:s20+$0x5310]  }
0xe9: {  	v6 =	vld [tilespmem:s20+$0x5320]  }
0xea: {  	v5 =	vld [tilespmem:s20+$0x5330]  }
0xeb: {  	v4 =	vld [tilespmem:s20+$0x5340]  }
0xec: {  	v3 =	vld [tilespmem:s20+$0x5350]  }
0xed: {  	v2 =	vld [tilespmem:s20+$0x5360]  }
0xee: {  	v1 =	vld [tilespmem:s20+$0x5370]  }
0xef: {  	v13 =	vld [tilespmem:s20+$0x300]  }
0xf0: {  	v14 =	vld [tilespmem:s20+$0x310]  }
0xf1: {  	v11 =	vld [tilespmem:s20+$0x320]  }
0xf2: {  	v10 =	vld [tilespmem:s20+$0x330]  }
0xf3: {  	v9 =	vld [tilespmem:s20+$0x340]  }
0xf4: {  	v7 =	vld [tilespmem:s20+$0x350];
	v13 =	vmul.f32 v8, v13  }
0xf5: {  	s21 =	simm.s32 $0x200;
	v12 =	vmul.f32 v12, v14;
	v8 =	vld [tilespmem:s20+$0x360]  }
.LBB2_9:
0xf6: {  	s11 =	sshra.s32 s21, $0x2;
	p0 =	sne.s32 s21, $0x9E00;
	[tilespmem:s20+$0x300] =	vst v13;
	v6 =	vmul.f32 v6, v11;
	v11 =	vld [tilespmem:s20+$0x370]  }
0xf7: {  	v13 =	vld [tilespmem:s11+$0x5300];
	[tilespmem:s20+$0x310] =	vst v12;
	v5 =	vmul.f32 v5, v10  }
0xf8: {  	v12 =	vld [tilespmem:s11+$0x5310];
	[tilespmem:s20+$0x320] =	vst v6;
	v4 =	vmul.f32 v4, v9  }
0xf9: {  	v6 =	vld [tilespmem:s11+$0x5320];
	[tilespmem:s20+$0x330] =	vst v5;
	v3 =	vmul.f32 v3, v7  }
0xfa: {  	v5 =	vld [tilespmem:s11+$0x5330];
	[tilespmem:s20+$0x340] =	vst v4;
	v2 =	vmul.f32 v2, v8  }
0xfb: {  	v4 =	vld [tilespmem:s11+$0x5340];
	[tilespmem:s20+$0x350] =	vst v3;
	v1 =	vmul.f32 v1, v11  }
0xfc: {  	v3 =	vld [tilespmem:s11+$0x5350];
	[tilespmem:s20+$0x360] =	vst v2  }
0xfd: {  	v2 =	vld [tilespmem:s11+$0x5360];
	[tilespmem:s20+$0x370] =	vst v1;
	s20 =	smov.u32 s11  }
0xfe: {  	v1 =	vld [tilespmem:s20+$0x5370]  }
0xff: {  	v7 =	vld [tilespmem:s20+$0x300]  }
0x100: {  	v8 =	vld [tilespmem:s20+$0x310]  }
.Ltmp3:
0x101: {  	v11 =	vld [tilespmem:s20+$0x320];
	(pc) =	sbr.rel @p0 .LBB2_9-.Ltmp3, $4  }
0x102: {  	v10 =	vld [tilespmem:s20+$0x330]  }
0x103: {  	v9 =	vld [tilespmem:s20+$0x340]  }
0x104: {  	v13 =	vmul.f32 v13, v7;
	v7 =	vld [tilespmem:s20+$0x350]  }
0x105: {  	s21 =	sadd.s32 $0x200, s21;
	v12 =	vmul.f32 v12, v8;
	v8 =	vld [tilespmem:s20+$0x360]  }
0x106: {  	[tilespmem:s20+$0x300] =	vst v13;
	v6 =	vmul.f32 v6, v11;
	v11 =	vld [tilespmem:s20+$0x370]  }
0x107: {  	[tilespmem:s20+$0x310] =	vst v12;
	v5 =	vmul.f32 v5, v10  }
0x108: {  	[tilespmem:s20+$0x320] =	vst v6;
	v4 =	vmul.f32 v4, v9  }
0x109: {  	[tilespmem:s20+$0x330] =	vst v5;
	v3 =	vmul.f32 v3, v7  }
0x10a: {  	[tilespmem:s20+$0x340] =	vst v4;
	v2 =	vmul.f32 v2, v8  }
0x10b: {  	[tilespmem:s20+$0x350] =	vst v3;
	v1 =	vmul.f32 v1, v11  }
0x10c: {  	[tilespmem:s20+$0x360] =	vst v2  }
0x10d: {  	[tilespmem:s20+$0x370] =	vst v1  }
0x10e: {  	[spmem:s2] =	stream.indirect.scatter.add.f32 [tilespmem:s24], [sflag:$0x8], $0x80, s23, s28, $0xb8;
	[tilespmem:$0x1E300] =	vst v63  }
0x10f: {  	_ =	swait.ge [sflag:s30], $0x100  }
0x110: {  	[sflag:s30] =	ssyncset.done $0x0  }
0x111: {  	[sflag:s30] =	ssyncadd.s32 $0xFFFFFF00  }
0x112: {  	_ =	swait.ge [sflag:s13], $0x2800  }
0x113: {  	s3 =	sadd.s32 s14, s3;
	[sflag:s13] =	ssyncset.done $0x0  }
0x114: {  	s3 =	smul.u32 $0x500, s3;
	[sflag:s13] =	ssyncadd.s32 $0xFFFFD800  }
0x115: {  	[tilespmem:s24], [sflag:$0x4] =	stream.indirect.gather [hbm4b:s4+s28], $0x80, s26, s28, $0xb8;
	[tilespmem:$0x1E300] =	vst v63  }
0x116: {  	s11 =	simm.s32 $0x0;
	s3 =	sadd.s32 s5, s3  }
0x117: {  	[tilespmem:s29], [sflag:$0x6] =	stream.linear.gather [hbm4b:s3+s11], $0x2800, $0x38;
	[tilespmem:$0x1E300] =	vst v63  }
0x118: {  	s3 =	sadd.s32 $0x5, s25  }
0x119: {  	s21 =	sshll.u32 s3, $0x8  }
0x11a: {  	s20 =	sadd.s32 s10, s21  }
0x11b: {  	s20 =	sshrl.u32 s20, $0x3  }
0x11c: {  	s20 =	sadd.s32 s6, s20  }
0x11d: {  	[tilespmem:s1], [sflag:$0x3] =	stream.linear.gather [hbm4b:s20+s11], $0x100, $0x38;
	[tilespmem:$0x1E300] =	vst v63  }
0x11e: {  	_ =	swait.ge [sflag:s15], $0x2800  }
0x11f: {  	[sflag:s15] =	ssyncset.done $0x0  }
0x120: {  	[sflag:s15] =	ssyncadd.s32 $0xFFFFD800  }
0x121: {  	_ =	swait.ge [sflag:s16], $0x2800  }
0x122: {  	[sflag:s16] =	ssyncset.done $0x0  }
0x123: {  	s20 =	simm.s32 $0x0;
	[sflag:s16] =	ssyncadd.s32 $0xFFFFD800  }
0x124: {  	v8 =	vld [tilespmem:s20+$0x7B00]  }
0x125: {  	v12 =	vld [tilespmem:s20+$0x7B10]  }
0x126: {  	v6 =	vld [tilespmem:s20+$0x7B20]  }
0x127: {  	v5 =	vld [tilespmem:s20+$0x7B30]  }
0x128: {  	v4 =	vld [tilespmem:s20+$0x7B40]  }
0x129: {  	v3 =	vld [tilespmem:s20+$0x7B50]  }
0x12a: {  	v2 =	vld [tilespmem:s20+$0x7B60]  }
0x12b: {  	v1 =	vld [tilespmem:s20+$0x7B70]  }
0x12c: {  	v13 =	vld [tilespmem:s20+$0x2B00]  }
0x12d: {  	v14 =	vld [tilespmem:s20+$0x2B10]  }
0x12e: {  	v11 =	vld [tilespmem:s20+$0x2B20]  }
0x12f: {  	v10 =	vld [tilespmem:s20+$0x2B30]  }
0x130: {  	v9 =	vld [tilespmem:s20+$0x2B40]  }
0x131: {  	v7 =	vld [tilespmem:s20+$0x2B50];
	v13 =	vmul.f32 v8, v13  }
0x132: {  	s21 =	simm.s32 $0x200;
	v12 =	vmul.f32 v12, v14;
	v8 =	vld [tilespmem:s20+$0x2B60]  }
.LBB2_11:
0x133: {  	s11 =	sshra.s32 s21, $0x2;
	p0 =	sne.s32 s21, $0x9E00;
	[tilespmem:s20+$0x2B00] =	vst v13;
	v6 =	vmul.f32 v6, v11;
	v11 =	vld [tilespmem:s20+$0x2B70]  }
0x134: {  	v13 =	vld [tilespmem:s11+$0x7B00];
	[tilespmem:s20+$0x2B10] =	vst v12;
	v5 =	vmul.f32 v5, v10  }
0x135: {  	v12 =	vld [tilespmem:s11+$0x7B10];
	[tilespmem:s20+$0x2B20] =	vst v6;
	v4 =	vmul.f32 v4, v9  }
0x136: {  	v6 =	vld [tilespmem:s11+$0x7B20];
	[tilespmem:s20+$0x2B30] =	vst v5;
	v3 =	vmul.f32 v3, v7  }
0x137: {  	v5 =	vld [tilespmem:s11+$0x7B30];
	[tilespmem:s20+$0x2B40] =	vst v4;
	v2 =	vmul.f32 v2, v8  }
0x138: {  	v4 =	vld [tilespmem:s11+$0x7B40];
	[tilespmem:s20+$0x2B50] =	vst v3;
	v1 =	vmul.f32 v1, v11  }
0x139: {  	v3 =	vld [tilespmem:s11+$0x7B50];
	[tilespmem:s20+$0x2B60] =	vst v2  }
0x13a: {  	v2 =	vld [tilespmem:s11+$0x7B60];
	[tilespmem:s20+$0x2B70] =	vst v1;
	s20 =	smov.u32 s11  }
0x13b: {  	v1 =	vld [tilespmem:s20+$0x7B70]  }
0x13c: {  	v7 =	vld [tilespmem:s20+$0x2B00]  }
0x13d: {  	v8 =	vld [tilespmem:s20+$0x2B10]  }
.Ltmp4:
0x13e: {  	v11 =	vld [tilespmem:s20+$0x2B20];
	(pc) =	sbr.rel @p0 .LBB2_11-.Ltmp4, $4  }
0x13f: {  	v10 =	vld [tilespmem:s20+$0x2B30]  }
0x140: {  	v9 =	vld [tilespmem:s20+$0x2B40]  }
0x141: {  	v13 =	vmul.f32 v13, v7;
	v7 =	vld [tilespmem:s20+$0x2B50]  }
0x142: {  	s21 =	sadd.s32 $0x200, s21;
	v12 =	vmul.f32 v12, v8;
	v8 =	vld [tilespmem:s20+$0x2B60]  }
0x143: {  	[tilespmem:s20+$0x2B00] =	vst v13;
	v6 =	vmul.f32 v6, v11;
	v11 =	vld [tilespmem:s20+$0x2B70]  }
0x144: {  	[tilespmem:s20+$0x2B10] =	vst v12;
	v5 =	vmul.f32 v5, v10  }
0x145: {  	[tilespmem:s20+$0x2B20] =	vst v6;
	v4 =	vmul.f32 v4, v9  }
0x146: {  	[tilespmem:s20+$0x2B30] =	vst v5;
	v3 =	vmul.f32 v3, v7  }
0x147: {  	[tilespmem:s20+$0x2B40] =	vst v4;
	v2 =	vmul.f32 v2, v8  }
0x148: {  	[tilespmem:s20+$0x2B50] =	vst v3;
	v1 =	vmul.f32 v1, v11  }
0x149: {  	[tilespmem:s20+$0x2B60] =	vst v2  }
0x14a: {  	s11 =	simm.s32 $0x80;
	[tilespmem:s20+$0x2B70] =	vst v1  }
0x14b: {  	[spmem:s2] =	stream.indirect.scatter.add.f32 [tilespmem:s31], [sflag:$0x9], $0x80, s11, s28, $0xb8;
	[tilespmem:$0x1E300] =	vst v63  }
0x14c: {  	_ =	swait.ge [sflag:s12], $0x100  }
0x14d: {  	[sflag:s12] =	ssyncset.done $0x0  }
0x14e: {  	[sflag:s12] =	ssyncadd.s32 $0xFFFFFF00  }
0x14f: {  	_ =	swait.ge [sflag:s22], $0x2800  }
0x150: {  	s3 =	sadd.s32 s14, s3;
	[sflag:s22] =	ssyncset.done $0x0  }
0x151: {  	s21 =	simm.s32 $0x0;
	s3 =	smul.u32 $0x500, s3;
	[sflag:s22] =	ssyncadd.s32 $0xFFFFD800  }
0x152: {  	[tilespmem:s31], [sflag:$0x5] =	stream.indirect.gather [hbm4b:s4+s28], $0x80, s1, s28, $0xb8;
	[tilespmem:$0x1E300] =	vst v63  }
0x153: {  	s25 =	sadd.s32 $0x6, s25;
	p0 =	seq.s32 s17, $0x14;
	s3 =	sadd.s32 s5, s3  }
0x154: {  	[tilespmem:s0], [sflag:$0x7] =	stream.linear.gather [hbm4b:s3+s21], $0x2800, $0x38;
	[tilespmem:$0x1E300] =	vst v63  }
0x155: {  	s3 =	sshll.u32 @!p0 s25, $0x8  }
0x156: {  	s3 =	sadd.s32 @!p0 s10, s3  }
0x157: {  	s3 =	sshrl.u32 @!p0 s3, $0x3  }
0x158: {  	s11 =	simm.s32 @!p0 $0x0;
	s3 =	sadd.s32 @!p0 s6, s3  }
0x159: {  	[tilespmem:s11], [sflag:$0x1] =	stream.linear.gather @!p0 [hbm4b:s3+s11], $0x100, $0x38;
	[tilespmem:$0x1E300] =	vst v63  }
0x15a: {  	_ =	swait.ge [sflag:s8], $0x2800  }
0x15b: {  	[sflag:s8] =	ssyncset.done $0x0  }
0x15c: {  	[sflag:s8] =	ssyncadd.s32 $0xFFFFD800  }
0x15d: {  	_ =	swait.ge [sflag:s9], $0x2800  }
0x15e: {  	[sflag:s9] =	ssyncset.done $0x0  }
0x15f: {  	s3 =	simm.s32 $0x0;
	[sflag:s9] =	ssyncadd.s32 $0xFFFFD800  }
0x160: {  	v8 =	vld [tilespmem:s3+$0x5300]  }
0x161: {  	v12 =	vld [tilespmem:s3+$0x5310]  }
0x162: {  	v6 =	vld [tilespmem:s3+$0x5320]  }
0x163: {  	v5 =	vld [tilespmem:s3+$0x5330]  }
0x164: {  	v4 =	vld [tilespmem:s3+$0x5340]  }
0x165: {  	v3 =	vld [tilespmem:s3+$0x5350]  }
0x166: {  	v2 =	vld [tilespmem:s3+$0x5360]  }
0x167: {  	v1 =	vld [tilespmem:s3+$0x5370]  }
0x168: {  	v13 =	vld [tilespmem:s3+$0x300]  }
0x169: {  	v14 =	vld [tilespmem:s3+$0x310]  }
0x16a: {  	v11 =	vld [tilespmem:s3+$0x320]  }
0x16b: {  	v10 =	vld [tilespmem:s3+$0x330]  }
0x16c: {  	v9 =	vld [tilespmem:s3+$0x340]  }
0x16d: {  	v7 =	vld [tilespmem:s3+$0x350];
	v13 =	vmul.f32 v8, v13  }
0x16e: {  	s20 =	simm.s32 $0x200;
	v12 =	vmul.f32 v12, v14;
	v8 =	vld [tilespmem:s3+$0x360]  }
.LBB2_13:
0x16f: {  	s11 =	sshra.s32 s20, $0x2;
	p1 =	sne.s32 s20, $0x9E00;
	[tilespmem:s3+$0x300] =	vst v13;
	v6 =	vmul.f32 v6, v11;
	v11 =	vld [tilespmem:s3+$0x370]  }
0x170: {  	v13 =	vld [tilespmem:s11+$0x5300];
	[tilespmem:s3+$0x310] =	vst v12;
	v5 =	vmul.f32 v5, v10  }
0x171: {  	v12 =	vld [tilespmem:s11+$0x5310];
	[tilespmem:s3+$0x320] =	vst v6;
	v4 =	vmul.f32 v4, v9  }
0x172: {  	v6 =	vld [tilespmem:s11+$0x5320];
	[tilespmem:s3+$0x330] =	vst v5;
	v3 =	vmul.f32 v3, v7  }
0x173: {  	v5 =	vld [tilespmem:s11+$0x5330];
	[tilespmem:s3+$0x340] =	vst v4;
	v2 =	vmul.f32 v2, v8  }
0x174: {  	v4 =	vld [tilespmem:s11+$0x5340];
	[tilespmem:s3+$0x350] =	vst v3;
	v1 =	vmul.f32 v1, v11  }
0x175: {  	v3 =	vld [tilespmem:s11+$0x5350];
	[tilespmem:s3+$0x360] =	vst v2  }
0x176: {  	v2 =	vld [tilespmem:s11+$0x5360];
	[tilespmem:s3+$0x370] =	vst v1;
	s3 =	smov.u32 s11  }
0x177: {  	v1 =	vld [tilespmem:s3+$0x5370]  }
0x178: {  	v7 =	vld [tilespmem:s3+$0x300]  }
0x179: {  	v8 =	vld [tilespmem:s3+$0x310]  }
.Ltmp5:
0x17a: {  	v11 =	vld [tilespmem:s3+$0x320];
	(pc) =	sbr.rel @p1 .LBB2_13-.Ltmp5, $4  }
0x17b: {  	v10 =	vld [tilespmem:s3+$0x330]  }
0x17c: {  	v9 =	vld [tilespmem:s3+$0x340]  }
0x17d: {  	v13 =	vmul.f32 v13, v7;
	v7 =	vld [tilespmem:s3+$0x350]  }
0x17e: {  	s20 =	sadd.s32 $0x200, s20;
	v12 =	vmul.f32 v12, v8;
	v8 =	vld [tilespmem:s3+$0x360]  }
0x17f: {  	[tilespmem:s3+$0x300] =	vst v13;
	v6 =	vmul.f32 v6, v11;
	v11 =	vld [tilespmem:s3+$0x370]  }
0x180: {  	[tilespmem:s3+$0x310] =	vst v12;
	v5 =	vmul.f32 v5, v10  }
0x181: {  	[tilespmem:s3+$0x320] =	vst v6;
	v4 =	vmul.f32 v4, v9  }
0x182: {  	[tilespmem:s3+$0x330] =	vst v5;
	v3 =	vmul.f32 v3, v7  }
0x183: {  	[tilespmem:s3+$0x340] =	vst v4;
	v2 =	vmul.f32 v2, v8  }
0x184: {  	[tilespmem:s3+$0x350] =	vst v3;
	v1 =	vmul.f32 v1, v11  }
0x185: {  	[tilespmem:s3+$0x360] =	vst v2  }
0x186: {  	[tilespmem:s3+$0x370] =	vst v1;
	s3 =	simm.s32 @!p0 $0x1  }
0x187: {  	[spmem:s2] =	stream.indirect.scatter.add.f32 [tilespmem:s24], [sflag:$0x8], $0x80, s18, s28, $0xb8;
	[tilespmem:$0x1E300] =	vst v63  }
0x188: {  	_ =	swait.ge @!p0 [sflag:s3], $0x100  }
0x189: {  	[sflag:s3] =	ssyncset.done @!p0 $0x0  }
0x18a: {  	[sflag:s3] =	ssyncadd.s32 @!p0 $0xFFFFFF00;
	s3 =	simm.s32 @!p0 $0x8  }
0x18b: {  	s11 =	sadd.s32 @!p0 s14, s25;
	_ =	swait.ge @!p0 [sflag:s3], $0x2800  }
0x18c: {  	s20 =	simm.s32 @!p0 $0x0;
	s21 =	simm.s32 @!p0 $0x300;
	[sflag:s3] =	ssyncset.done @!p0 $0x0  }
0x18d: {  	s11 =	smul.u32 @!p0 $0x500, s11;
	[sflag:s3] =	ssyncadd.s32 @!p0 $0xFFFFD800;
	s3 =	simm.s32 @!p0 $0x50  }
0x18e: {  	[tilespmem:s21], [sflag:$0x4] =	stream.indirect.gather @!p0 [hbm4b:s4+s3], $0x80, s20, s3, $0xb8;
	[tilespmem:$0x1E300] =	vst v63  }
0x18f: {  	s3 =	sadd.s32 @!p0 s5, s11;
	s11 =	simm.s32 @!p0 $0x5300;
	s21 =	smul.u32 @!p0 $0x600, s17  }
0x190: {  	[tilespmem:s11], [sflag:$0x6] =	stream.linear.gather @!p0 [hbm4b:s3+s20], $0x2800, $0x38;
	[tilespmem:$0x1E300] =	vst v63  }
0x191: {  	s3 =	rddreg [dreg:$0xf]  }
0x192: {  	s3 =	sadd.s32 @!p0 s21, s3  }
0x193: {  	s3 =	sshrl.u32 @!p0 s3, $0x3  }
0x194: {  	s11 =	simm.s32 @!p0 $0x100;
	s3 =	sadd.s32 @!p0 s6, s3  }
0x195: {  	[tilespmem:s11], [sflag:$0x2] =	stream.linear.gather @!p0 [hbm4b:s3+s20], $0x100, $0x38;
	[tilespmem:$0x1E300] =	vst v63  }
0x196: {  	_ =	swait.ge [sflag:s15], $0x2800  }
0x197: {  	[sflag:s15] =	ssyncset.done $0x0  }
0x198: {  	[sflag:s15] =	ssyncadd.s32 $0xFFFFD800  }
0x199: {  	_ =	swait.ge [sflag:s16], $0x2800  }
0x19a: {  	[sflag:s16] =	ssyncset.done $0x0  }
0x19b: {  	s3 =	simm.s32 $0x0;
	[sflag:s16] =	ssyncadd.s32 $0xFFFFD800  }
0x19c: {  	v8 =	vld [tilespmem:s3+$0x7B00]  }
0x19d: {  	v12 =	vld [tilespmem:s3+$0x7B10]  }
0x19e: {  	v6 =	vld [tilespmem:s3+$0x7B20]  }
0x19f: {  	v5 =	vld [tilespmem:s3+$0x7B30]  }
0x1a0: {  	v4 =	vld [tilespmem:s3+$0x7B40]  }
0x1a1: {  	v3 =	vld [tilespmem:s3+$0x7B50]  }
0x1a2: {  	v2 =	vld [tilespmem:s3+$0x7B60]  }
0x1a3: {  	v1 =	vld [tilespmem:s3+$0x7B70]  }
0x1a4: {  	v13 =	vld [tilespmem:s3+$0x2B00]  }
0x1a5: {  	v14 =	vld [tilespmem:s3+$0x2B10]  }
0x1a6: {  	v11 =	vld [tilespmem:s3+$0x2B20]  }
0x1a7: {  	v10 =	vld [tilespmem:s3+$0x2B30]  }
0x1a8: {  	v9 =	vld [tilespmem:s3+$0x2B40]  }
0x1a9: {  	v7 =	vld [tilespmem:s3+$0x2B50];
	v13 =	vmul.f32 v8, v13  }
0x1aa: {  	s20 =	simm.s32 $0x200;
	v12 =	vmul.f32 v12, v14;
	v8 =	vld [tilespmem:s3+$0x2B60]  }
.LBB2_15:
0x1ab: {  	s11 =	sshra.s32 s20, $0x2;
	p0 =	sne.s32 s20, $0x9E00;
	[tilespmem:s3+$0x2B00] =	vst v13;
	v6 =	vmul.f32 v6, v11;
	v11 =	vld [tilespmem:s3+$0x2B70]  }
0x1ac: {  	v13 =	vld [tilespmem:s11+$0x7B00];
	[tilespmem:s3+$0x2B10] =	vst v12;
	v5 =	vmul.f32 v5, v10  }
0x1ad: {  	v12 =	vld [tilespmem:s11+$0x7B10];
	[tilespmem:s3+$0x2B20] =	vst v6;
	v4 =	vmul.f32 v4, v9  }
0x1ae: {  	v6 =	vld [tilespmem:s11+$0x7B20];
	[tilespmem:s3+$0x2B30] =	vst v5;
	v3 =	vmul.f32 v3, v7  }
0x1af: {  	v5 =	vld [tilespmem:s11+$0x7B30];
	[tilespmem:s3+$0x2B40] =	vst v4;
	v2 =	vmul.f32 v2, v8  }
0x1b0: {  	v4 =	vld [tilespmem:s11+$0x7B40];
	[tilespmem:s3+$0x2B50] =	vst v3;
	v1 =	vmul.f32 v1, v11  }
0x1b1: {  	v3 =	vld [tilespmem:s11+$0x7B50];
	[tilespmem:s3+$0x2B60] =	vst v2  }
0x1b2: {  	v2 =	vld [tilespmem:s11+$0x7B60];
	[tilespmem:s3+$0x2B70] =	vst v1;
	s3 =	smov.u32 s11  }
0x1b3: {  	v1 =	vld [tilespmem:s3+$0x7B70]  }
0x1b4: {  	v7 =	vld [tilespmem:s3+$0x2B00]  }
0x1b5: {  	v8 =	vld [tilespmem:s3+$0x2B10]  }
.Ltmp6:
0x1b6: {  	v11 =	vld [tilespmem:s3+$0x2B20];
	(pc) =	sbr.rel @p0 .LBB2_15-.Ltmp6, $4  }
0x1b7: {  	v10 =	vld [tilespmem:s3+$0x2B30]  }
0x1b8: {  	v9 =	vld [tilespmem:s3+$0x2B40]  }
0x1b9: {  	v13 =	vmul.f32 v13, v7;
	v7 =	vld [tilespmem:s3+$0x2B50]  }
0x1ba: {  	s20 =	sadd.s32 $0x200, s20;
	v12 =	vmul.f32 v12, v8;
	v8 =	vld [tilespmem:s3+$0x2B60]  }
0x1bb: {  	[tilespmem:s3+$0x2B00] =	vst v13;
	v6 =	vmul.f32 v6, v11;
	v63 =	vld [tilespmem:s3+$0x2B70]  }
0x1bc: {  	[tilespmem:s3+$0x2B10] =	vst v12;
	v5 =	vmul.f32 v5, v10  }
0x1bd: {  	s17 =	sadd.s32 $0x1, s17;
	[tilespmem:s3+$0x2B20] =	vst v6;
	v4 =	vmul.f32 v4, v9  }
0x1be: {  	p0 =	sne.s32 s17, $0x15;
	[tilespmem:s3+$0x2B30] =	vst v5;
	v3 =	vmul.f32 v3, v7  }
.Ltmp7:
0x1bf: {  	[tilespmem:s3+$0x2B40] =	vst v4;
	v2 =	vmul.f32 v2, v8;
	(pc) =	sbr.rel @p0 .LBB2_4-.Ltmp7, $4  }
0x1c0: {  	[tilespmem:s3+$0x2B50] =	vst v3;
	v1 =	vmul.f32 v1, v63  }
0x1c1: {  	[tilespmem:s3+$0x2B60] =	vst v2  }
0x1c2: {  	[tilespmem:s3+$0x2B70] =	vst v1  }
0x1c3: {  	[spmem:s2] =	stream.indirect.scatter.add.f32 [tilespmem:s31], [sflag:$0x9], $0x80, s23, s28, $0xb8;
	[tilespmem:$0x1E300] =	vst v63  }
0x1c4: {  	_ =	swait.ge [sflag:s13], $0x2800  }
0x1c5: {  	[sflag:s13] =	ssyncset.done $0x0  }
0x1c6: {  	[sflag:s13] =	ssyncadd.s32 $0xFFFFD800  }
0x1c7: {  	_ =	swait.ge [sflag:s22], $0x2800  }
0x1c8: {  	[sflag:s22] =	ssyncset.done $0x0  }
0x1c9: {  	[sflag:s22] =	ssyncadd.s32 $0xFFFFD800  }
0x1ca: {  	s3 =	stileid.u32;
	[bflag:$0x0] =	sbarrier.arrive $0xFFFF  }
0x1cb: {  	s3 =	sshll.u32 s3, $0x6;
	s11 =	rddreg [dreg:$0x3]  }
0x1cc: {  	s3 =	sor.u32 $0x1C0A, s3;
	s17 =	rddreg [dreg:$0x10];
	s7 =	sshrl.u32 s11, $0x3  }
0x1cd: {  	[hbm:s17], [sflag:s3] =	dma.local [spmem:s7], $0x2800  }
0x1ce: {  	s17 =	simm.s32 $0xA  }
0x1cf: {  	_ =	swait.ge [sflag:s17], $0x2800  }
0x1d0: {  	s21 =	rddreg [dreg:$0x12]  }
0x1d1: {  	s25 =	rddreg [dreg:$0x11];
	s7 =	sadd.s32 $0x1, s21  }
0x1d2: {  	p0 =	sne.s32 s7, s25  }
.Ltmp8:
0x1d3: {  	_ = 	snop;
	(pc) =	sbr.rel @p0 .LBB2_1-.Ltmp8, $3  }
0x1d4: {  	_ =	sdelay $0x1  }
0x1d5: {  	[sflag:s17] =	ssyncset.done $0x0  }
0x1d6: {  	[sflag:s17] =	ssyncadd.s32 $0xFFFFD800  }
0x1d7: {  	_ =	sfence.sel $0x180000  }
0x1d8: {  	[bflag:$0x0] =	sbarrier.arrive $0xFFFF  }
0x1d9: {  	_ =	strace $0x90000047  }
0x1da: {  	s0 =	stileid.u32;
	[bflag:$0x2] =	sbarrier.arrive $0xFFFF  }
0x1db: {  	p0 =	sne.s32 s0, $0x0;
	s0 =	rddreg [dreg:$0x2]  }
0x1dc: {  	s0 =	sadd.s32 @!p0 $0x100000, s0  }
0x1dd: {  	[sflag:s0] =	ssyncadd.tile.s32 @!p0 $0x1;
	_ =	shalt  }
.Lfunc_end2:
_tile_overlayer_lowered:
.L_overlay_start_2:
0x1de: {  	(tag) =	ssettag $0x2  }
0x1df: {  	s0 =	rddreg [dreg:$0x0];
	s2 =	stileid.u32  }
0x1e0: {  	s1 =	rddreg [dreg:$0x1];
	p0 =	sne.s32 s2, $0x0  }
0x1e1: {  	s3 =	rddreg [dreg:$0x2];
	[bflag:$0x3] =	sbarrier.arrive $0xFFFF;
	s2 =	simm.s32 @!p0 $0x1C0A  }
0x1e2: {  	[timem:s3], [sflag:s2] =	dma.local @!p0 [hbm:s0], s1  }
0x1e3: {  	s0 =	simm.s32 @!p0 $0xA  }
0x1e4: {  	_ =	swait.ge @!p0 [sflag:s0], s1  }
0x1e5: {  	s1 =	ssub.s32 @!p0 $0x0, s1;
	[sflag:s0] =	ssyncset.done @!p0 $0x0  }
0x1e6: {  	[sflag:s0] =	ssyncadd.s32 @!p0 s1  }
0x1e7: {  	[bflag:$0x3] =	sbarrier.arrive $0xFFFF  }
0x1e8: {  	_ =	shalt  }

</sc_bundles>
